<compile_context>
chip_gen: v7x
topology: tpu7x:2x2x1
jax: 0.10.2.dev20260603
libtpu: 0.0.44.dev20260713+nightly
codegen_flags: <defaults>
</compile_context>

<pallas_src>
import functools

import jax
import jax.numpy as jnp
from jax import lax
from jax.experimental import pallas as pl
from jax.experimental.pallas import tpu as pltpu
from jax.experimental.pallas import tpu_sc as plsc

N = 10000
E = 320000
D_IN = 128
H = 16
C = 32

NC = 2
NS = 16
NW = NC * NS
BG = 125
G = E // (NW * BG)
N_ACC = 10240
RPT = N_ACC // NS

_mesh = plsc.VectorSubcoreMesh(core_axis_name="c", subcore_axis_name="s")
_sc_params = pltpu.CompilerParams(use_tc_tiling_on_sc=False)


@functools.partial(
    pl.kernel,
    out_type=jax.ShapeDtypeStruct((NC, N_ACC), jnp.float32),
    mesh=_mesh,
    compiler_params=_sc_params,
    scratch_types=[
        pltpu.VMEM((G, BG), jnp.int32),
        pltpu.VMEM((RPT,), jnp.float32),
        pltpu.VMEM((128,), jnp.float32),
        pltpu.VMEM_SHARED((N_ACC,), jnp.float32),
        pltpu.SemaphoreType.DMA,
    ],
)
def _deg_kernel(col_hbm, out_hbm, col_v, zbuf, ones_v, acc, sem):
    c = lax.axis_index("c")
    s = lax.axis_index("s")
    wid = c * NS + s

    def zi(i, _):
        zbuf[pl.ds(i * 16, 16)] = jnp.zeros((16,), jnp.float32)
        return 0

    lax.fori_loop(0, RPT // 16, zi, 0)
    for t in range(8):
        ones_v[pl.ds(t * 16, 16)] = jnp.ones((16,), jnp.float32)
    pltpu.sync_copy(zbuf, acc.at[pl.ds(s * RPT, RPT)])
    pltpu.sync_copy(col_hbm.at[wid], col_v)
    plsc.subcore_barrier()

    def body(j, _):
        pltpu.async_copy(ones_v.at[pl.ds(0, BG)], acc.at[col_v.at[j]], sem,
                         add=True)
        return 0

    lax.fori_loop(0, G, body, 0)

    def drain(j, _):
        pltpu.make_async_copy(ones_v.at[pl.ds(0, BG)], acc.at[col_v.at[j]],
                              sem).wait()
        return 0

    lax.fori_loop(0, G, drain, 0)
    plsc.subcore_barrier()
    pltpu.sync_copy(acc.at[pl.ds(s * RPT, RPT)],
                    out_hbm.at[c, pl.ds(s * RPT, RPT)])


def _make_agg(D):
    @functools.partial(
        pl.kernel,
        out_type=jax.ShapeDtypeStruct((NC, N_ACC, D), jnp.float32),
        mesh=_mesh,
        compiler_params=_sc_params,
        scratch_types=[
            pltpu.VMEM((G, BG), jnp.int32),
            pltpu.VMEM((G, BG), jnp.int32),
            pltpu.VMEM((4, BG, D), jnp.float32),
            pltpu.VMEM((RPT, D), jnp.float32),
            pltpu.VMEM_SHARED((N_ACC, D), jnp.float32),
            pltpu.SemaphoreType.DMA((4,)),
            pltpu.SemaphoreType.DMA((4,)),
        ],
    )
    def agg(g_hbm, row_hbm, col_hbm, out_hbm, row_v, col_v, ring, zbuf, acc,
            gsem, ssem):
        c = lax.axis_index("c")
        s = lax.axis_index("s")
        wid = c * NS + s

        def zrow(i, _):
            for t in range(D // 16):
                zbuf[i, pl.ds(t * 16, 16)] = jnp.zeros((16,), jnp.float32)
            return 0

        lax.fori_loop(0, RPT, zrow, 0)
        pltpu.sync_copy(zbuf, acc.at[pl.ds(s * RPT, RPT)])
        pltpu.sync_copy(row_hbm.at[wid], row_v)
        pltpu.sync_copy(col_hbm.at[wid], col_v)
        plsc.subcore_barrier()

        for b in range(2):
            pltpu.async_copy(g_hbm.at[row_v.at[b]], ring.at[b], gsem.at[b])

        def step(t, _):
            for b in range(4):
                j = t * 4 + b
                pltpu.make_async_copy(g_hbm.at[row_v.at[j]], ring.at[b],
                                      gsem.at[b]).wait()
                pltpu.async_copy(ring.at[b], acc.at[col_v.at[j]], ssem.at[b],
                                 add=True)
                nxt = j + 2
                bn = (b + 2) % 4

                @pl.when(nxt < G)
                def _():
                    @pl.when(nxt >= 4)
                    def _():
                        pltpu.make_async_copy(
                            ring.at[bn], acc.at[col_v.at[nxt - 4]],
                            ssem.at[bn]).wait()

                    pltpu.async_copy(g_hbm.at[row_v.at[nxt]], ring.at[bn],
                                     gsem.at[bn])
            return 0

        lax.fori_loop(0, G // 4, step, 0)
        for b in range(4):
            j = G - 4 + b
            pltpu.make_async_copy(ring.at[b], acc.at[col_v.at[j]],
                                  ssem.at[b]).wait()
        plsc.subcore_barrier()
        pltpu.sync_copy(acc.at[pl.ds(s * RPT, RPT)],
                        out_hbm.at[c, pl.ds(s * RPT, RPT), :])

    return agg


_agg_h = _make_agg(H)
_agg_c = _make_agg(C)


def _tc1_body(deg_ref, x_ref, w1_ref, dinv_ref, g1_ref):
    deg = deg_ref[0] + deg_ref[1] + 1.0
    dinv = lax.rsqrt(deg)
    dinv_ref[...] = dinv
    h = jnp.dot(x_ref[...], w1_ref[...], preferred_element_type=jnp.float32)
    g1_ref[...] = h * dinv


def _tc2_body(acc_ref, g1_ref, dinv_ref, b1_ref, w2_ref, g2_ref):
    dinv = dinv_ref[...]
    pre = (acc_ref[0] + acc_ref[1] + g1_ref[...]) * dinv + b1_ref[...]
    a = jnp.maximum(pre, 0.0)
    h2 = jnp.dot(a, w2_ref[...], preferred_element_type=jnp.float32)
    g2_ref[...] = h2 * dinv


def _tc3_body(acc_ref, g2_ref, dinv_ref, b2_ref, out_ref):
    o = (acc_ref[0] + acc_ref[1] + g2_ref[...]) * dinv_ref[...] + b2_ref[...]
    m = jnp.max(o, axis=1, keepdims=True)
    lse = jnp.log(jnp.sum(jnp.exp(o - m), axis=1, keepdims=True)) + m
    out_ref[...] = o - lse


_tc1 = pl.pallas_call(
    _tc1_body,
    out_shape=(jax.ShapeDtypeStruct((N_ACC, 1), jnp.float32),
               jax.ShapeDtypeStruct((N_ACC, H), jnp.float32)))
_tc2 = pl.pallas_call(
    _tc2_body,
    out_shape=jax.ShapeDtypeStruct((N_ACC, C), jnp.float32))
_tc3 = pl.pallas_call(
    _tc3_body,
    out_shape=jax.ShapeDtypeStruct((N_ACC, C), jnp.float32))


def kernel(x, edge_index, W1, b1, W2, b2):
    ei = edge_index.astype(jnp.int32)
    row = ei[0].reshape(NW, G, BG)
    col = ei[1].reshape(NW, G, BG)
    xp = jnp.pad(x, ((0, N_ACC - N), (0, 0)))

    deg = _deg_kernel(col)
    dinv, g1 = _tc1(deg.reshape(NC, N_ACC, 1), xp, W1)
    acc1 = _agg_h(g1, row, col)
    g2 = _tc2(acc1, g1, dinv, b1.reshape(1, H), W2)
    acc2 = _agg_c(g2, row, col)
    out = _tc3(acc2, g2, dinv, b2.reshape(1, C))
    return out[:N]

# --- scband reference (transcript-rebuilt; emitter-appended) ---
"""Pipeline reference for scband-net-57269093925445 (READ-ONLY COPY).

The authoritative reference and input builder live on the scoring server;
editing this copy changes nothing except your own understanding.
"""

import jax, jax.numpy as jnp
import numpy as np

N = 10000
E = 320000
D_IN = 128
H = 16
C = 32

def setup_inputs(seed: int = 0):
    key = jax.random.key(seed)
    k1, k2, k3, k4 = jax.random.split(key, 4)
    x = jax.random.normal(k1, (N, D_IN), dtype=jnp.float32)
    edge_index = jax.random.randint(k2, (2, E), 0, N).astype(jnp.int64)
    W1 = jax.random.normal(k3, (D_IN, H), dtype=jnp.float32) * (1.0 / np.sqrt(D_IN))
    b1 = jnp.zeros((H,), dtype=jnp.float32)
    W2 = jax.random.normal(k4, (H, C), dtype=jnp.float32) * (1.0 / np.sqrt(H))
    b2 = jnp.zeros((C,), dtype=jnp.float32)
    return {"x": x, "edge_index": edge_index, "W1": W1, "b1": b1, "W2": W2, "b2": b2}

def gcn_conv(x, edge_index, W, b, num_nodes):
    # GCNConv: add self-loops, symmetric normalization, scatter-add aggregation
    h = x @ W
    loop = jnp.arange(num_nodes, dtype=edge_index.dtype)
    row = jnp.concatenate([edge_index[0], loop])
    col = jnp.concatenate([edge_index[1], loop])
    deg = jax.ops.segment_sum(jnp.ones_like(col, dtype=h.dtype), col, num_segments=num_nodes)
    deg_inv_sqrt = jnp.where(deg > 0, deg ** -0.5, 0.0)
    norm = deg_inv_sqrt[row] * deg_inv_sqrt[col]
    msg = h[row] * norm[:, None]
    out = jax.ops.segment_sum(msg, col, num_segments=num_nodes)
    return out + b

def reference(x, edge_index, W1, b1, W2, b2):
    h = gcn_conv(x, edge_index, W1, b1, N)
    h = jax.nn.relu(h)
    # dropout is identity in eval mode (training=False)
    out = gcn_conv(h, edge_index, W2, b2, N)
    return jax.nn.log_softmax(out, axis=1)

if __name__ == "__main__":
    import jax
    _d = setup_inputs()
    print(jax.jit(kernel)(*tuple(_d.values())))

</pallas_src>

<mosaic_0001>
#map = affine_map<(d0, d1) -> (0, 0)>
#map1 = affine_map<(d0, d1) -> (0, 0, 0)>
module attributes {stable_mosaic.version = 14 : i64} {
  func.func @agg(%arg0: i32, %arg1: i32, %arg2: memref<10240x32xf32, #tpu.memory_space<hbm>>, %arg3: memref<32x80x125xi32, #tpu.memory_space<hbm>>, %arg4: memref<32x80x125xi32, #tpu.memory_space<hbm>>, %arg5: memref<2x10240x32xf32, #tpu.memory_space<hbm>>, %arg6: memref<80x125xi32, #tpu.memory_space<vmem>>, %arg7: memref<80x125xi32, #tpu.memory_space<vmem>>, %arg8: memref<4x125x32xf32, #tpu.memory_space<vmem>>, %arg9: memref<640x32xf32, #tpu.memory_space<vmem>>, %arg10: memref<10240x32xf32, #tpu.memory_space<vmem_shared>>, %arg11: memref<4x!tpu.dma_semaphore, #tpu.memory_space<semaphore_mem>>, %arg12: memref<4x!tpu.dma_semaphore, #tpu.memory_space<semaphore_mem>>) attributes {dimension_semantics = [#tpu.dimension_semantics<core_parallel>, #tpu.dimension_semantics<subcore_parallel>], iteration_bounds = array<i64: 2, 16>, scalar_prefetch = 0 : i64, scratch_operands = 7 : i64, tpu.core_type = #tpu.core_type<sc_vector_subcore>, window_params = [{transform_indices = #map}, {transform_indices = #map1}, {transform_indices = #map1}, {transform_indices = #map1}]} {
    %mul3A = arith.constant 16 : i32
    %mul3A_0 = arith.muli %arg0, %mul3A : i32
    %add3A = arith.addi %mul3A_0, %arg1 : i32
    %scan3A = arith.constant 0 : i32
    %scan3A_1 = arith.constant 0 : i32
    %scan3A_2 = arith.constant 640 : i32
    %scan3A_3 = arith.addi %scan3A_1, %scan3A_2 : i32
    %scan3A_4 = arith.constant 1 : i32
    %scan3A_5 = scf.for %scan3A_109 = %scan3A_1 to %scan3A_3 step %scan3A_4 iter_args(%scan3A_110 = %scan3A) -> (i32)  : i32 {
      %broadcast_in_dim3A = arith.constant 0.000000e+00 : f32
      %broadcast_in_dim3A_111 = vector.broadcast %broadcast_in_dim3A : f32 to vector<16xf32>
      %swap3A = arith.index_cast %scan3A_109 : i32 to index
      %swap3A_112 = arith.constant 0 : index
      %swap3A_113 = tpu.vector_load %arg9[%swap3A, %swap3A_112] {strides = array<i32>} : memref<640x32xf32, #tpu.memory_space<vmem>>, vector<1x16xf32>,
      %swap3A_114 = vector.shape_cast %swap3A_113 : vector<1x16xf32> to vector<16xf32>
      %swap3A_115 = vector.shape_cast %broadcast_in_dim3A_111 : vector<16xf32> to vector<1x16xf32>
      tpu.vector_store %arg9[%swap3A, %swap3A_112], %swap3A_115 {strides = array<i32>} : memref<640x32xf32, #tpu.memory_space<vmem>>, vector<1x16xf32>,
      %broadcast_in_dim3A_116 = arith.constant 0.000000e+00 : f32
      %broadcast_in_dim3A_117 = vector.broadcast %broadcast_in_dim3A_116 : f32 to vector<16xf32>
      %swap3A_118 = arith.index_cast %scan3A_109 : i32 to index
      %swap3A_119 = arith.constant 16 : index
      %swap3A_120 = tpu.vector_load %arg9[%swap3A_118, %swap3A_119] {strides = array<i32>} : memref<640x32xf32, #tpu.memory_space<vmem>>, vector<1x16xf32>,
      %swap3A_121 = vector.shape_cast %swap3A_120 : vector<1x16xf32> to vector<16xf32>
      %swap3A_122 = vector.shape_cast %broadcast_in_dim3A_117 : vector<16xf32> to vector<1x16xf32>
      tpu.vector_store %arg9[%swap3A_118, %swap3A_119], %swap3A_122 {strides = array<i32>} : memref<640x32xf32, #tpu.memory_space<vmem>>, vector<1x16xf32>,
      %scan3A_123 = arith.constant 0 : i32
      scf.yield %scan3A_123 : i32
    }
    %scan3A_6 = arith.constant 640 : i32
    %mul3A_7 = arith.constant 640 : i32
    %mul3A_8 = arith.muli %arg1, %mul3A_7 : i32
    "tpu.region"() ({
      %run_scoped3A = tpu.sem_alloc : memref<!tpu.dma_semaphore, #tpu.memory_space<semaphore_mem>>
      %dma_start3A_109 = arith.constant 0 : i32
      %dma_start3A_110 = tpu.memref_slice %arg10[%mul3A_8, %dma_start3A_109] : memref<10240x32xf32, #tpu.memory_space<vmem_shared>> -> memref<640x32xf32, #tpu.memory_space<vmem_shared>>
      %dma_start3A_111 = arith.constant 0 : i32
      %dma_start3A_112 = tpu.memref_slice %arg10[%mul3A_8, %dma_start3A_111] : memref<10240x32xf32, #tpu.memory_space<vmem_shared>> -> memref<640x32xf32, #tpu.memory_space<vmem_shared>>
      tpu.enqueue_dma source(%arg9 : memref<640x32xf32, #tpu.memory_space<vmem>>) target(%dma_start3A_112 : memref<640x32xf32, #tpu.memory_space<vmem_shared>>) target_semaphore(%run_scoped3A : memref<!tpu.dma_semaphore, #tpu.memory_space<semaphore_mem>>)
      %dma_wait3A_113 = arith.constant 0 : i32
      %dma_wait3A_114 = tpu.memref_slice %arg10[%mul3A_8, %dma_wait3A_113] : memref<10240x32xf32, #tpu.memory_space<vmem_shared>> -> memref<640x32xf32, #tpu.memory_space<vmem_shared>>
      %dma_wait3A_115 = arith.constant 0 : i32
      %dma_wait3A_116 = tpu.memref_slice %arg10[%mul3A_8, %dma_wait3A_115] : memref<10240x32xf32, #tpu.memory_space<vmem_shared>> -> memref<640x32xf32, #tpu.memory_space<vmem_shared>>
      tpu.wait_dma2 semaphore(%run_scoped3A : memref<!tpu.dma_semaphore, #tpu.memory_space<semaphore_mem>>) src(%arg9 : memref<640x32xf32, #tpu.memory_space<vmem>>) dst(%dma_wait3A_116 : memref<640x32xf32, #tpu.memory_space<vmem_shared>>)
      tpu.yield
    }) : () -> ()
    "tpu.region"() ({
      %run_scoped3A = tpu.sem_alloc : memref<!tpu.dma_semaphore, #tpu.memory_space<semaphore_mem>>
      %dma_start3A_109 = arith.constant 0 : i32
      %dma_start3A_110 = arith.constant 0 : i32
      %dma_start3A_111 = tpu.memref_slice %arg3[%add3A, %dma_start3A_109, %dma_start3A_110] : memref<32x80x125xi32, #tpu.memory_space<hbm>> -> memref<1x80x125xi32, #tpu.memory_space<hbm>>
      %dma_start3A_112 = tpu.memref_squeeze %dma_start3A_111 : memref<1x80x125xi32, #tpu.memory_space<hbm>> -> memref<80x125xi32, #tpu.memory_space<hbm>>
      %dma_start3A_113 = arith.constant 0 : i32
      %dma_start3A_114 = arith.constant 0 : i32
      %dma_start3A_115 = tpu.memref_slice %arg3[%add3A, %dma_start3A_113, %dma_start3A_114] : memref<32x80x125xi32, #tpu.memory_space<hbm>> -> memref<1x80x125xi32, #tpu.memory_space<hbm>>
      %dma_start3A_116 = tpu.memref_squeeze %dma_start3A_115 : memref<1x80x125xi32, #tpu.memory_space<hbm>> -> memref<80x125xi32, #tpu.memory_space<hbm>>
      tpu.enqueue_dma source(%dma_start3A_116 : memref<80x125xi32, #tpu.memory_space<hbm>>) target(%arg6 : memref<80x125xi32, #tpu.memory_space<vmem>>) target_semaphore(%run_scoped3A : memref<!tpu.dma_semaphore, #tpu.memory_space<semaphore_mem>>)
      %dma_wait3A_117 = arith.constant 0 : i32
      %dma_wait3A_118 = arith.constant 0 : i32
      %dma_wait3A_119 = tpu.memref_slice %arg3[%add3A, %dma_wait3A_117, %dma_wait3A_118] : memref<32x80x125xi32, #tpu.memory_space<hbm>> -> memref<1x80x125xi32, #tpu.memory_space<hbm>>
      %dma_wait3A_120 = tpu.memref_squeeze %dma_wait3A_119 : memref<1x80x125xi32, #tpu.memory_space<hbm>> -> memref<80x125xi32, #tpu.memory_space<hbm>>
      %dma_wait3A_121 = arith.constant 0 : i32
      %dma_wait3A_122 = arith.constant 0 : i32
      %dma_wait3A_123 = tpu.memref_slice %arg3[%add3A, %dma_wait3A_121, %dma_wait3A_122] : memref<32x80x125xi32, #tpu.memory_space<hbm>> -> memref<1x80x125xi32, #tpu.memory_space<hbm>>
      %dma_wait3A_124 = tpu.memref_squeeze %dma_wait3A_123 : memref<1x80x125xi32, #tpu.memory_space<hbm>> -> memref<80x125xi32, #tpu.memory_space<hbm>>
      tpu.wait_dma2 semaphore(%run_scoped3A : memref<!tpu.dma_semaphore, #tpu.memory_space<semaphore_mem>>) src(%dma_wait3A_124 : memref<80x125xi32, #tpu.memory_space<hbm>>) dst(%arg6 : memref<80x125xi32, #tpu.memory_space<vmem>>)
      tpu.yield
    }) : () -> ()
    "tpu.region"() ({
      %run_scoped3A = tpu.sem_alloc : memref<!tpu.dma_semaphore, #tpu.memory_space<semaphore_mem>>
      %dma_start3A_109 = arith.constant 0 : i32
      %dma_start3A_110 = arith.constant 0 : i32
      %dma_start3A_111 = tpu.memref_slice %arg4[%add3A, %dma_start3A_109, %dma_start3A_110] : memref<32x80x125xi32, #tpu.memory_space<hbm>> -> memref<1x80x125xi32, #tpu.memory_space<hbm>>
      %dma_start3A_112 = tpu.memref_squeeze %dma_start3A_111 : memref<1x80x125xi32, #tpu.memory_space<hbm>> -> memref<80x125xi32, #tpu.memory_space<hbm>>
      %dma_start3A_113 = arith.constant 0 : i32
      %dma_start3A_114 = arith.constant 0 : i32
      %dma_start3A_115 = tpu.memref_slice %arg4[%add3A, %dma_start3A_113, %dma_start3A_114] : memref<32x80x125xi32, #tpu.memory_space<hbm>> -> memref<1x80x125xi32, #tpu.memory_space<hbm>>
      %dma_start3A_116 = tpu.memref_squeeze %dma_start3A_115 : memref<1x80x125xi32, #tpu.memory_space<hbm>> -> memref<80x125xi32, #tpu.memory_space<hbm>>
      tpu.enqueue_dma source(%dma_start3A_116 : memref<80x125xi32, #tpu.memory_space<hbm>>) target(%arg7 : memref<80x125xi32, #tpu.memory_space<vmem>>) target_semaphore(%run_scoped3A : memref<!tpu.dma_semaphore, #tpu.memory_space<semaphore_mem>>)
      %dma_wait3A_117 = arith.constant 0 : i32
      %dma_wait3A_118 = arith.constant 0 : i32
      %dma_wait3A_119 = tpu.memref_slice %arg4[%add3A, %dma_wait3A_117, %dma_wait3A_118] : memref<32x80x125xi32, #tpu.memory_space<hbm>> -> memref<1x80x125xi32, #tpu.memory_space<hbm>>
      %dma_wait3A_120 = tpu.memref_squeeze %dma_wait3A_119 : memref<1x80x125xi32, #tpu.memory_space<hbm>> -> memref<80x125xi32, #tpu.memory_space<hbm>>
      %dma_wait3A_121 = arith.constant 0 : i32
      %dma_wait3A_122 = arith.constant 0 : i32
      %dma_wait3A_123 = tpu.memref_slice %arg4[%add3A, %dma_wait3A_121, %dma_wait3A_122] : memref<32x80x125xi32, #tpu.memory_space<hbm>> -> memref<1x80x125xi32, #tpu.memory_space<hbm>>
      %dma_wait3A_124 = tpu.memref_squeeze %dma_wait3A_123 : memref<1x80x125xi32, #tpu.memory_space<hbm>> -> memref<80x125xi32, #tpu.memory_space<hbm>>
      tpu.wait_dma2 semaphore(%run_scoped3A : memref<!tpu.dma_semaphore, #tpu.memory_space<semaphore_mem>>) src(%dma_wait3A_124 : memref<80x125xi32, #tpu.memory_space<hbm>>) dst(%arg7 : memref<80x125xi32, #tpu.memory_space<vmem>>)
      tpu.yield
    }) : () -> ()
    %barrier3A = arith.constant 0 : index
    tpu.barrier barrier_id(%barrier3A)
    %dma_start3A = arith.constant 0 : i32
    %dma_start3A_9 = arith.constant 0 : i32
    %dma_start3A_10 = arith.constant 0 : i32
    %dma_start3A_11 = arith.constant 0 : i32
    %dma_start3A_12 = arith.constant 0 : i32
    %dma_start3A_13 = tpu.memref_slice %arg8[%dma_start3A_9, %dma_start3A_11, %dma_start3A_12] : memref<4x125x32xf32, #tpu.memory_space<vmem>> -> memref<1x125x32xf32, #tpu.memory_space<vmem>>
    %dma_start3A_14 = tpu.memref_squeeze %dma_start3A_13 : memref<1x125x32xf32, #tpu.memory_space<vmem>> -> memref<125x32xf32, #tpu.memory_space<vmem>>
    %dma_start3A_15 = arith.constant 0 : i32
    %dma_start3A_16 = tpu.memref_slice %arg6[%dma_start3A, %dma_start3A_15] : memref<80x125xi32, #tpu.memory_space<vmem>> -> memref<1x125xi32, #tpu.memory_space<vmem>>
    %dma_start3A_17 = tpu.memref_squeeze %dma_start3A_16 : memref<1x125xi32, #tpu.memory_space<vmem>> -> memref<125xi32, #tpu.memory_space<vmem>>
    %dma_start3A_18 = arith.constant 0 : i32
    %dma_start3A_19 = arith.constant 0 : i32
    %dma_start3A_20 = tpu.memref_slice %arg2[%dma_start3A_18, %dma_start3A_19] : memref<10240x32xf32, #tpu.memory_space<hbm>> -> memref<10240x32xf32, #tpu.memory_space<hbm>>
    %dma_start3A_21 = tpu.memref_slice %arg11[%dma_start3A_10] : memref<4x!tpu.dma_semaphore, #tpu.memory_space<semaphore_mem>> -> memref<1x!tpu.dma_semaphore, #tpu.memory_space<semaphore_mem>>
    %dma_start3A_22 = tpu.memref_squeeze %dma_start3A_21 : memref<1x!tpu.dma_semaphore, #tpu.memory_space<semaphore_mem>> -> memref<!tpu.dma_semaphore, #tpu.memory_space<semaphore_mem>>
    tpu.enqueue_indirect_dma source(%dma_start3A_20 : memref<10240x32xf32, #tpu.memory_space<hbm>>) target(%dma_start3A_14 : memref<125x32xf32, #tpu.memory_space<vmem>>) offsets(%dma_start3A_17 : memref<125xi32, #tpu.memory_space<vmem>>) semaphore(%dma_start3A_22 : memref<!tpu.dma_semaphore, #tpu.memory_space<semaphore_mem>>)
    %dma_start3A_23 = arith.constant 1 : i32
    %dma_start3A_24 = arith.constant 1 : i32
    %dma_start3A_25 = arith.constant 1 : i32
    %dma_start3A_26 = arith.constant 0 : i32
    %dma_start3A_27 = arith.constant 0 : i32
    %dma_start3A_28 = tpu.memref_slice %arg8[%dma_start3A_24, %dma_start3A_26, %dma_start3A_27] : memref<4x125x32xf32, #tpu.memory_space<vmem>> -> memref<1x125x32xf32, #tpu.memory_space<vmem>>
    %dma_start3A_29 = tpu.memref_squeeze %dma_start3A_28 : memref<1x125x32xf32, #tpu.memory_space<vmem>> -> memref<125x32xf32, #tpu.memory_space<vmem>>
    %dma_start3A_30 = arith.constant 0 : i32
    %dma_start3A_31 = tpu.memref_slice %arg6[%dma_start3A_23, %dma_start3A_30] : memref<80x125xi32, #tpu.memory_space<vmem>> -> memref<1x125xi32, #tpu.memory_space<vmem>>
    %dma_start3A_32 = tpu.memref_squeeze %dma_start3A_31 : memref<1x125xi32, #tpu.memory_space<vmem>> -> memref<125xi32, #tpu.memory_space<vmem>>
    %dma_start3A_33 = arith.constant 0 : i32
    %dma_start3A_34 = arith.constant 0 : i32
    %dma_start3A_35 = tpu.memref_slice %arg2[%dma_start3A_33, %dma_start3A_34] : memref<10240x32xf32, #tpu.memory_space<hbm>> -> memref<10240x32xf32, #tpu.memory_space<hbm>>
    %dma_start3A_36 = tpu.memref_slice %arg11[%dma_start3A_25] : memref<4x!tpu.dma_semaphore, #tpu.memory_space<semaphore_mem>> -> memref<1x!tpu.dma_semaphore, #tpu.memory_space<semaphore_mem>>
    %dma_start3A_37 = tpu.memref_squeeze %dma_start3A_36 : memref<1x!tpu.dma_semaphore, #tpu.memory_space<semaphore_mem>> -> memref<!tpu.dma_semaphore, #tpu.memory_space<semaphore_mem>>
    tpu.enqueue_indirect_dma source(%dma_start3A_35 : memref<10240x32xf32, #tpu.memory_space<hbm>>) target(%dma_start3A_29 : memref<125x32xf32, #tpu.memory_space<vmem>>) offsets(%dma_start3A_32 : memref<125xi32, #tpu.memory_space<vmem>>) semaphore(%dma_start3A_37 : memref<!tpu.dma_semaphore, #tpu.memory_space<semaphore_mem>>)
    %scan3A_38 = arith.constant 0 : i32
    %scan3A_39 = arith.constant 0 : i32
    %scan3A_40 = arith.constant 20 : i32
    %scan3A_41 = arith.addi %scan3A_39, %scan3A_40 : i32
    %scan3A_42 = arith.constant 1 : i32
    %scan3A_43 = scf.for %scan3A_109 = %scan3A_39 to %scan3A_41 step %scan3A_42 iter_args(%scan3A_110 = %scan3A_38) -> (i32)  : i32 {
      %mul3A_111 = arith.constant 4 : i32
      %mul3A_112 = arith.muli %scan3A_109, %mul3A_111 : i32
      %add3A_113 = arith.constant 0 : i32
      %add3A_114 = arith.addi %mul3A_112, %add3A_113 : i32
      %dma_wait3A_115 = arith.constant 0 : i32
      %dma_wait3A_116 = arith.constant 0 : i32
      %dma_wait3A_117 = arith.constant 0 : i32
      %dma_wait3A_118 = arith.constant 0 : i32
      %dma_wait3A_119 = tpu.memref_slice %arg8[%dma_wait3A_115, %dma_wait3A_117, %dma_wait3A_118] : memref<4x125x32xf32, #tpu.memory_space<vmem>> -> memref<1x125x32xf32, #tpu.memory_space<vmem>>
      %dma_wait3A_120 = tpu.memref_squeeze %dma_wait3A_119 : memref<1x125x32xf32, #tpu.memory_space<vmem>> -> memref<125x32xf32, #tpu.memory_space<vmem>>
      %dma_wait3A_121 = arith.constant 0 : i32
      %dma_wait3A_122 = tpu.memref_slice %arg6[%add3A_114, %dma_wait3A_121] : memref<80x125xi32, #tpu.memory_space<vmem>> -> memref<1x125xi32, #tpu.memory_space<vmem>>
      %dma_wait3A_123 = tpu.memref_squeeze %dma_wait3A_122 : memref<1x125xi32, #tpu.memory_space<vmem>> -> memref<125xi32, #tpu.memory_space<vmem>>
      %dma_wait3A_124 = arith.constant 0 : i32
      %dma_wait3A_125 = arith.constant 0 : i32
      %dma_wait3A_126 = tpu.memref_slice %arg2[%dma_wait3A_124, %dma_wait3A_125] : memref<10240x32xf32, #tpu.memory_space<hbm>> -> memref<10240x32xf32, #tpu.memory_space<hbm>>
      %dma_wait3A_127 = tpu.memref_slice %arg11[%dma_wait3A_116] : memref<4x!tpu.dma_semaphore, #tpu.memory_space<semaphore_mem>> -> memref<1x!tpu.dma_semaphore, #tpu.memory_space<semaphore_mem>>
      %dma_wait3A_128 = tpu.memref_squeeze %dma_wait3A_127 : memref<1x!tpu.dma_semaphore, #tpu.memory_space<semaphore_mem>> -> memref<!tpu.dma_semaphore, #tpu.memory_space<semaphore_mem>>
      tpu.wait_indirect_dma semaphore(%dma_wait3A_128 : memref<!tpu.dma_semaphore, #tpu.memory_space<semaphore_mem>>) src(%dma_wait3A_126 : memref<10240x32xf32, #tpu.memory_space<hbm>>) dst(%dma_wait3A_120 : memref<125x32xf32, #tpu.memory_space<vmem>>)
      %dma_start3A_129 = arith.constant 0 : i32
      %dma_start3A_130 = arith.constant 0 : i32
      %dma_start3A_131 = arith.constant 0 : i32
      %dma_start3A_132 = arith.constant 0 : i32
      %dma_start3A_133 = tpu.memref_slice %arg8[%dma_start3A_129, %dma_start3A_131, %dma_start3A_132] : memref<4x125x32xf32, #tpu.memory_space<vmem>> -> memref<1x125x32xf32, #tpu.memory_space<vmem>>
      %dma_start3A_134 = tpu.memref_squeeze %dma_start3A_133 : memref<1x125x32xf32, #tpu.memory_space<vmem>> -> memref<125x32xf32, #tpu.memory_space<vmem>>
      %dma_start3A_135 = arith.constant 0 : i32
      %dma_start3A_136 = tpu.memref_slice %arg7[%add3A_114, %dma_start3A_135] : memref<80x125xi32, #tpu.memory_space<vmem>> -> memref<1x125xi32, #tpu.memory_space<vmem>>
      %dma_start3A_137 = tpu.memref_squeeze %dma_start3A_136 : memref<1x125xi32, #tpu.memory_space<vmem>> -> memref<125xi32, #tpu.memory_space<vmem>>
      %dma_start3A_138 = arith.constant 0 : i32
      %dma_start3A_139 = arith.constant 0 : i32
      %dma_start3A_140 = tpu.memref_slice %arg10[%dma_start3A_138, %dma_start3A_139] : memref<10240x32xf32, #tpu.memory_space<vmem_shared>> -> memref<10240x32xf32, #tpu.memory_space<vmem_shared>>
      %dma_start3A_141 = tpu.memref_slice %arg12[%dma_start3A_130] : memref<4x!tpu.dma_semaphore, #tpu.memory_space<semaphore_mem>> -> memref<1x!tpu.dma_semaphore, #tpu.memory_space<semaphore_mem>>
      %dma_start3A_142 = tpu.memref_squeeze %dma_start3A_141 : memref<1x!tpu.dma_semaphore, #tpu.memory_space<semaphore_mem>> -> memref<!tpu.dma_semaphore, #tpu.memory_space<semaphore_mem>>
      tpu.enqueue_indirect_dma source(%dma_start3A_134 : memref<125x32xf32, #tpu.memory_space<vmem>>) target(%dma_start3A_140 : memref<10240x32xf32, #tpu.memory_space<vmem_shared>>) offsets(%dma_start3A_137 : memref<125xi32, #tpu.memory_space<vmem>>) semaphore(%dma_start3A_142 : memref<!tpu.dma_semaphore, #tpu.memory_space<semaphore_mem>>) {add = true}
      %add3A_143 = arith.constant 2 : i32
      %add3A_144 = arith.addi %add3A_114, %add3A_143 : i32
      %lt3A = arith.constant 80 : i32
      %lt3A_145 = arith.cmpi slt, %add3A_144, %lt3A : i32
      %convert_element_type3A = arith.extui %lt3A_145 : i1 to i32
      %cond3A = arith.constant 0 : i32
      %cond3A_146 = arith.cmpi ne, %convert_element_type3A, %cond3A : i32
      scf.if %cond3A_146 {
        %ge3A = arith.constant 4 : i32
        %ge3A_265 = arith.cmpi sge, %add3A_144, %ge3A : i32
        %convert_element_type3A_266 = arith.extui %ge3A_265 : i1 to i32
        %cond3A_267 = arith.constant 0 : i32
        %cond3A_268 = arith.cmpi ne, %convert_element_type3A_266, %cond3A_267 : i32
        scf.if %cond3A_268 {
          %sub3A = arith.constant 4 : i32
          %sub3A_283 = arith.subi %add3A_144, %sub3A : i32
          %dma_wait3A_284 = arith.constant 2 : i32
          %dma_wait3A_285 = arith.constant 2 : i32
          %dma_wait3A_286 = arith.constant 0 : i32
          %dma_wait3A_287 = arith.constant 0 : i32
          %dma_wait3A_288 = tpu.memref_slice %arg8[%dma_wait3A_284, %dma_wait3A_286, %dma_wait3A_287] : memref<4x125x32xf32, #tpu.memory_space<vmem>> -> memref<1x125x32xf32, #tpu.memory_space<vmem>>
          %dma_wait3A_289 = tpu.memref_squeeze %dma_wait3A_288 : memref<1x125x32xf32, #tpu.memory_space<vmem>> -> memref<125x32xf32, #tpu.memory_space<vmem>>
          %dma_wait3A_290 = arith.constant 0 : i32
          %dma_wait3A_291 = tpu.memref_slice %arg7[%sub3A_283, %dma_wait3A_290] : memref<80x125xi32, #tpu.memory_space<vmem>> -> memref<1x125xi32, #tpu.memory_space<vmem>>
          %dma_wait3A_292 = tpu.memref_squeeze %dma_wait3A_291 : memref<1x125xi32, #tpu.memory_space<vmem>> -> memref<125xi32, #tpu.memory_space<vmem>>
          %dma_wait3A_293 = arith.constant 0 : i32
          %dma_wait3A_294 = arith.constant 0 : i32
          %dma_wait3A_295 = tpu.memref_slice %arg10[%dma_wait3A_293, %dma_wait3A_294] : memref<10240x32xf32, #tpu.memory_space<vmem_shared>> -> memref<10240x32xf32, #tpu.memory_space<vmem_shared>>
          %dma_wait3A_296 = tpu.memref_slice %arg12[%dma_wait3A_285] : memref<4x!tpu.dma_semaphore, #tpu.memory_space<semaphore_mem>> -> memref<1x!tpu.dma_semaphore, #tpu.memory_space<semaphore_mem>>
          %dma_wait3A_297 = tpu.memref_squeeze %dma_wait3A_296 : memref<1x!tpu.dma_semaphore, #tpu.memory_space<semaphore_mem>> -> memref<!tpu.dma_semaphore, #tpu.memory_space<semaphore_mem>>
          tpu.wait_indirect_dma semaphore(%dma_wait3A_297 : memref<!tpu.dma_semaphore, #tpu.memory_space<semaphore_mem>>) src(%dma_wait3A_289 : memref<125x32xf32, #tpu.memory_space<vmem>>) dst(%dma_wait3A_295 : memref<10240x32xf32, #tpu.memory_space<vmem_shared>>)
        } else {
        }
        %dma_start3A_269 = arith.constant 2 : i32
        %dma_start3A_270 = arith.constant 2 : i32
        %dma_start3A_271 = arith.constant 0 : i32
        %dma_start3A_272 = arith.constant 0 : i32
        %dma_start3A_273 = tpu.memref_slice %arg8[%dma_start3A_269, %dma_start3A_271, %dma_start3A_272] : memref<4x125x32xf32, #tpu.memory_space<vmem>> -> memref<1x125x32xf32, #tpu.memory_space<vmem>>
        %dma_start3A_274 = tpu.memref_squeeze %dma_start3A_273 : memref<1x125x32xf32, #tpu.memory_space<vmem>> -> memref<125x32xf32, #tpu.memory_space<vmem>>
        %dma_start3A_275 = arith.constant 0 : i32
        %dma_start3A_276 = tpu.memref_slice %arg6[%add3A_144, %dma_start3A_275] : memref<80x125xi32, #tpu.memory_space<vmem>> -> memref<1x125xi32, #tpu.memory_space<vmem>>
        %dma_start3A_277 = tpu.memref_squeeze %dma_start3A_276 : memref<1x125xi32, #tpu.memory_space<vmem>> -> memref<125xi32, #tpu.memory_space<vmem>>
        %dma_start3A_278 = arith.constant 0 : i32
        %dma_start3A_279 = arith.constant 0 : i32
        %dma_start3A_280 = tpu.memref_slice %arg2[%dma_start3A_278, %dma_start3A_279] : memref<10240x32xf32, #tpu.memory_space<hbm>> -> memref<10240x32xf32, #tpu.memory_space<hbm>>
        %dma_start3A_281 = tpu.memref_slice %arg11[%dma_start3A_270] : memref<4x!tpu.dma_semaphore, #tpu.memory_space<semaphore_mem>> -> memref<1x!tpu.dma_semaphore, #tpu.memory_space<semaphore_mem>>
        %dma_start3A_282 = tpu.memref_squeeze %dma_start3A_281 : memref<1x!tpu.dma_semaphore, #tpu.memory_space<semaphore_mem>> -> memref<!tpu.dma_semaphore, #tpu.memory_space<semaphore_mem>>
        tpu.enqueue_indirect_dma source(%dma_start3A_280 : memref<10240x32xf32, #tpu.memory_space<hbm>>) target(%dma_start3A_274 : memref<125x32xf32, #tpu.memory_space<vmem>>) offsets(%dma_start3A_277 : memref<125xi32, #tpu.memory_space<vmem>>) semaphore(%dma_start3A_282 : memref<!tpu.dma_semaphore, #tpu.memory_space<semaphore_mem>>)
      } else {
      }
      %mul3A_147 = arith.constant 4 : i32
      %mul3A_148 = arith.muli %scan3A_109, %mul3A_147 : i32
      %add3A_149 = arith.constant 1 : i32
      %add3A_150 = arith.addi %mul3A_148, %add3A_149 : i32
      %dma_wait3A_151 = arith.constant 1 : i32
      %dma_wait3A_152 = arith.constant 1 : i32
      %dma_wait3A_153 = arith.constant 0 : i32
      %dma_wait3A_154 = arith.constant 0 : i32
      %dma_wait3A_155 = tpu.memref_slice %arg8[%dma_wait3A_151, %dma_wait3A_153, %dma_wait3A_154] : memref<4x125x32xf32, #tpu.memory_space<vmem>> -> memref<1x125x32xf32, #tpu.memory_space<vmem>>
      %dma_wait3A_156 = tpu.memref_squeeze %dma_wait3A_155 : memref<1x125x32xf32, #tpu.memory_space<vmem>> -> memref<125x32xf32, #tpu.memory_space<vmem>>
      %dma_wait3A_157 = arith.constant 0 : i32
      %dma_wait3A_158 = tpu.memref_slice %arg6[%add3A_150, %dma_wait3A_157] : memref<80x125xi32, #tpu.memory_space<vmem>> -> memref<1x125xi32, #tpu.memory_space<vmem>>
      %dma_wait3A_159 = tpu.memref_squeeze %dma_wait3A_158 : memref<1x125xi32, #tpu.memory_space<vmem>> -> memref<125xi32, #tpu.memory_space<vmem>>
      %dma_wait3A_160 = arith.constant 0 : i32
      %dma_wait3A_161 = arith.constant 0 : i32
      %dma_wait3A_162 = tpu.memref_slice %arg2[%dma_wait3A_160, %dma_wait3A_161] : memref<10240x32xf32, #tpu.memory_space<hbm>> -> memref<10240x32xf32, #tpu.memory_space<hbm>>
      %dma_wait3A_163 = tpu.memref_slice %arg11[%dma_wait3A_152] : memref<4x!tpu.dma_semaphore, #tpu.memory_space<semaphore_mem>> -> memref<1x!tpu.dma_semaphore, #tpu.memory_space<semaphore_mem>>
      %dma_wait3A_164 = tpu.memref_squeeze %dma_wait3A_163 : memref<1x!tpu.dma_semaphore, #tpu.memory_space<semaphore_mem>> -> memref<!tpu.dma_semaphore, #tpu.memory_space<semaphore_mem>>
      tpu.wait_indirect_dma semaphore(%dma_wait3A_164 : memref<!tpu.dma_semaphore, #tpu.memory_space<semaphore_mem>>) src(%dma_wait3A_162 : memref<10240x32xf32, #tpu.memory_space<hbm>>) dst(%dma_wait3A_156 : memref<125x32xf32, #tpu.memory_space<vmem>>)
      %dma_start3A_165 = arith.constant 1 : i32
      %dma_start3A_166 = arith.constant 1 : i32
      %dma_start3A_167 = arith.constant 0 : i32
      %dma_start3A_168 = arith.constant 0 : i32
      %dma_start3A_169 = tpu.memref_slice %arg8[%dma_start3A_165, %dma_start3A_167, %dma_start3A_168] : memref<4x125x32xf32, #tpu.memory_space<vmem>> -> memref<1x125x32xf32, #tpu.memory_space<vmem>>
      %dma_start3A_170 = tpu.memref_squeeze %dma_start3A_169 : memref<1x125x32xf32, #tpu.memory_space<vmem>> -> memref<125x32xf32, #tpu.memory_space<vmem>>
      %dma_start3A_171 = arith.constant 0 : i32
      %dma_start3A_172 = tpu.memref_slice %arg7[%add3A_150, %dma_start3A_171] : memref<80x125xi32, #tpu.memory_space<vmem>> -> memref<1x125xi32, #tpu.memory_space<vmem>>
      %dma_start3A_173 = tpu.memref_squeeze %dma_start3A_172 : memref<1x125xi32, #tpu.memory_space<vmem>> -> memref<125xi32, #tpu.memory_space<vmem>>
      %dma_start3A_174 = arith.constant 0 : i32
      %dma_start3A_175 = arith.constant 0 : i32
      %dma_start3A_176 = tpu.memref_slice %arg10[%dma_start3A_174, %dma_start3A_175] : memref<10240x32xf32, #tpu.memory_space<vmem_shared>> -> memref<10240x32xf32, #tpu.memory_space<vmem_shared>>
      %dma_start3A_177 = tpu.memref_slice %arg12[%dma_start3A_166] : memref<4x!tpu.dma_semaphore, #tpu.memory_space<semaphore_mem>> -> memref<1x!tpu.dma_semaphore, #tpu.memory_space<semaphore_mem>>
      %dma_start3A_178 = tpu.memref_squeeze %dma_start3A_177 : memref<1x!tpu.dma_semaphore, #tpu.memory_space<semaphore_mem>> -> memref<!tpu.dma_semaphore, #tpu.memory_space<semaphore_mem>>
      tpu.enqueue_indirect_dma source(%dma_start3A_170 : memref<125x32xf32, #tpu.memory_space<vmem>>) target(%dma_start3A_176 : memref<10240x32xf32, #tpu.memory_space<vmem_shared>>) offsets(%dma_start3A_173 : memref<125xi32, #tpu.memory_space<vmem>>) semaphore(%dma_start3A_178 : memref<!tpu.dma_semaphore, #tpu.memory_space<semaphore_mem>>) {add = true}
      %add3A_179 = arith.constant 2 : i32
      %add3A_180 = arith.addi %add3A_150, %add3A_179 : i32
      %lt3A_181 = arith.constant 80 : i32
      %lt3A_182 = arith.cmpi slt, %add3A_180, %lt3A_181 : i32
      %convert_element_type3A_183 = arith.extui %lt3A_182 : i1 to i32
      %cond3A_184 = arith.constant 0 : i32
      %cond3A_185 = arith.cmpi ne, %convert_element_type3A_183, %cond3A_184 : i32
      scf.if %cond3A_185 {
        %ge3A = arith.constant 4 : i32
        %ge3A_265 = arith.cmpi sge, %add3A_180, %ge3A : i32
        %convert_element_type3A_266 = arith.extui %ge3A_265 : i1 to i32
        %cond3A_267 = arith.constant 0 : i32
        %cond3A_268 = arith.cmpi ne, %convert_element_type3A_266, %cond3A_267 : i32
        scf.if %cond3A_268 {
          %sub3A = arith.constant 4 : i32
          %sub3A_283 = arith.subi %add3A_180, %sub3A : i32
          %dma_wait3A_284 = arith.constant 3 : i32
          %dma_wait3A_285 = arith.constant 3 : i32
          %dma_wait3A_286 = arith.constant 0 : i32
          %dma_wait3A_287 = arith.constant 0 : i32
          %dma_wait3A_288 = tpu.memref_slice %arg8[%dma_wait3A_284, %dma_wait3A_286, %dma_wait3A_287] : memref<4x125x32xf32, #tpu.memory_space<vmem>> -> memref<1x125x32xf32, #tpu.memory_space<vmem>>
          %dma_wait3A_289 = tpu.memref_squeeze %dma_wait3A_288 : memref<1x125x32xf32, #tpu.memory_space<vmem>> -> memref<125x32xf32, #tpu.memory_space<vmem>>
          %dma_wait3A_290 = arith.constant 0 : i32
          %dma_wait3A_291 = tpu.memref_slice %arg7[%sub3A_283, %dma_wait3A_290] : memref<80x125xi32, #tpu.memory_space<vmem>> -> memref<1x125xi32, #tpu.memory_space<vmem>>
          %dma_wait3A_292 = tpu.memref_squeeze %dma_wait3A_291 : memref<1x125xi32, #tpu.memory_space<vmem>> -> memref<125xi32, #tpu.memory_space<vmem>>
          %dma_wait3A_293 = arith.constant 0 : i32
          %dma_wait3A_294 = arith.constant 0 : i32
          %dma_wait3A_295 = tpu.memref_slice %arg10[%dma_wait3A_293, %dma_wait3A_294] : memref<10240x32xf32, #tpu.memory_space<vmem_shared>> -> memref<10240x32xf32, #tpu.memory_space<vmem_shared>>
          %dma_wait3A_296 = tpu.memref_slice %arg12[%dma_wait3A_285] : memref<4x!tpu.dma_semaphore, #tpu.memory_space<semaphore_mem>> -> memref<1x!tpu.dma_semaphore, #tpu.memory_space<semaphore_mem>>
          %dma_wait3A_297 = tpu.memref_squeeze %dma_wait3A_296 : memref<1x!tpu.dma_semaphore, #tpu.memory_space<semaphore_mem>> -> memref<!tpu.dma_semaphore, #tpu.memory_space<semaphore_mem>>
          tpu.wait_indirect_dma semaphore(%dma_wait3A_297 : memref<!tpu.dma_semaphore, #tpu.memory_space<semaphore_mem>>) src(%dma_wait3A_289 : memref<125x32xf32, #tpu.memory_space<vmem>>) dst(%dma_wait3A_295 : memref<10240x32xf32, #tpu.memory_space<vmem_shared>>)
        } else {
        }
        %dma_start3A_269 = arith.constant 3 : i32
        %dma_start3A_270 = arith.constant 3 : i32
        %dma_start3A_271 = arith.constant 0 : i32
        %dma_start3A_272 = arith.constant 0 : i32
        %dma_start3A_273 = tpu.memref_slice %arg8[%dma_start3A_269, %dma_start3A_271, %dma_start3A_272] : memref<4x125x32xf32, #tpu.memory_space<vmem>> -> memref<1x125x32xf32, #tpu.memory_space<vmem>>
        %dma_start3A_274 = tpu.memref_squeeze %dma_start3A_273 : memref<1x125x32xf32, #tpu.memory_space<vmem>> -> memref<125x32xf32, #tpu.memory_space<vmem>>
        %dma_start3A_275 = arith.constant 0 : i32
        %dma_start3A_276 = tpu.memref_slice %arg6[%add3A_180, %dma_start3A_275] : memref<80x125xi32, #tpu.memory_space<vmem>> -> memref<1x125xi32, #tpu.memory_space<vmem>>
        %dma_start3A_277 = tpu.memref_squeeze %dma_start3A_276 : memref<1x125xi32, #tpu.memory_space<vmem>> -> memref<125xi32, #tpu.memory_space<vmem>>
        %dma_start3A_278 = arith.constant 0 : i32
        %dma_start3A_279 = arith.constant 0 : i32
        %dma_start3A_280 = tpu.memref_slice %arg2[%dma_start3A_278, %dma_start3A_279] : memref<10240x32xf32, #tpu.memory_space<hbm>> -> memref<10240x32xf32, #tpu.memory_space<hbm>>
        %dma_start3A_281 = tpu.memref_slice %arg11[%dma_start3A_270] : memref<4x!tpu.dma_semaphore, #tpu.memory_space<semaphore_mem>> -> memref<1x!tpu.dma_semaphore, #tpu.memory_space<semaphore_mem>>
        %dma_start3A_282 = tpu.memref_squeeze %dma_start3A_281 : memref<1x!tpu.dma_semaphore, #tpu.memory_space<semaphore_mem>> -> memref<!tpu.dma_semaphore, #tpu.memory_space<semaphore_mem>>
        tpu.enqueue_indirect_dma source(%dma_start3A_280 : memref<10240x32xf32, #tpu.memory_space<hbm>>) target(%dma_start3A_274 : memref<125x32xf32, #tpu.memory_space<vmem>>) offsets(%dma_start3A_277 : memref<125xi32, #tpu.memory_space<vmem>>) semaphore(%dma_start3A_282 : memref<!tpu.dma_semaphore, #tpu.memory_space<semaphore_mem>>)
      } else {
      }
      %mul3A_186 = arith.constant 4 : i32
      %mul3A_187 = arith.muli %scan3A_109, %mul3A_186 : i32
      %add3A_188 = arith.constant 2 : i32
      %add3A_189 = arith.addi %mul3A_187, %add3A_188 : i32
      %dma_wait3A_190 = arith.constant 2 : i32
      %dma_wait3A_191 = arith.constant 2 : i32
      %dma_wait3A_192 = arith.constant 0 : i32
      %dma_wait3A_193 = arith.constant 0 : i32
      %dma_wait3A_194 = tpu.memref_slice %arg8[%dma_wait3A_190, %dma_wait3A_192, %dma_wait3A_193] : memref<4x125x32xf32, #tpu.memory_space<vmem>> -> memref<1x125x32xf32, #tpu.memory_space<vmem>>
      %dma_wait3A_195 = tpu.memref_squeeze %dma_wait3A_194 : memref<1x125x32xf32, #tpu.memory_space<vmem>> -> memref<125x32xf32, #tpu.memory_space<vmem>>
      %dma_wait3A_196 = arith.constant 0 : i32
      %dma_wait3A_197 = tpu.memref_slice %arg6[%add3A_189, %dma_wait3A_196] : memref<80x125xi32, #tpu.memory_space<vmem>> -> memref<1x125xi32, #tpu.memory_space<vmem>>
      %dma_wait3A_198 = tpu.memref_squeeze %dma_wait3A_197 : memref<1x125xi32, #tpu.memory_space<vmem>> -> memref<125xi32, #tpu.memory_space<vmem>>
      %dma_wait3A_199 = arith.constant 0 : i32
      %dma_wait3A_200 = arith.constant 0 : i32
      %dma_wait3A_201 = tpu.memref_slice %arg2[%dma_wait3A_199, %dma_wait3A_200] : memref<10240x32xf32, #tpu.memory_space<hbm>> -> memref<10240x32xf32, #tpu.memory_space<hbm>>
      %dma_wait3A_202 = tpu.memref_slice %arg11[%dma_wait3A_191] : memref<4x!tpu.dma_semaphore, #tpu.memory_space<semaphore_mem>> -> memref<1x!tpu.dma_semaphore, #tpu.memory_space<semaphore_mem>>
      %dma_wait3A_203 = tpu.memref_squeeze %dma_wait3A_202 : memref<1x!tpu.dma_semaphore, #tpu.memory_space<semaphore_mem>> -> memref<!tpu.dma_semaphore, #tpu.memory_space<semaphore_mem>>
      tpu.wait_indirect_dma semaphore(%dma_wait3A_203 : memref<!tpu.dma_semaphore, #tpu.memory_space<semaphore_mem>>) src(%dma_wait3A_201 : memref<10240x32xf32, #tpu.memory_space<hbm>>) dst(%dma_wait3A_195 : memref<125x32xf32, #tpu.memory_space<vmem>>)
      %dma_start3A_204 = arith.constant 2 : i32
      %dma_start3A_205 = arith.constant 2 : i32
      %dma_start3A_206 = arith.constant 0 : i32
      %dma_start3A_207 = arith.constant 0 : i32
      %dma_start3A_208 = tpu.memref_slice %arg8[%dma_start3A_204, %dma_start3A_206, %dma_start3A_207] : memref<4x125x32xf32, #tpu.memory_space<vmem>> -> memref<1x125x32xf32, #tpu.memory_space<vmem>>
      %dma_start3A_209 = tpu.memref_squeeze %dma_start3A_208 : memref<1x125x32xf32, #tpu.memory_space<vmem>> -> memref<125x32xf32, #tpu.memory_space<vmem>>
      %dma_start3A_210 = arith.constant 0 : i32
      %dma_start3A_211 = tpu.memref_slice %arg7[%add3A_189, %dma_start3A_210] : memref<80x125xi32, #tpu.memory_space<vmem>> -> memref<1x125xi32, #tpu.memory_space<vmem>>
      %dma_start3A_212 = tpu.memref_squeeze %dma_start3A_211 : memref<1x125xi32, #tpu.memory_space<vmem>> -> memref<125xi32, #tpu.memory_space<vmem>>
      %dma_start3A_213 = arith.constant 0 : i32
      %dma_start3A_214 = arith.constant 0 : i32
      %dma_start3A_215 = tpu.memref_slice %arg10[%dma_start3A_213, %dma_start3A_214] : memref<10240x32xf32, #tpu.memory_space<vmem_shared>> -> memref<10240x32xf32, #tpu.memory_space<vmem_shared>>
      %dma_start3A_216 = tpu.memref_slice %arg12[%dma_start3A_205] : memref<4x!tpu.dma_semaphore, #tpu.memory_space<semaphore_mem>> -> memref<1x!tpu.dma_semaphore, #tpu.memory_space<semaphore_mem>>
      %dma_start3A_217 = tpu.memref_squeeze %dma_start3A_216 : memref<1x!tpu.dma_semaphore, #tpu.memory_space<semaphore_mem>> -> memref<!tpu.dma_semaphore, #tpu.memory_space<semaphore_mem>>
      tpu.enqueue_indirect_dma source(%dma_start3A_209 : memref<125x32xf32, #tpu.memory_space<vmem>>) target(%dma_start3A_215 : memref<10240x32xf32, #tpu.memory_space<vmem_shared>>) offsets(%dma_start3A_212 : memref<125xi32, #tpu.memory_space<vmem>>) semaphore(%dma_start3A_217 : memref<!tpu.dma_semaphore, #tpu.memory_space<semaphore_mem>>) {add = true}
      %add3A_218 = arith.constant 2 : i32
      %add3A_219 = arith.addi %add3A_189, %add3A_218 : i32
      %lt3A_220 = arith.constant 80 : i32
      %lt3A_221 = arith.cmpi slt, %add3A_219, %lt3A_220 : i32
      %convert_element_type3A_222 = arith.extui %lt3A_221 : i1 to i32
      %cond3A_223 = arith.constant 0 : i32
      %cond3A_224 = arith.cmpi ne, %convert_element_type3A_222, %cond3A_223 : i32
      scf.if %cond3A_224 {
        %ge3A = arith.constant 4 : i32
        %ge3A_265 = arith.cmpi sge, %add3A_219, %ge3A : i32
        %convert_element_type3A_266 = arith.extui %ge3A_265 : i1 to i32
        %cond3A_267 = arith.constant 0 : i32
        %cond3A_268 = arith.cmpi ne, %convert_element_type3A_266, %cond3A_267 : i32
        scf.if %cond3A_268 {
          %sub3A = arith.constant 4 : i32
          %sub3A_283 = arith.subi %add3A_219, %sub3A : i32
          %dma_wait3A_284 = arith.constant 0 : i32
          %dma_wait3A_285 = arith.constant 0 : i32
          %dma_wait3A_286 = arith.constant 0 : i32
          %dma_wait3A_287 = arith.constant 0 : i32
          %dma_wait3A_288 = tpu.memref_slice %arg8[%dma_wait3A_284, %dma_wait3A_286, %dma_wait3A_287] : memref<4x125x32xf32, #tpu.memory_space<vmem>> -> memref<1x125x32xf32, #tpu.memory_space<vmem>>
          %dma_wait3A_289 = tpu.memref_squeeze %dma_wait3A_288 : memref<1x125x32xf32, #tpu.memory_space<vmem>> -> memref<125x32xf32, #tpu.memory_space<vmem>>
          %dma_wait3A_290 = arith.constant 0 : i32
          %dma_wait3A_291 = tpu.memref_slice %arg7[%sub3A_283, %dma_wait3A_290] : memref<80x125xi32, #tpu.memory_space<vmem>> -> memref<1x125xi32, #tpu.memory_space<vmem>>
          %dma_wait3A_292 = tpu.memref_squeeze %dma_wait3A_291 : memref<1x125xi32, #tpu.memory_space<vmem>> -> memref<125xi32, #tpu.memory_space<vmem>>
          %dma_wait3A_293 = arith.constant 0 : i32
          %dma_wait3A_294 = arith.constant 0 : i32
          %dma_wait3A_295 = tpu.memref_slice %arg10[%dma_wait3A_293, %dma_wait3A_294] : memref<10240x32xf32, #tpu.memory_space<vmem_shared>> -> memref<10240x32xf32, #tpu.memory_space<vmem_shared>>
          %dma_wait3A_296 = tpu.memref_slice %arg12[%dma_wait3A_285] : memref<4x!tpu.dma_semaphore, #tpu.memory_space<semaphore_mem>> -> memref<1x!tpu.dma_semaphore, #tpu.memory_space<semaphore_mem>>
          %dma_wait3A_297 = tpu.memref_squeeze %dma_wait3A_296 : memref<1x!tpu.dma_semaphore, #tpu.memory_space<semaphore_mem>> -> memref<!tpu.dma_semaphore, #tpu.memory_space<semaphore_mem>>
          tpu.wait_indirect_dma semaphore(%dma_wait3A_297 : memref<!tpu.dma_semaphore, #tpu.memory_space<semaphore_mem>>) src(%dma_wait3A_289 : memref<125x32xf32, #tpu.memory_space<vmem>>) dst(%dma_wait3A_295 : memref<10240x32xf32, #tpu.memory_space<vmem_shared>>)
        } else {
        }
        %dma_start3A_269 = arith.constant 0 : i32
        %dma_start3A_270 = arith.constant 0 : i32
        %dma_start3A_271 = arith.constant 0 : i32
        %dma_start3A_272 = arith.constant 0 : i32
        %dma_start3A_273 = tpu.memref_slice %arg8[%dma_start3A_269, %dma_start3A_271, %dma_start3A_272] : memref<4x125x32xf32, #tpu.memory_space<vmem>> -> memref<1x125x32xf32, #tpu.memory_space<vmem>>
        %dma_start3A_274 = tpu.memref_squeeze %dma_start3A_273 : memref<1x125x32xf32, #tpu.memory_space<vmem>> -> memref<125x32xf32, #tpu.memory_space<vmem>>
        %dma_start3A_275 = arith.constant 0 : i32
        %dma_start3A_276 = tpu.memref_slice %arg6[%add3A_219, %dma_start3A_275] : memref<80x125xi32, #tpu.memory_space<vmem>> -> memref<1x125xi32, #tpu.memory_space<vmem>>
        %dma_start3A_277 = tpu.memref_squeeze %dma_start3A_276 : memref<1x125xi32, #tpu.memory_space<vmem>> -> memref<125xi32, #tpu.memory_space<vmem>>
        %dma_start3A_278 = arith.constant 0 : i32
        %dma_start3A_279 = arith.constant 0 : i32
        %dma_start3A_280 = tpu.memref_slice %arg2[%dma_start3A_278, %dma_start3A_279] : memref<10240x32xf32, #tpu.memory_space<hbm>> -> memref<10240x32xf32, #tpu.memory_space<hbm>>
        %dma_start3A_281 = tpu.memref_slice %arg11[%dma_start3A_270] : memref<4x!tpu.dma_semaphore, #tpu.memory_space<semaphore_mem>> -> memref<1x!tpu.dma_semaphore, #tpu.memory_space<semaphore_mem>>
        %dma_start3A_282 = tpu.memref_squeeze %dma_start3A_281 : memref<1x!tpu.dma_semaphore, #tpu.memory_space<semaphore_mem>> -> memref<!tpu.dma_semaphore, #tpu.memory_space<semaphore_mem>>
        tpu.enqueue_indirect_dma source(%dma_start3A_280 : memref<10240x32xf32, #tpu.memory_space<hbm>>) target(%dma_start3A_274 : memref<125x32xf32, #tpu.memory_space<vmem>>) offsets(%dma_start3A_277 : memref<125xi32, #tpu.memory_space<vmem>>) semaphore(%dma_start3A_282 : memref<!tpu.dma_semaphore, #tpu.memory_space<semaphore_mem>>)
      } else {
      }
      %mul3A_225 = arith.constant 4 : i32
      %mul3A_226 = arith.muli %scan3A_109, %mul3A_225 : i32
      %add3A_227 = arith.constant 3 : i32
      %add3A_228 = arith.addi %mul3A_226, %add3A_227 : i32
      %dma_wait3A_229 = arith.constant 3 : i32
      %dma_wait3A_230 = arith.constant 3 : i32
      %dma_wait3A_231 = arith.constant 0 : i32
      %dma_wait3A_232 = arith.constant 0 : i32
      %dma_wait3A_233 = tpu.memref_slice %arg8[%dma_wait3A_229, %dma_wait3A_231, %dma_wait3A_232] : memref<4x125x32xf32, #tpu.memory_space<vmem>> -> memref<1x125x32xf32, #tpu.memory_space<vmem>>
      %dma_wait3A_234 = tpu.memref_squeeze %dma_wait3A_233 : memref<1x125x32xf32, #tpu.memory_space<vmem>> -> memref<125x32xf32, #tpu.memory_space<vmem>>
      %dma_wait3A_235 = arith.constant 0 : i32
      %dma_wait3A_236 = tpu.memref_slice %arg6[%add3A_228, %dma_wait3A_235] : memref<80x125xi32, #tpu.memory_space<vmem>> -> memref<1x125xi32, #tpu.memory_space<vmem>>
      %dma_wait3A_237 = tpu.memref_squeeze %dma_wait3A_236 : memref<1x125xi32, #tpu.memory_space<vmem>> -> memref<125xi32, #tpu.memory_space<vmem>>
      %dma_wait3A_238 = arith.constant 0 : i32
      %dma_wait3A_239 = arith.constant 0 : i32
      %dma_wait3A_240 = tpu.memref_slice %arg2[%dma_wait3A_238, %dma_wait3A_239] : memref<10240x32xf32, #tpu.memory_space<hbm>> -> memref<10240x32xf32, #tpu.memory_space<hbm>>
      %dma_wait3A_241 = tpu.memref_slice %arg11[%dma_wait3A_230] : memref<4x!tpu.dma_semaphore, #tpu.memory_space<semaphore_mem>> -> memref<1x!tpu.dma_semaphore, #tpu.memory_space<semaphore_mem>>
      %dma_wait3A_242 = tpu.memref_squeeze %dma_wait3A_241 : memref<1x!tpu.dma_semaphore, #tpu.memory_space<semaphore_mem>> -> memref<!tpu.dma_semaphore, #tpu.memory_space<semaphore_mem>>
      tpu.wait_indirect_dma semaphore(%dma_wait3A_242 : memref<!tpu.dma_semaphore, #tpu.memory_space<semaphore_mem>>) src(%dma_wait3A_240 : memref<10240x32xf32, #tpu.memory_space<hbm>>) dst(%dma_wait3A_234 : memref<125x32xf32, #tpu.memory_space<vmem>>)
      %dma_start3A_243 = arith.constant 3 : i32
      %dma_start3A_244 = arith.constant 3 : i32
      %dma_start3A_245 = arith.constant 0 : i32
      %dma_start3A_246 = arith.constant 0 : i32
      %dma_start3A_247 = tpu.memref_slice %arg8[%dma_start3A_243, %dma_start3A_245, %dma_start3A_246] : memref<4x125x32xf32, #tpu.memory_space<vmem>> -> memref<1x125x32xf32, #tpu.memory_space<vmem>>
      %dma_start3A_248 = tpu.memref_squeeze %dma_start3A_247 : memref<1x125x32xf32, #tpu.memory_space<vmem>> -> memref<125x32xf32, #tpu.memory_space<vmem>>
      %dma_start3A_249 = arith.constant 0 : i32
      %dma_start3A_250 = tpu.memref_slice %arg7[%add3A_228, %dma_start3A_249] : memref<80x125xi32, #tpu.memory_space<vmem>> -> memref<1x125xi32, #tpu.memory_space<vmem>>
      %dma_start3A_251 = tpu.memref_squeeze %dma_start3A_250 : memref<1x125xi32, #tpu.memory_space<vmem>> -> memref<125xi32, #tpu.memory_space<vmem>>
      %dma_start3A_252 = arith.constant 0 : i32
      %dma_start3A_253 = arith.constant 0 : i32
      %dma_start3A_254 = tpu.memref_slice %arg10[%dma_start3A_252, %dma_start3A_253] : memref<10240x32xf32, #tpu.memory_space<vmem_shared>> -> memref<10240x32xf32, #tpu.memory_space<vmem_shared>>
      %dma_start3A_255 = tpu.memref_slice %arg12[%dma_start3A_244] : memref<4x!tpu.dma_semaphore, #tpu.memory_space<semaphore_mem>> -> memref<1x!tpu.dma_semaphore, #tpu.memory_space<semaphore_mem>>
      %dma_start3A_256 = tpu.memref_squeeze %dma_start3A_255 : memref<1x!tpu.dma_semaphore, #tpu.memory_space<semaphore_mem>> -> memref<!tpu.dma_semaphore, #tpu.memory_space<semaphore_mem>>
      tpu.enqueue_indirect_dma source(%dma_start3A_248 : memref<125x32xf32, #tpu.memory_space<vmem>>) target(%dma_start3A_254 : memref<10240x32xf32, #tpu.memory_space<vmem_shared>>) offsets(%dma_start3A_251 : memref<125xi32, #tpu.memory_space<vmem>>) semaphore(%dma_start3A_256 : memref<!tpu.dma_semaphore, #tpu.memory_space<semaphore_mem>>) {add = true}
      %add3A_257 = arith.constant 2 : i32
      %add3A_258 = arith.addi %add3A_228, %add3A_257 : i32
      %lt3A_259 = arith.constant 80 : i32
      %lt3A_260 = arith.cmpi slt, %add3A_258, %lt3A_259 : i32
      %convert_element_type3A_261 = arith.extui %lt3A_260 : i1 to i32
      %cond3A_262 = arith.constant 0 : i32
      %cond3A_263 = arith.cmpi ne, %convert_element_type3A_261, %cond3A_262 : i32
      scf.if %cond3A_263 {
        %ge3A = arith.constant 4 : i32
        %ge3A_265 = arith.cmpi sge, %add3A_258, %ge3A : i32
        %convert_element_type3A_266 = arith.extui %ge3A_265 : i1 to i32
        %cond3A_267 = arith.constant 0 : i32
        %cond3A_268 = arith.cmpi ne, %convert_element_type3A_266, %cond3A_267 : i32
        scf.if %cond3A_268 {
          %sub3A = arith.constant 4 : i32
          %sub3A_283 = arith.subi %add3A_258, %sub3A : i32
          %dma_wait3A_284 = arith.constant 1 : i32
          %dma_wait3A_285 = arith.constant 1 : i32
          %dma_wait3A_286 = arith.constant 0 : i32
          %dma_wait3A_287 = arith.constant 0 : i32
          %dma_wait3A_288 = tpu.memref_slice %arg8[%dma_wait3A_284, %dma_wait3A_286, %dma_wait3A_287] : memref<4x125x32xf32, #tpu.memory_space<vmem>> -> memref<1x125x32xf32, #tpu.memory_space<vmem>>
          %dma_wait3A_289 = tpu.memref_squeeze %dma_wait3A_288 : memref<1x125x32xf32, #tpu.memory_space<vmem>> -> memref<125x32xf32, #tpu.memory_space<vmem>>
          %dma_wait3A_290 = arith.constant 0 : i32
          %dma_wait3A_291 = tpu.memref_slice %arg7[%sub3A_283, %dma_wait3A_290] : memref<80x125xi32, #tpu.memory_space<vmem>> -> memref<1x125xi32, #tpu.memory_space<vmem>>
          %dma_wait3A_292 = tpu.memref_squeeze %dma_wait3A_291 : memref<1x125xi32, #tpu.memory_space<vmem>> -> memref<125xi32, #tpu.memory_space<vmem>>
          %dma_wait3A_293 = arith.constant 0 : i32
          %dma_wait3A_294 = arith.constant 0 : i32
          %dma_wait3A_295 = tpu.memref_slice %arg10[%dma_wait3A_293, %dma_wait3A_294] : memref<10240x32xf32, #tpu.memory_space<vmem_shared>> -> memref<10240x32xf32, #tpu.memory_space<vmem_shared>>
          %dma_wait3A_296 = tpu.memref_slice %arg12[%dma_wait3A_285] : memref<4x!tpu.dma_semaphore, #tpu.memory_space<semaphore_mem>> -> memref<1x!tpu.dma_semaphore, #tpu.memory_space<semaphore_mem>>
          %dma_wait3A_297 = tpu.memref_squeeze %dma_wait3A_296 : memref<1x!tpu.dma_semaphore, #tpu.memory_space<semaphore_mem>> -> memref<!tpu.dma_semaphore, #tpu.memory_space<semaphore_mem>>
          tpu.wait_indirect_dma semaphore(%dma_wait3A_297 : memref<!tpu.dma_semaphore, #tpu.memory_space<semaphore_mem>>) src(%dma_wait3A_289 : memref<125x32xf32, #tpu.memory_space<vmem>>) dst(%dma_wait3A_295 : memref<10240x32xf32, #tpu.memory_space<vmem_shared>>)
        } else {
        }
        %dma_start3A_269 = arith.constant 1 : i32
        %dma_start3A_270 = arith.constant 1 : i32
        %dma_start3A_271 = arith.constant 0 : i32
        %dma_start3A_272 = arith.constant 0 : i32
        %dma_start3A_273 = tpu.memref_slice %arg8[%dma_start3A_269, %dma_start3A_271, %dma_start3A_272] : memref<4x125x32xf32, #tpu.memory_space<vmem>> -> memref<1x125x32xf32, #tpu.memory_space<vmem>>
        %dma_start3A_274 = tpu.memref_squeeze %dma_start3A_273 : memref<1x125x32xf32, #tpu.memory_space<vmem>> -> memref<125x32xf32, #tpu.memory_space<vmem>>
        %dma_start3A_275 = arith.constant 0 : i32
        %dma_start3A_276 = tpu.memref_slice %arg6[%add3A_258, %dma_start3A_275] : memref<80x125xi32, #tpu.memory_space<vmem>> -> memref<1x125xi32, #tpu.memory_space<vmem>>
        %dma_start3A_277 = tpu.memref_squeeze %dma_start3A_276 : memref<1x125xi32, #tpu.memory_space<vmem>> -> memref<125xi32, #tpu.memory_space<vmem>>
        %dma_start3A_278 = arith.constant 0 : i32
        %dma_start3A_279 = arith.constant 0 : i32
        %dma_start3A_280 = tpu.memref_slice %arg2[%dma_start3A_278, %dma_start3A_279] : memref<10240x32xf32, #tpu.memory_space<hbm>> -> memref<10240x32xf32, #tpu.memory_space<hbm>>
        %dma_start3A_281 = tpu.memref_slice %arg11[%dma_start3A_270] : memref<4x!tpu.dma_semaphore, #tpu.memory_space<semaphore_mem>> -> memref<1x!tpu.dma_semaphore, #tpu.memory_space<semaphore_mem>>
        %dma_start3A_282 = tpu.memref_squeeze %dma_start3A_281 : memref<1x!tpu.dma_semaphore, #tpu.memory_space<semaphore_mem>> -> memref<!tpu.dma_semaphore, #tpu.memory_space<semaphore_mem>>
        tpu.enqueue_indirect_dma source(%dma_start3A_280 : memref<10240x32xf32, #tpu.memory_space<hbm>>) target(%dma_start3A_274 : memref<125x32xf32, #tpu.memory_space<vmem>>) offsets(%dma_start3A_277 : memref<125xi32, #tpu.memory_space<vmem>>) semaphore(%dma_start3A_282 : memref<!tpu.dma_semaphore, #tpu.memory_space<semaphore_mem>>)
      } else {
      }
      %scan3A_264 = arith.constant 0 : i32
      scf.yield %scan3A_264 : i32
    }
    %scan3A_44 = arith.constant 20 : i32
    %dma_wait3A = arith.constant 0 : i32
    %dma_wait3A_45 = arith.constant 76 : i32
    %dma_wait3A_46 = arith.constant 0 : i32
    %dma_wait3A_47 = arith.constant 0 : i32
    %dma_wait3A_48 = arith.constant 0 : i32
    %dma_wait3A_49 = tpu.memref_slice %arg8[%dma_wait3A, %dma_wait3A_47, %dma_wait3A_48] : memref<4x125x32xf32, #tpu.memory_space<vmem>> -> memref<1x125x32xf32, #tpu.memory_space<vmem>>
    %dma_wait3A_50 = tpu.memref_squeeze %dma_wait3A_49 : memref<1x125x32xf32, #tpu.memory_space<vmem>> -> memref<125x32xf32, #tpu.memory_space<vmem>>
    %dma_wait3A_51 = arith.constant 0 : i32
    %dma_wait3A_52 = tpu.memref_slice %arg7[%dma_wait3A_45, %dma_wait3A_51] : memref<80x125xi32, #tpu.memory_space<vmem>> -> memref<1x125xi32, #tpu.memory_space<vmem>>
    %dma_wait3A_53 = tpu.memref_squeeze %dma_wait3A_52 : memref<1x125xi32, #tpu.memory_space<vmem>> -> memref<125xi32, #tpu.memory_space<vmem>>
    %dma_wait3A_54 = arith.constant 0 : i32
    %dma_wait3A_55 = arith.constant 0 : i32
    %dma_wait3A_56 = tpu.memref_slice %arg10[%dma_wait3A_54, %dma_wait3A_55] : memref<10240x32xf32, #tpu.memory_space<vmem_shared>> -> memref<10240x32xf32, #tpu.memory_space<vmem_shared>>
    %dma_wait3A_57 = tpu.memref_slice %arg12[%dma_wait3A_46] : memref<4x!tpu.dma_semaphore, #tpu.memory_space<semaphore_mem>> -> memref<1x!tpu.dma_semaphore, #tpu.memory_space<semaphore_mem>>
    %dma_wait3A_58 = tpu.memref_squeeze %dma_wait3A_57 : memref<1x!tpu.dma_semaphore, #tpu.memory_space<semaphore_mem>> -> memref<!tpu.dma_semaphore, #tpu.memory_space<semaphore_mem>>
    tpu.wait_indirect_dma semaphore(%dma_wait3A_58 : memref<!tpu.dma_semaphore, #tpu.memory_space<semaphore_mem>>) src(%dma_wait3A_50 : memref<125x32xf32, #tpu.memory_space<vmem>>) dst(%dma_wait3A_56 : memref<10240x32xf32, #tpu.memory_space<vmem_shared>>)
    %dma_wait3A_59 = arith.constant 1 : i32
    %dma_wait3A_60 = arith.constant 77 : i32
    %dma_wait3A_61 = arith.constant 1 : i32
    %dma_wait3A_62 = arith.constant 0 : i32
    %dma_wait3A_63 = arith.constant 0 : i32
    %dma_wait3A_64 = tpu.memref_slice %arg8[%dma_wait3A_59, %dma_wait3A_62, %dma_wait3A_63] : memref<4x125x32xf32, #tpu.memory_space<vmem>> -> memref<1x125x32xf32, #tpu.memory_space<vmem>>
    %dma_wait3A_65 = tpu.memref_squeeze %dma_wait3A_64 : memref<1x125x32xf32, #tpu.memory_space<vmem>> -> memref<125x32xf32, #tpu.memory_space<vmem>>
    %dma_wait3A_66 = arith.constant 0 : i32
    %dma_wait3A_67 = tpu.memref_slice %arg7[%dma_wait3A_60, %dma_wait3A_66] : memref<80x125xi32, #tpu.memory_space<vmem>> -> memref<1x125xi32, #tpu.memory_space<vmem>>
    %dma_wait3A_68 = tpu.memref_squeeze %dma_wait3A_67 : memref<1x125xi32, #tpu.memory_space<vmem>> -> memref<125xi32, #tpu.memory_space<vmem>>
    %dma_wait3A_69 = arith.constant 0 : i32
    %dma_wait3A_70 = arith.constant 0 : i32
    %dma_wait3A_71 = tpu.memref_slice %arg10[%dma_wait3A_69, %dma_wait3A_70] : memref<10240x32xf32, #tpu.memory_space<vmem_shared>> -> memref<10240x32xf32, #tpu.memory_space<vmem_shared>>
    %dma_wait3A_72 = tpu.memref_slice %arg12[%dma_wait3A_61] : memref<4x!tpu.dma_semaphore, #tpu.memory_space<semaphore_mem>> -> memref<1x!tpu.dma_semaphore, #tpu.memory_space<semaphore_mem>>
    %dma_wait3A_73 = tpu.memref_squeeze %dma_wait3A_72 : memref<1x!tpu.dma_semaphore, #tpu.memory_space<semaphore_mem>> -> memref<!tpu.dma_semaphore, #tpu.memory_space<semaphore_mem>>
    tpu.wait_indirect_dma semaphore(%dma_wait3A_73 : memref<!tpu.dma_semaphore, #tpu.memory_space<semaphore_mem>>) src(%dma_wait3A_65 : memref<125x32xf32, #tpu.memory_space<vmem>>) dst(%dma_wait3A_71 : memref<10240x32xf32, #tpu.memory_space<vmem_shared>>)
    %dma_wait3A_74 = arith.constant 2 : i32
    %dma_wait3A_75 = arith.constant 78 : i32
    %dma_wait3A_76 = arith.constant 2 : i32
    %dma_wait3A_77 = arith.constant 0 : i32
    %dma_wait3A_78 = arith.constant 0 : i32
    %dma_wait3A_79 = tpu.memref_slice %arg8[%dma_wait3A_74, %dma_wait3A_77, %dma_wait3A_78] : memref<4x125x32xf32, #tpu.memory_space<vmem>> -> memref<1x125x32xf32, #tpu.memory_space<vmem>>
    %dma_wait3A_80 = tpu.memref_squeeze %dma_wait3A_79 : memref<1x125x32xf32, #tpu.memory_space<vmem>> -> memref<125x32xf32, #tpu.memory_space<vmem>>
    %dma_wait3A_81 = arith.constant 0 : i32
    %dma_wait3A_82 = tpu.memref_slice %arg7[%dma_wait3A_75, %dma_wait3A_81] : memref<80x125xi32, #tpu.memory_space<vmem>> -> memref<1x125xi32, #tpu.memory_space<vmem>>
    %dma_wait3A_83 = tpu.memref_squeeze %dma_wait3A_82 : memref<1x125xi32, #tpu.memory_space<vmem>> -> memref<125xi32, #tpu.memory_space<vmem>>
    %dma_wait3A_84 = arith.constant 0 : i32
    %dma_wait3A_85 = arith.constant 0 : i32
    %dma_wait3A_86 = tpu.memref_slice %arg10[%dma_wait3A_84, %dma_wait3A_85] : memref<10240x32xf32, #tpu.memory_space<vmem_shared>> -> memref<10240x32xf32, #tpu.memory_space<vmem_shared>>
    %dma_wait3A_87 = tpu.memref_slice %arg12[%dma_wait3A_76] : memref<4x!tpu.dma_semaphore, #tpu.memory_space<semaphore_mem>> -> memref<1x!tpu.dma_semaphore, #tpu.memory_space<semaphore_mem>>
    %dma_wait3A_88 = tpu.memref_squeeze %dma_wait3A_87 : memref<1x!tpu.dma_semaphore, #tpu.memory_space<semaphore_mem>> -> memref<!tpu.dma_semaphore, #tpu.memory_space<semaphore_mem>>
    tpu.wait_indirect_dma semaphore(%dma_wait3A_88 : memref<!tpu.dma_semaphore, #tpu.memory_space<semaphore_mem>>) src(%dma_wait3A_80 : memref<125x32xf32, #tpu.memory_space<vmem>>) dst(%dma_wait3A_86 : memref<10240x32xf32, #tpu.memory_space<vmem_shared>>)
    %dma_wait3A_89 = arith.constant 3 : i32
    %dma_wait3A_90 = arith.constant 79 : i32
    %dma_wait3A_91 = arith.constant 3 : i32
    %dma_wait3A_92 = arith.constant 0 : i32
    %dma_wait3A_93 = arith.constant 0 : i32
    %dma_wait3A_94 = tpu.memref_slice %arg8[%dma_wait3A_89, %dma_wait3A_92, %dma_wait3A_93] : memref<4x125x32xf32, #tpu.memory_space<vmem>> -> memref<1x125x32xf32, #tpu.memory_space<vmem>>
    %dma_wait3A_95 = tpu.memref_squeeze %dma_wait3A_94 : memref<1x125x32xf32, #tpu.memory_space<vmem>> -> memref<125x32xf32, #tpu.memory_space<vmem>>
    %dma_wait3A_96 = arith.constant 0 : i32
    %dma_wait3A_97 = tpu.memref_slice %arg7[%dma_wait3A_90, %dma_wait3A_96] : memref<80x125xi32, #tpu.memory_space<vmem>> -> memref<1x125xi32, #tpu.memory_space<vmem>>
    %dma_wait3A_98 = tpu.memref_squeeze %dma_wait3A_97 : memref<1x125xi32, #tpu.memory_space<vmem>> -> memref<125xi32, #tpu.memory_space<vmem>>
    %dma_wait3A_99 = arith.constant 0 : i32
    %dma_wait3A_100 = arith.constant 0 : i32
    %dma_wait3A_101 = tpu.memref_slice %arg10[%dma_wait3A_99, %dma_wait3A_100] : memref<10240x32xf32, #tpu.memory_space<vmem_shared>> -> memref<10240x32xf32, #tpu.memory_space<vmem_shared>>
    %dma_wait3A_102 = tpu.memref_slice %arg12[%dma_wait3A_91] : memref<4x!tpu.dma_semaphore, #tpu.memory_space<semaphore_mem>> -> memref<1x!tpu.dma_semaphore, #tpu.memory_space<semaphore_mem>>
    %dma_wait3A_103 = tpu.memref_squeeze %dma_wait3A_102 : memref<1x!tpu.dma_semaphore, #tpu.memory_space<semaphore_mem>> -> memref<!tpu.dma_semaphore, #tpu.memory_space<semaphore_mem>>
    tpu.wait_indirect_dma semaphore(%dma_wait3A_103 : memref<!tpu.dma_semaphore, #tpu.memory_space<semaphore_mem>>) src(%dma_wait3A_95 : memref<125x32xf32, #tpu.memory_space<vmem>>) dst(%dma_wait3A_101 : memref<10240x32xf32, #tpu.memory_space<vmem_shared>>)
    %barrier3A_104 = arith.constant 0 : index
    tpu.barrier barrier_id(%barrier3A_104)
    %mul3A_105 = arith.constant 640 : i32
    %mul3A_106 = arith.muli %arg1, %mul3A_105 : i32
    %mul3A_107 = arith.constant 640 : i32
    %mul3A_108 = arith.muli %arg1, %mul3A_107 : i32
    "tpu.region"() ({
      %run_scoped3A = tpu.sem_alloc : memref<!tpu.dma_semaphore, #tpu.memory_space<semaphore_mem>>
      %dma_start3A_109 = arith.constant 0 : i32
      %dma_start3A_110 = tpu.memref_slice %arg5[%arg0, %mul3A_108, %dma_start3A_109] : memref<2x10240x32xf32, #tpu.memory_space<hbm>> -> memref<1x640x32xf32, #tpu.memory_space<hbm>>
      %dma_start3A_111 = tpu.memref_squeeze %dma_start3A_110 : memref<1x640x32xf32, #tpu.memory_space<hbm>> -> memref<640x32xf32, #tpu.memory_space<hbm>>
      %dma_start3A_112 = arith.constant 0 : i32
      %dma_start3A_113 = tpu.memref_slice %arg10[%mul3A_106, %dma_start3A_112] : memref<10240x32xf32, #tpu.memory_space<vmem_shared>> -> memref<640x32xf32, #tpu.memory_space<vmem_shared>>
      tpu.enqueue_dma source(%dma_start3A_113 : memref<640x32xf32, #tpu.memory_space<vmem_shared>>) target(%dma_start3A_111 : memref<640x32xf32, #tpu.memory_space<hbm>>) target_semaphore(%run_scoped3A : memref<!tpu.dma_semaphore, #tpu.memory_space<semaphore_mem>>)
      %dma_wait3A_114 = arith.constant 0 : i32
      %dma_wait3A_115 = tpu.memref_slice %arg5[%arg0, %mul3A_108, %dma_wait3A_114] : memref<2x10240x32xf32, #tpu.memory_space<hbm>> -> memref<1x640x32xf32, #tpu.memory_space<hbm>>
      %dma_wait3A_116 = tpu.memref_squeeze %dma_wait3A_115 : memref<1x640x32xf32, #tpu.memory_space<hbm>> -> memref<640x32xf32, #tpu.memory_space<hbm>>
      %dma_wait3A_117 = arith.constant 0 : i32
      %dma_wait3A_118 = tpu.memref_slice %arg10[%mul3A_106, %dma_wait3A_117] : memref<10240x32xf32, #tpu.memory_space<vmem_shared>> -> memref<640x32xf32, #tpu.memory_space<vmem_shared>>
      tpu.wait_dma2 semaphore(%run_scoped3A : memref<!tpu.dma_semaphore, #tpu.memory_space<semaphore_mem>>) src(%dma_wait3A_118 : memref<640x32xf32, #tpu.memory_space<vmem_shared>>) dst(%dma_wait3A_116 : memref<640x32xf32, #tpu.memory_space<hbm>>)
      tpu.yield
    }) : () -> ()
    return
  }
}

#map = affine_map<(d0, d1) -> (0, 0, 0)>
#map1 = affine_map<(d0, d1) -> (0, 0)>
module attributes {stable_mosaic.version = 14 : i64} {
  func.func @_deg_kernel(%arg0: i32, %arg1: i32, %arg2: memref<32x80x125xi32, #tpu.memory_space<hbm>>, %arg3: memref<2x10240xf32, #tpu.memory_space<hbm>>, %arg4: memref<80x125xi32, #tpu.memory_space<vmem>>, %arg5: memref<640xf32, #tpu.memory_space<vmem>>, %arg6: memref<128xf32, #tpu.memory_space<vmem>>, %arg7: memref<10240xf32, #tpu.memory_space<vmem_shared>>, %arg8: memref<!tpu.dma_semaphore, #tpu.memory_space<semaphore_mem>>) attributes {dimension_semantics = [#tpu.dimension_semantics<core_parallel>, #tpu.dimension_semantics<subcore_parallel>], iteration_bounds = array<i64: 2, 16>, scalar_prefetch = 0 : i64, scratch_operands = 5 : i64, tpu.core_type = #tpu.core_type<sc_vector_subcore>, window_params = [{transform_indices = #map}, {transform_indices = #map1}]} {
    %mul3A = arith.constant 16 : i32
    %mul3A_0 = arith.muli %arg0, %mul3A : i32
    %add3A = arith.addi %mul3A_0, %arg1 : i32
    %scan3A = arith.constant 0 : i32
    %scan3A_1 = arith.constant 0 : i32
    %scan3A_2 = arith.constant 40 : i32
    %scan3A_3 = arith.addi %scan3A_1, %scan3A_2 : i32
    %scan3A_4 = arith.constant 1 : i32
    %scan3A_5 = scf.for %scan3A_74 = %scan3A_1 to %scan3A_3 step %scan3A_4 iter_args(%scan3A_75 = %scan3A) -> (i32)  : i32 {
      %broadcast_in_dim3A_76 = arith.constant 0.000000e+00 : f32
      %broadcast_in_dim3A_77 = vector.broadcast %broadcast_in_dim3A_76 : f32 to vector<16xf32>
      %mul3A_78 = arith.constant 16 : i32
      %mul3A_79 = arith.muli %scan3A_74, %mul3A_78 : i32
      %swap3A_80 = arith.index_cast %mul3A_79 : i32 to index
      %swap3A_81 = tpu.vector_load %arg5[%swap3A_80] {strides = array<i32>} : memref<640xf32, #tpu.memory_space<vmem>>, vector<16xf32>,
      %swap3A_82 = vector.shape_cast %swap3A_81 : vector<16xf32> to vector<16xf32>
      %swap3A_83 = vector.shape_cast %broadcast_in_dim3A_77 : vector<16xf32> to vector<16xf32>
      tpu.vector_store %arg5[%swap3A_80], %swap3A_83 {strides = array<i32>} : memref<640xf32, #tpu.memory_space<vmem>>, vector<16xf32>,
      %scan3A_84 = arith.constant 0 : i32
      scf.yield %scan3A_84 : i32
    }
    %scan3A_6 = arith.constant 40 : i32
    %broadcast_in_dim3A = arith.constant 1.000000e+00 : f32
    %broadcast_in_dim3A_7 = vector.broadcast %broadcast_in_dim3A : f32 to vector<16xf32>
    %swap3A = arith.constant 0 : index
    %swap3A_8 = tpu.vector_load %arg6[%swap3A] {strides = array<i32>} : memref<128xf32, #tpu.memory_space<vmem>>, vector<16xf32>,
    %swap3A_9 = vector.shape_cast %swap3A_8 : vector<16xf32> to vector<16xf32>
    %swap3A_10 = vector.shape_cast %broadcast_in_dim3A_7 : vector<16xf32> to vector<16xf32>
    tpu.vector_store %arg6[%swap3A], %swap3A_10 {strides = array<i32>} : memref<128xf32, #tpu.memory_space<vmem>>, vector<16xf32>,
    %broadcast_in_dim3A_11 = arith.constant 1.000000e+00 : f32
    %broadcast_in_dim3A_12 = vector.broadcast %broadcast_in_dim3A_11 : f32 to vector<16xf32>
    %swap3A_13 = arith.constant 16 : index
    %swap3A_14 = tpu.vector_load %arg6[%swap3A_13] {strides = array<i32>} : memref<128xf32, #tpu.memory_space<vmem>>, vector<16xf32>,
    %swap3A_15 = vector.shape_cast %swap3A_14 : vector<16xf32> to vector<16xf32>
    %swap3A_16 = vector.shape_cast %broadcast_in_dim3A_12 : vector<16xf32> to vector<16xf32>
    tpu.vector_store %arg6[%swap3A_13], %swap3A_16 {strides = array<i32>} : memref<128xf32, #tpu.memory_space<vmem>>, vector<16xf32>,
    %broadcast_in_dim3A_17 = arith.constant 1.000000e+00 : f32
    %broadcast_in_dim3A_18 = vector.broadcast %broadcast_in_dim3A_17 : f32 to vector<16xf32>
    %swap3A_19 = arith.constant 32 : index
    %swap3A_20 = tpu.vector_load %arg6[%swap3A_19] {strides = array<i32>} : memref<128xf32, #tpu.memory_space<vmem>>, vector<16xf32>,
    %swap3A_21 = vector.shape_cast %swap3A_20 : vector<16xf32> to vector<16xf32>
    %swap3A_22 = vector.shape_cast %broadcast_in_dim3A_18 : vector<16xf32> to vector<16xf32>
    tpu.vector_store %arg6[%swap3A_19], %swap3A_22 {strides = array<i32>} : memref<128xf32, #tpu.memory_space<vmem>>, vector<16xf32>,
    %broadcast_in_dim3A_23 = arith.constant 1.000000e+00 : f32
    %broadcast_in_dim3A_24 = vector.broadcast %broadcast_in_dim3A_23 : f32 to vector<16xf32>
    %swap3A_25 = arith.constant 48 : index
    %swap3A_26 = tpu.vector_load %arg6[%swap3A_25] {strides = array<i32>} : memref<128xf32, #tpu.memory_space<vmem>>, vector<16xf32>,
    %swap3A_27 = vector.shape_cast %swap3A_26 : vector<16xf32> to vector<16xf32>
    %swap3A_28 = vector.shape_cast %broadcast_in_dim3A_24 : vector<16xf32> to vector<16xf32>
    tpu.vector_store %arg6[%swap3A_25], %swap3A_28 {strides = array<i32>} : memref<128xf32, #tpu.memory_space<vmem>>, vector<16xf32>,
    %broadcast_in_dim3A_29 = arith.constant 1.000000e+00 : f32
    %broadcast_in_dim3A_30 = vector.broadcast %broadcast_in_dim3A_29 : f32 to vector<16xf32>
    %swap3A_31 = arith.constant 64 : index
    %swap3A_32 = tpu.vector_load %arg6[%swap3A_31] {strides = array<i32>} : memref<128xf32, #tpu.memory_space<vmem>>, vector<16xf32>,
    %swap3A_33 = vector.shape_cast %swap3A_32 : vector<16xf32> to vector<16xf32>
    %swap3A_34 = vector.shape_cast %broadcast_in_dim3A_30 : vector<16xf32> to vector<16xf32>
    tpu.vector_store %arg6[%swap3A_31], %swap3A_34 {strides = array<i32>} : memref<128xf32, #tpu.memory_space<vmem>>, vector<16xf32>,
    %broadcast_in_dim3A_35 = arith.constant 1.000000e+00 : f32
    %broadcast_in_dim3A_36 = vector.broadcast %broadcast_in_dim3A_35 : f32 to vector<16xf32>
    %swap3A_37 = arith.constant 80 : index
    %swap3A_38 = tpu.vector_load %arg6[%swap3A_37] {strides = array<i32>} : memref<128xf32, #tpu.memory_space<vmem>>, vector<16xf32>,
    %swap3A_39 = vector.shape_cast %swap3A_38 : vector<16xf32> to vector<16xf32>
    %swap3A_40 = vector.shape_cast %broadcast_in_dim3A_36 : vector<16xf32> to vector<16xf32>
    tpu.vector_store %arg6[%swap3A_37], %swap3A_40 {strides = array<i32>} : memref<128xf32, #tpu.memory_space<vmem>>, vector<16xf32>,
    %broadcast_in_dim3A_41 = arith.constant 1.000000e+00 : f32
    %broadcast_in_dim3A_42 = vector.broadcast %broadcast_in_dim3A_41 : f32 to vector<16xf32>
    %swap3A_43 = arith.constant 96 : index
    %swap3A_44 = tpu.vector_load %arg6[%swap3A_43] {strides = array<i32>} : memref<128xf32, #tpu.memory_space<vmem>>, vector<16xf32>,
    %swap3A_45 = vector.shape_cast %swap3A_44 : vector<16xf32> to vector<16xf32>
    %swap3A_46 = vector.shape_cast %broadcast_in_dim3A_42 : vector<16xf32> to vector<16xf32>
    tpu.vector_store %arg6[%swap3A_43], %swap3A_46 {strides = array<i32>} : memref<128xf32, #tpu.memory_space<vmem>>, vector<16xf32>,
    %broadcast_in_dim3A_47 = arith.constant 1.000000e+00 : f32
    %broadcast_in_dim3A_48 = vector.broadcast %broadcast_in_dim3A_47 : f32 to vector<16xf32>
    %swap3A_49 = arith.constant 112 : index
    %swap3A_50 = tpu.vector_load %arg6[%swap3A_49] {strides = array<i32>} : memref<128xf32, #tpu.memory_space<vmem>>, vector<16xf32>,
    %swap3A_51 = vector.shape_cast %swap3A_50 : vector<16xf32> to vector<16xf32>
    %swap3A_52 = vector.shape_cast %broadcast_in_dim3A_48 : vector<16xf32> to vector<16xf32>
    tpu.vector_store %arg6[%swap3A_49], %swap3A_52 {strides = array<i32>} : memref<128xf32, #tpu.memory_space<vmem>>, vector<16xf32>,
    %mul3A_53 = arith.constant 640 : i32
    %mul3A_54 = arith.muli %arg1, %mul3A_53 : i32
    "tpu.region"() ({
      %run_scoped3A = tpu.sem_alloc : memref<!tpu.dma_semaphore, #tpu.memory_space<semaphore_mem>>
      %dma_start3A = tpu.memref_slice %arg7[%mul3A_54] : memref<10240xf32, #tpu.memory_space<vmem_shared>> -> memref<640xf32, #tpu.memory_space<vmem_shared>>
      %dma_start3A_74 = tpu.memref_slice %arg7[%mul3A_54] : memref<10240xf32, #tpu.memory_space<vmem_shared>> -> memref<640xf32, #tpu.memory_space<vmem_shared>>
      tpu.enqueue_dma source(%arg5 : memref<640xf32, #tpu.memory_space<vmem>>) target(%dma_start3A_74 : memref<640xf32, #tpu.memory_space<vmem_shared>>) target_semaphore(%run_scoped3A : memref<!tpu.dma_semaphore, #tpu.memory_space<semaphore_mem>>)
      %dma_wait3A = tpu.memref_slice %arg7[%mul3A_54] : memref<10240xf32, #tpu.memory_space<vmem_shared>> -> memref<640xf32, #tpu.memory_space<vmem_shared>>
      %dma_wait3A_75 = tpu.memref_slice %arg7[%mul3A_54] : memref<10240xf32, #tpu.memory_space<vmem_shared>> -> memref<640xf32, #tpu.memory_space<vmem_shared>>
      tpu.wait_dma2 semaphore(%run_scoped3A : memref<!tpu.dma_semaphore, #tpu.memory_space<semaphore_mem>>) src(%arg5 : memref<640xf32, #tpu.memory_space<vmem>>) dst(%dma_wait3A_75 : memref<640xf32, #tpu.memory_space<vmem_shared>>)
      tpu.yield
    }) : () -> ()
    "tpu.region"() ({
      %run_scoped3A = tpu.sem_alloc : memref<!tpu.dma_semaphore, #tpu.memory_space<semaphore_mem>>
      %dma_start3A = arith.constant 0 : i32
      %dma_start3A_74 = arith.constant 0 : i32
      %dma_start3A_75 = tpu.memref_slice %arg2[%add3A, %dma_start3A, %dma_start3A_74] : memref<32x80x125xi32, #tpu.memory_space<hbm>> -> memref<1x80x125xi32, #tpu.memory_space<hbm>>
      %dma_start3A_76 = tpu.memref_squeeze %dma_start3A_75 : memref<1x80x125xi32, #tpu.memory_space<hbm>> -> memref<80x125xi32, #tpu.memory_space<hbm>>
      %dma_start3A_77 = arith.constant 0 : i32
      %dma_start3A_78 = arith.constant 0 : i32
      %dma_start3A_79 = tpu.memref_slice %arg2[%add3A, %dma_start3A_77, %dma_start3A_78] : memref<32x80x125xi32, #tpu.memory_space<hbm>> -> memref<1x80x125xi32, #tpu.memory_space<hbm>>
      %dma_start3A_80 = tpu.memref_squeeze %dma_start3A_79 : memref<1x80x125xi32, #tpu.memory_space<hbm>> -> memref<80x125xi32, #tpu.memory_space<hbm>>
      tpu.enqueue_dma source(%dma_start3A_80 : memref<80x125xi32, #tpu.memory_space<hbm>>) target(%arg4 : memref<80x125xi32, #tpu.memory_space<vmem>>) target_semaphore(%run_scoped3A : memref<!tpu.dma_semaphore, #tpu.memory_space<semaphore_mem>>)
      %dma_wait3A = arith.constant 0 : i32
      %dma_wait3A_81 = arith.constant 0 : i32
      %dma_wait3A_82 = tpu.memref_slice %arg2[%add3A, %dma_wait3A, %dma_wait3A_81] : memref<32x80x125xi32, #tpu.memory_space<hbm>> -> memref<1x80x125xi32, #tpu.memory_space<hbm>>
      %dma_wait3A_83 = tpu.memref_squeeze %dma_wait3A_82 : memref<1x80x125xi32, #tpu.memory_space<hbm>> -> memref<80x125xi32, #tpu.memory_space<hbm>>
      %dma_wait3A_84 = arith.constant 0 : i32
      %dma_wait3A_85 = arith.constant 0 : i32
      %dma_wait3A_86 = tpu.memref_slice %arg2[%add3A, %dma_wait3A_84, %dma_wait3A_85] : memref<32x80x125xi32, #tpu.memory_space<hbm>> -> memref<1x80x125xi32, #tpu.memory_space<hbm>>
      %dma_wait3A_87 = tpu.memref_squeeze %dma_wait3A_86 : memref<1x80x125xi32, #tpu.memory_space<hbm>> -> memref<80x125xi32, #tpu.memory_space<hbm>>
      tpu.wait_dma2 semaphore(%run_scoped3A : memref<!tpu.dma_semaphore, #tpu.memory_space<semaphore_mem>>) src(%dma_wait3A_87 : memref<80x125xi32, #tpu.memory_space<hbm>>) dst(%arg4 : memref<80x125xi32, #tpu.memory_space<vmem>>)
      tpu.yield
    }) : () -> ()
    %barrier3A = arith.constant 0 : index
    tpu.barrier barrier_id(%barrier3A)
    %scan3A_55 = arith.constant 0 : i32
    %scan3A_56 = arith.constant 0 : i32
    %scan3A_57 = arith.constant 80 : i32
    %scan3A_58 = arith.addi %scan3A_56, %scan3A_57 : i32
    %scan3A_59 = arith.constant 1 : i32
    %scan3A_60 = scf.for %scan3A_74 = %scan3A_56 to %scan3A_58 step %scan3A_59 iter_args(%scan3A_75 = %scan3A_55) -> (i32)  : i32 {
      %dma_start3A = arith.constant 0 : i32
      %dma_start3A_76 = tpu.memref_slice %arg6[%dma_start3A] : memref<128xf32, #tpu.memory_space<vmem>> -> memref<125xf32, #tpu.memory_space<vmem>>
      %dma_start3A_77 = arith.constant 0 : i32
      %dma_start3A_78 = tpu.memref_slice %arg4[%scan3A_74, %dma_start3A_77] : memref<80x125xi32, #tpu.memory_space<vmem>> -> memref<1x125xi32, #tpu.memory_space<vmem>>
      %dma_start3A_79 = tpu.memref_squeeze %dma_start3A_78 : memref<1x125xi32, #tpu.memory_space<vmem>> -> memref<125xi32, #tpu.memory_space<vmem>>
      %dma_start3A_80 = arith.constant 0 : i32
      %dma_start3A_81 = tpu.memref_slice %arg7[%dma_start3A_80] : memref<10240xf32, #tpu.memory_space<vmem_shared>> -> memref<10240xf32, #tpu.memory_space<vmem_shared>>
      tpu.enqueue_indirect_dma source(%dma_start3A_76 : memref<125xf32, #tpu.memory_space<vmem>>) target(%dma_start3A_81 : memref<10240xf32, #tpu.memory_space<vmem_shared>>) offsets(%dma_start3A_79 : memref<125xi32, #tpu.memory_space<vmem>>) semaphore(%arg8 : memref<!tpu.dma_semaphore, #tpu.memory_space<semaphore_mem>>) {add = true}
      %scan3A_82 = arith.constant 0 : i32
      scf.yield %scan3A_82 : i32
    }
    %scan3A_61 = arith.constant 80 : i32
    %scan3A_62 = arith.constant 0 : i32
    %scan3A_63 = arith.constant 0 : i32
    %scan3A_64 = arith.constant 80 : i32
    %scan3A_65 = arith.addi %scan3A_63, %scan3A_64 : i32
    %scan3A_66 = arith.constant 1 : i32
    %scan3A_67 = scf.for %scan3A_74 = %scan3A_63 to %scan3A_65 step %scan3A_66 iter_args(%scan3A_75 = %scan3A_62) -> (i32)  : i32 {
      %dma_wait3A = arith.constant 0 : i32
      %dma_wait3A_76 = tpu.memref_slice %arg6[%dma_wait3A] : memref<128xf32, #tpu.memory_space<vmem>> -> memref<125xf32, #tpu.memory_space<vmem>>
      %dma_wait3A_77 = arith.constant 0 : i32
      %dma_wait3A_78 = tpu.memref_slice %arg4[%scan3A_74, %dma_wait3A_77] : memref<80x125xi32, #tpu.memory_space<vmem>> -> memref<1x125xi32, #tpu.memory_space<vmem>>
      %dma_wait3A_79 = tpu.memref_squeeze %dma_wait3A_78 : memref<1x125xi32, #tpu.memory_space<vmem>> -> memref<125xi32, #tpu.memory_space<vmem>>
      %dma_wait3A_80 = arith.constant 0 : i32
      %dma_wait3A_81 = tpu.memref_slice %arg7[%dma_wait3A_80] : memref<10240xf32, #tpu.memory_space<vmem_shared>> -> memref<10240xf32, #tpu.memory_space<vmem_shared>>
      tpu.wait_indirect_dma semaphore(%arg8 : memref<!tpu.dma_semaphore, #tpu.memory_space<semaphore_mem>>) src(%dma_wait3A_76 : memref<125xf32, #tpu.memory_space<vmem>>) dst(%dma_wait3A_81 : memref<10240xf32, #tpu.memory_space<vmem_shared>>)
      %scan3A_82 = arith.constant 0 : i32
      scf.yield %scan3A_82 : i32
    }
    %scan3A_68 = arith.constant 80 : i32
    %barrier3A_69 = arith.constant 0 : index
    tpu.barrier barrier_id(%barrier3A_69)
    %mul3A_70 = arith.constant 640 : i32
    %mul3A_71 = arith.muli %arg1, %mul3A_70 : i32
    %mul3A_72 = arith.constant 640 : i32
    %mul3A_73 = arith.muli %arg1, %mul3A_72 : i32
    "tpu.region"() ({
      %run_scoped3A = tpu.sem_alloc : memref<!tpu.dma_semaphore, #tpu.memory_space<semaphore_mem>>
      %dma_start3A = tpu.memref_slice %arg3[%arg0, %mul3A_73] : memref<2x10240xf32, #tpu.memory_space<hbm>> -> memref<1x640xf32, #tpu.memory_space<hbm>>
      %dma_start3A_74 = tpu.memref_squeeze %dma_start3A : memref<1x640xf32, #tpu.memory_space<hbm>> -> memref<640xf32, #tpu.memory_space<hbm>>
      %dma_start3A_75 = tpu.memref_slice %arg7[%mul3A_71] : memref<10240xf32, #tpu.memory_space<vmem_shared>> -> memref<640xf32, #tpu.memory_space<vmem_shared>>
      tpu.enqueue_dma source(%dma_start3A_75 : memref<640xf32, #tpu.memory_space<vmem_shared>>) target(%dma_start3A_74 : memref<640xf32, #tpu.memory_space<hbm>>) target_semaphore(%run_scoped3A : memref<!tpu.dma_semaphore, #tpu.memory_space<semaphore_mem>>)
      %dma_wait3A = tpu.memref_slice %arg3[%arg0, %mul3A_73] : memref<2x10240xf32, #tpu.memory_space<hbm>> -> memref<1x640xf32, #tpu.memory_space<hbm>>
      %dma_wait3A_76 = tpu.memref_squeeze %dma_wait3A : memref<1x640xf32, #tpu.memory_space<hbm>> -> memref<640xf32, #tpu.memory_space<hbm>>
      %dma_wait3A_77 = tpu.memref_slice %arg7[%mul3A_71] : memref<10240xf32, #tpu.memory_space<vmem_shared>> -> memref<640xf32, #tpu.memory_space<vmem_shared>>
      tpu.wait_dma2 semaphore(%run_scoped3A : memref<!tpu.dma_semaphore, #tpu.memory_space<semaphore_mem>>) src(%dma_wait3A_77 : memref<640xf32, #tpu.memory_space<vmem_shared>>) dst(%dma_wait3A_76 : memref<640xf32, #tpu.memory_space<hbm>>)
      tpu.yield
    }) : () -> ()
    return
  }
}

#map = affine_map<(d0, d1) -> (0, 0)>
#map1 = affine_map<(d0, d1) -> (0, 0, 0)>
module attributes {stable_mosaic.version = 14 : i64} {
  func.func @agg(%arg0: i32, %arg1: i32, %arg2: memref<10240x16xf32, #tpu.memory_space<hbm>>, %arg3: memref<32x80x125xi32, #tpu.memory_space<hbm>>, %arg4: memref<32x80x125xi32, #tpu.memory_space<hbm>>, %arg5: memref<2x10240x16xf32, #tpu.memory_space<hbm>>, %arg6: memref<80x125xi32, #tpu.memory_space<vmem>>, %arg7: memref<80x125xi32, #tpu.memory_space<vmem>>, %arg8: memref<4x125x16xf32, #tpu.memory_space<vmem>>, %arg9: memref<640x16xf32, #tpu.memory_space<vmem>>, %arg10: memref<10240x16xf32, #tpu.memory_space<vmem_shared>>, %arg11: memref<4x!tpu.dma_semaphore, #tpu.memory_space<semaphore_mem>>, %arg12: memref<4x!tpu.dma_semaphore, #tpu.memory_space<semaphore_mem>>) attributes {dimension_semantics = [#tpu.dimension_semantics<core_parallel>, #tpu.dimension_semantics<subcore_parallel>], iteration_bounds = array<i64: 2, 16>, scalar_prefetch = 0 : i64, scratch_operands = 7 : i64, tpu.core_type = #tpu.core_type<sc_vector_subcore>, window_params = [{transform_indices = #map}, {transform_indices = #map1}, {transform_indices = #map1}, {transform_indices = #map1}]} {
    %mul3A = arith.constant 16 : i32
    %mul3A_0 = arith.muli %arg0, %mul3A : i32
    %add3A = arith.addi %mul3A_0, %arg1 : i32
    %scan3A = arith.constant 0 : i32
    %scan3A_1 = arith.constant 0 : i32
    %scan3A_2 = arith.constant 640 : i32
    %scan3A_3 = arith.addi %scan3A_1, %scan3A_2 : i32
    %scan3A_4 = arith.constant 1 : i32
    %scan3A_5 = scf.for %scan3A_109 = %scan3A_1 to %scan3A_3 step %scan3A_4 iter_args(%scan3A_110 = %scan3A) -> (i32)  : i32 {
      %broadcast_in_dim3A = arith.constant 0.000000e+00 : f32
      %broadcast_in_dim3A_111 = vector.broadcast %broadcast_in_dim3A : f32 to vector<16xf32>
      %swap3A = arith.index_cast %scan3A_109 : i32 to index
      %swap3A_112 = arith.constant 0 : index
      %swap3A_113 = tpu.vector_load %arg9[%swap3A, %swap3A_112] {strides = array<i32>} : memref<640x16xf32, #tpu.memory_space<vmem>>, vector<1x16xf32>,
      %swap3A_114 = vector.shape_cast %swap3A_113 : vector<1x16xf32> to vector<16xf32>
      %swap3A_115 = vector.shape_cast %broadcast_in_dim3A_111 : vector<16xf32> to vector<1x16xf32>
      tpu.vector_store %arg9[%swap3A, %swap3A_112], %swap3A_115 {strides = array<i32>} : memref<640x16xf32, #tpu.memory_space<vmem>>, vector<1x16xf32>,
      %scan3A_116 = arith.constant 0 : i32
      scf.yield %scan3A_116 : i32
    }
    %scan3A_6 = arith.constant 640 : i32
    %mul3A_7 = arith.constant 640 : i32
    %mul3A_8 = arith.muli %arg1, %mul3A_7 : i32
    "tpu.region"() ({
      %run_scoped3A = tpu.sem_alloc : memref<!tpu.dma_semaphore, #tpu.memory_space<semaphore_mem>>
      %dma_start3A_109 = arith.constant 0 : i32
      %dma_start3A_110 = tpu.memref_slice %arg10[%mul3A_8, %dma_start3A_109] : memref<10240x16xf32, #tpu.memory_space<vmem_shared>> -> memref<640x16xf32, #tpu.memory_space<vmem_shared>>
      %dma_start3A_111 = arith.constant 0 : i32
      %dma_start3A_112 = tpu.memref_slice %arg10[%mul3A_8, %dma_start3A_111] : memref<10240x16xf32, #tpu.memory_space<vmem_shared>> -> memref<640x16xf32, #tpu.memory_space<vmem_shared>>
      tpu.enqueue_dma source(%arg9 : memref<640x16xf32, #tpu.memory_space<vmem>>) target(%dma_start3A_112 : memref<640x16xf32, #tpu.memory_space<vmem_shared>>) target_semaphore(%run_scoped3A : memref<!tpu.dma_semaphore, #tpu.memory_space<semaphore_mem>>)
      %dma_wait3A_113 = arith.constant 0 : i32
      %dma_wait3A_114 = tpu.memref_slice %arg10[%mul3A_8, %dma_wait3A_113] : memref<10240x16xf32, #tpu.memory_space<vmem_shared>> -> memref<640x16xf32, #tpu.memory_space<vmem_shared>>
      %dma_wait3A_115 = arith.constant 0 : i32
      %dma_wait3A_116 = tpu.memref_slice %arg10[%mul3A_8, %dma_wait3A_115] : memref<10240x16xf32, #tpu.memory_space<vmem_shared>> -> memref<640x16xf32, #tpu.memory_space<vmem_shared>>
      tpu.wait_dma2 semaphore(%run_scoped3A : memref<!tpu.dma_semaphore, #tpu.memory_space<semaphore_mem>>) src(%arg9 : memref<640x16xf32, #tpu.memory_space<vmem>>) dst(%dma_wait3A_116 : memref<640x16xf32, #tpu.memory_space<vmem_shared>>)
      tpu.yield
    }) : () -> ()
    "tpu.region"() ({
      %run_scoped3A = tpu.sem_alloc : memref<!tpu.dma_semaphore, #tpu.memory_space<semaphore_mem>>
      %dma_start3A_109 = arith.constant 0 : i32
      %dma_start3A_110 = arith.constant 0 : i32
      %dma_start3A_111 = tpu.memref_slice %arg3[%add3A, %dma_start3A_109, %dma_start3A_110] : memref<32x80x125xi32, #tpu.memory_space<hbm>> -> memref<1x80x125xi32, #tpu.memory_space<hbm>>
      %dma_start3A_112 = tpu.memref_squeeze %dma_start3A_111 : memref<1x80x125xi32, #tpu.memory_space<hbm>> -> memref<80x125xi32, #tpu.memory_space<hbm>>
      %dma_start3A_113 = arith.constant 0 : i32
      %dma_start3A_114 = arith.constant 0 : i32
      %dma_start3A_115 = tpu.memref_slice %arg3[%add3A, %dma_start3A_113, %dma_start3A_114] : memref<32x80x125xi32, #tpu.memory_space<hbm>> -> memref<1x80x125xi32, #tpu.memory_space<hbm>>
      %dma_start3A_116 = tpu.memref_squeeze %dma_start3A_115 : memref<1x80x125xi32, #tpu.memory_space<hbm>> -> memref<80x125xi32, #tpu.memory_space<hbm>>
      tpu.enqueue_dma source(%dma_start3A_116 : memref<80x125xi32, #tpu.memory_space<hbm>>) target(%arg6 : memref<80x125xi32, #tpu.memory_space<vmem>>) target_semaphore(%run_scoped3A : memref<!tpu.dma_semaphore, #tpu.memory_space<semaphore_mem>>)
      %dma_wait3A_117 = arith.constant 0 : i32
      %dma_wait3A_118 = arith.constant 0 : i32
      %dma_wait3A_119 = tpu.memref_slice %arg3[%add3A, %dma_wait3A_117, %dma_wait3A_118] : memref<32x80x125xi32, #tpu.memory_space<hbm>> -> memref<1x80x125xi32, #tpu.memory_space<hbm>>
      %dma_wait3A_120 = tpu.memref_squeeze %dma_wait3A_119 : memref<1x80x125xi32, #tpu.memory_space<hbm>> -> memref<80x125xi32, #tpu.memory_space<hbm>>
      %dma_wait3A_121 = arith.constant 0 : i32
      %dma_wait3A_122 = arith.constant 0 : i32
      %dma_wait3A_123 = tpu.memref_slice %arg3[%add3A, %dma_wait3A_121, %dma_wait3A_122] : memref<32x80x125xi32, #tpu.memory_space<hbm>> -> memref<1x80x125xi32, #tpu.memory_space<hbm>>
      %dma_wait3A_124 = tpu.memref_squeeze %dma_wait3A_123 : memref<1x80x125xi32, #tpu.memory_space<hbm>> -> memref<80x125xi32, #tpu.memory_space<hbm>>
      tpu.wait_dma2 semaphore(%run_scoped3A : memref<!tpu.dma_semaphore, #tpu.memory_space<semaphore_mem>>) src(%dma_wait3A_124 : memref<80x125xi32, #tpu.memory_space<hbm>>) dst(%arg6 : memref<80x125xi32, #tpu.memory_space<vmem>>)
      tpu.yield
    }) : () -> ()
    "tpu.region"() ({
      %run_scoped3A = tpu.sem_alloc : memref<!tpu.dma_semaphore, #tpu.memory_space<semaphore_mem>>
      %dma_start3A_109 = arith.constant 0 : i32
      %dma_start3A_110 = arith.constant 0 : i32
      %dma_start3A_111 = tpu.memref_slice %arg4[%add3A, %dma_start3A_109, %dma_start3A_110] : memref<32x80x125xi32, #tpu.memory_space<hbm>> -> memref<1x80x125xi32, #tpu.memory_space<hbm>>
      %dma_start3A_112 = tpu.memref_squeeze %dma_start3A_111 : memref<1x80x125xi32, #tpu.memory_space<hbm>> -> memref<80x125xi32, #tpu.memory_space<hbm>>
      %dma_start3A_113 = arith.constant 0 : i32
      %dma_start3A_114 = arith.constant 0 : i32
      %dma_start3A_115 = tpu.memref_slice %arg4[%add3A, %dma_start3A_113, %dma_start3A_114] : memref<32x80x125xi32, #tpu.memory_space<hbm>> -> memref<1x80x125xi32, #tpu.memory_space<hbm>>
      %dma_start3A_116 = tpu.memref_squeeze %dma_start3A_115 : memref<1x80x125xi32, #tpu.memory_space<hbm>> -> memref<80x125xi32, #tpu.memory_space<hbm>>
      tpu.enqueue_dma source(%dma_start3A_116 : memref<80x125xi32, #tpu.memory_space<hbm>>) target(%arg7 : memref<80x125xi32, #tpu.memory_space<vmem>>) target_semaphore(%run_scoped3A : memref<!tpu.dma_semaphore, #tpu.memory_space<semaphore_mem>>)
      %dma_wait3A_117 = arith.constant 0 : i32
      %dma_wait3A_118 = arith.constant 0 : i32
      %dma_wait3A_119 = tpu.memref_slice %arg4[%add3A, %dma_wait3A_117, %dma_wait3A_118] : memref<32x80x125xi32, #tpu.memory_space<hbm>> -> memref<1x80x125xi32, #tpu.memory_space<hbm>>
      %dma_wait3A_120 = tpu.memref_squeeze %dma_wait3A_119 : memref<1x80x125xi32, #tpu.memory_space<hbm>> -> memref<80x125xi32, #tpu.memory_space<hbm>>
      %dma_wait3A_121 = arith.constant 0 : i32
      %dma_wait3A_122 = arith.constant 0 : i32
      %dma_wait3A_123 = tpu.memref_slice %arg4[%add3A, %dma_wait3A_121, %dma_wait3A_122] : memref<32x80x125xi32, #tpu.memory_space<hbm>> -> memref<1x80x125xi32, #tpu.memory_space<hbm>>
      %dma_wait3A_124 = tpu.memref_squeeze %dma_wait3A_123 : memref<1x80x125xi32, #tpu.memory_space<hbm>> -> memref<80x125xi32, #tpu.memory_space<hbm>>
      tpu.wait_dma2 semaphore(%run_scoped3A : memref<!tpu.dma_semaphore, #tpu.memory_space<semaphore_mem>>) src(%dma_wait3A_124 : memref<80x125xi32, #tpu.memory_space<hbm>>) dst(%arg7 : memref<80x125xi32, #tpu.memory_space<vmem>>)
      tpu.yield
    }) : () -> ()
    %barrier3A = arith.constant 0 : index
    tpu.barrier barrier_id(%barrier3A)
    %dma_start3A = arith.constant 0 : i32
    %dma_start3A_9 = arith.constant 0 : i32
    %dma_start3A_10 = arith.constant 0 : i32
    %dma_start3A_11 = arith.constant 0 : i32
    %dma_start3A_12 = arith.constant 0 : i32
    %dma_start3A_13 = tpu.memref_slice %arg8[%dma_start3A_9, %dma_start3A_11, %dma_start3A_12] : memref<4x125x16xf32, #tpu.memory_space<vmem>> -> memref<1x125x16xf32, #tpu.memory_space<vmem>>
    %dma_start3A_14 = tpu.memref_squeeze %dma_start3A_13 : memref<1x125x16xf32, #tpu.memory_space<vmem>> -> memref<125x16xf32, #tpu.memory_space<vmem>>
    %dma_start3A_15 = arith.constant 0 : i32
    %dma_start3A_16 = tpu.memref_slice %arg6[%dma_start3A, %dma_start3A_15] : memref<80x125xi32, #tpu.memory_space<vmem>> -> memref<1x125xi32, #tpu.memory_space<vmem>>
    %dma_start3A_17 = tpu.memref_squeeze %dma_start3A_16 : memref<1x125xi32, #tpu.memory_space<vmem>> -> memref<125xi32, #tpu.memory_space<vmem>>
    %dma_start3A_18 = arith.constant 0 : i32
    %dma_start3A_19 = arith.constant 0 : i32
    %dma_start3A_20 = tpu.memref_slice %arg2[%dma_start3A_18, %dma_start3A_19] : memref<10240x16xf32, #tpu.memory_space<hbm>> -> memref<10240x16xf32, #tpu.memory_space<hbm>>
    %dma_start3A_21 = tpu.memref_slice %arg11[%dma_start3A_10] : memref<4x!tpu.dma_semaphore, #tpu.memory_space<semaphore_mem>> -> memref<1x!tpu.dma_semaphore, #tpu.memory_space<semaphore_mem>>
    %dma_start3A_22 = tpu.memref_squeeze %dma_start3A_21 : memref<1x!tpu.dma_semaphore, #tpu.memory_space<semaphore_mem>> -> memref<!tpu.dma_semaphore, #tpu.memory_space<semaphore_mem>>
    tpu.enqueue_indirect_dma source(%dma_start3A_20 : memref<10240x16xf32, #tpu.memory_space<hbm>>) target(%dma_start3A_14 : memref<125x16xf32, #tpu.memory_space<vmem>>) offsets(%dma_start3A_17 : memref<125xi32, #tpu.memory_space<vmem>>) semaphore(%dma_start3A_22 : memref<!tpu.dma_semaphore, #tpu.memory_space<semaphore_mem>>)
    %dma_start3A_23 = arith.constant 1 : i32
    %dma_start3A_24 = arith.constant 1 : i32
    %dma_start3A_25 = arith.constant 1 : i32
    %dma_start3A_26 = arith.constant 0 : i32
    %dma_start3A_27 = arith.constant 0 : i32
    %dma_start3A_28 = tpu.memref_slice %arg8[%dma_start3A_24, %dma_start3A_26, %dma_start3A_27] : memref<4x125x16xf32, #tpu.memory_space<vmem>> -> memref<1x125x16xf32, #tpu.memory_space<vmem>>
    %dma_start3A_29 = tpu.memref_squeeze %dma_start3A_28 : memref<1x125x16xf32, #tpu.memory_space<vmem>> -> memref<125x16xf32, #tpu.memory_space<vmem>>
    %dma_start3A_30 = arith.constant 0 : i32
    %dma_start3A_31 = tpu.memref_slice %arg6[%dma_start3A_23, %dma_start3A_30] : memref<80x125xi32, #tpu.memory_space<vmem>> -> memref<1x125xi32, #tpu.memory_space<vmem>>
    %dma_start3A_32 = tpu.memref_squeeze %dma_start3A_31 : memref<1x125xi32, #tpu.memory_space<vmem>> -> memref<125xi32, #tpu.memory_space<vmem>>
    %dma_start3A_33 = arith.constant 0 : i32
    %dma_start3A_34 = arith.constant 0 : i32
    %dma_start3A_35 = tpu.memref_slice %arg2[%dma_start3A_33, %dma_start3A_34] : memref<10240x16xf32, #tpu.memory_space<hbm>> -> memref<10240x16xf32, #tpu.memory_space<hbm>>
    %dma_start3A_36 = tpu.memref_slice %arg11[%dma_start3A_25] : memref<4x!tpu.dma_semaphore, #tpu.memory_space<semaphore_mem>> -> memref<1x!tpu.dma_semaphore, #tpu.memory_space<semaphore_mem>>
    %dma_start3A_37 = tpu.memref_squeeze %dma_start3A_36 : memref<1x!tpu.dma_semaphore, #tpu.memory_space<semaphore_mem>> -> memref<!tpu.dma_semaphore, #tpu.memory_space<semaphore_mem>>
    tpu.enqueue_indirect_dma source(%dma_start3A_35 : memref<10240x16xf32, #tpu.memory_space<hbm>>) target(%dma_start3A_29 : memref<125x16xf32, #tpu.memory_space<vmem>>) offsets(%dma_start3A_32 : memref<125xi32, #tpu.memory_space<vmem>>) semaphore(%dma_start3A_37 : memref<!tpu.dma_semaphore, #tpu.memory_space<semaphore_mem>>)
    %scan3A_38 = arith.constant 0 : i32
    %scan3A_39 = arith.constant 0 : i32
    %scan3A_40 = arith.constant 20 : i32
    %scan3A_41 = arith.addi %scan3A_39, %scan3A_40 : i32
    %scan3A_42 = arith.constant 1 : i32
    %scan3A_43 = scf.for %scan3A_109 = %scan3A_39 to %scan3A_41 step %scan3A_42 iter_args(%scan3A_110 = %scan3A_38) -> (i32)  : i32 {
      %mul3A_111 = arith.constant 4 : i32
      %mul3A_112 = arith.muli %scan3A_109, %mul3A_111 : i32
      %add3A_113 = arith.constant 0 : i32
      %add3A_114 = arith.addi %mul3A_112, %add3A_113 : i32
      %dma_wait3A_115 = arith.constant 0 : i32
      %dma_wait3A_116 = arith.constant 0 : i32
      %dma_wait3A_117 = arith.constant 0 : i32
      %dma_wait3A_118 = arith.constant 0 : i32
      %dma_wait3A_119 = tpu.memref_slice %arg8[%dma_wait3A_115, %dma_wait3A_117, %dma_wait3A_118] : memref<4x125x16xf32, #tpu.memory_space<vmem>> -> memref<1x125x16xf32, #tpu.memory_space<vmem>>
      %dma_wait3A_120 = tpu.memref_squeeze %dma_wait3A_119 : memref<1x125x16xf32, #tpu.memory_space<vmem>> -> memref<125x16xf32, #tpu.memory_space<vmem>>
      %dma_wait3A_121 = arith.constant 0 : i32
      %dma_wait3A_122 = tpu.memref_slice %arg6[%add3A_114, %dma_wait3A_121] : memref<80x125xi32, #tpu.memory_space<vmem>> -> memref<1x125xi32, #tpu.memory_space<vmem>>
      %dma_wait3A_123 = tpu.memref_squeeze %dma_wait3A_122 : memref<1x125xi32, #tpu.memory_space<vmem>> -> memref<125xi32, #tpu.memory_space<vmem>>
      %dma_wait3A_124 = arith.constant 0 : i32
      %dma_wait3A_125 = arith.constant 0 : i32
      %dma_wait3A_126 = tpu.memref_slice %arg2[%dma_wait3A_124, %dma_wait3A_125] : memref<10240x16xf32, #tpu.memory_space<hbm>> -> memref<10240x16xf32, #tpu.memory_space<hbm>>
      %dma_wait3A_127 = tpu.memref_slice %arg11[%dma_wait3A_116] : memref<4x!tpu.dma_semaphore, #tpu.memory_space<semaphore_mem>> -> memref<1x!tpu.dma_semaphore, #tpu.memory_space<semaphore_mem>>
      %dma_wait3A_128 = tpu.memref_squeeze %dma_wait3A_127 : memref<1x!tpu.dma_semaphore, #tpu.memory_space<semaphore_mem>> -> memref<!tpu.dma_semaphore, #tpu.memory_space<semaphore_mem>>
      tpu.wait_indirect_dma semaphore(%dma_wait3A_128 : memref<!tpu.dma_semaphore, #tpu.memory_space<semaphore_mem>>) src(%dma_wait3A_126 : memref<10240x16xf32, #tpu.memory_space<hbm>>) dst(%dma_wait3A_120 : memref<125x16xf32, #tpu.memory_space<vmem>>)
      %dma_start3A_129 = arith.constant 0 : i32
      %dma_start3A_130 = arith.constant 0 : i32
      %dma_start3A_131 = arith.constant 0 : i32
      %dma_start3A_132 = arith.constant 0 : i32
      %dma_start3A_133 = tpu.memref_slice %arg8[%dma_start3A_129, %dma_start3A_131, %dma_start3A_132] : memref<4x125x16xf32, #tpu.memory_space<vmem>> -> memref<1x125x16xf32, #tpu.memory_space<vmem>>
      %dma_start3A_134 = tpu.memref_squeeze %dma_start3A_133 : memref<1x125x16xf32, #tpu.memory_space<vmem>> -> memref<125x16xf32, #tpu.memory_space<vmem>>
      %dma_start3A_135 = arith.constant 0 : i32
      %dma_start3A_136 = tpu.memref_slice %arg7[%add3A_114, %dma_start3A_135] : memref<80x125xi32, #tpu.memory_space<vmem>> -> memref<1x125xi32, #tpu.memory_space<vmem>>
      %dma_start3A_137 = tpu.memref_squeeze %dma_start3A_136 : memref<1x125xi32, #tpu.memory_space<vmem>> -> memref<125xi32, #tpu.memory_space<vmem>>
      %dma_start3A_138 = arith.constant 0 : i32
      %dma_start3A_139 = arith.constant 0 : i32
      %dma_start3A_140 = tpu.memref_slice %arg10[%dma_start3A_138, %dma_start3A_139] : memref<10240x16xf32, #tpu.memory_space<vmem_shared>> -> memref<10240x16xf32, #tpu.memory_space<vmem_shared>>
      %dma_start3A_141 = tpu.memref_slice %arg12[%dma_start3A_130] : memref<4x!tpu.dma_semaphore, #tpu.memory_space<semaphore_mem>> -> memref<1x!tpu.dma_semaphore, #tpu.memory_space<semaphore_mem>>
      %dma_start3A_142 = tpu.memref_squeeze %dma_start3A_141 : memref<1x!tpu.dma_semaphore, #tpu.memory_space<semaphore_mem>> -> memref<!tpu.dma_semaphore, #tpu.memory_space<semaphore_mem>>
      tpu.enqueue_indirect_dma source(%dma_start3A_134 : memref<125x16xf32, #tpu.memory_space<vmem>>) target(%dma_start3A_140 : memref<10240x16xf32, #tpu.memory_space<vmem_shared>>) offsets(%dma_start3A_137 : memref<125xi32, #tpu.memory_space<vmem>>) semaphore(%dma_start3A_142 : memref<!tpu.dma_semaphore, #tpu.memory_space<semaphore_mem>>) {add = true}
      %add3A_143 = arith.constant 2 : i32
      %add3A_144 = arith.addi %add3A_114, %add3A_143 : i32
      %lt3A = arith.constant 80 : i32
      %lt3A_145 = arith.cmpi slt, %add3A_144, %lt3A : i32
      %convert_element_type3A = arith.extui %lt3A_145 : i1 to i32
      %cond3A = arith.constant 0 : i32
      %cond3A_146 = arith.cmpi ne, %convert_element_type3A, %cond3A : i32
      scf.if %cond3A_146 {
        %ge3A = arith.constant 4 : i32
        %ge3A_265 = arith.cmpi sge, %add3A_144, %ge3A : i32
        %convert_element_type3A_266 = arith.extui %ge3A_265 : i1 to i32
        %cond3A_267 = arith.constant 0 : i32
        %cond3A_268 = arith.cmpi ne, %convert_element_type3A_266, %cond3A_267 : i32
        scf.if %cond3A_268 {
          %sub3A = arith.constant 4 : i32
          %sub3A_283 = arith.subi %add3A_144, %sub3A : i32
          %dma_wait3A_284 = arith.constant 2 : i32
          %dma_wait3A_285 = arith.constant 2 : i32
          %dma_wait3A_286 = arith.constant 0 : i32
          %dma_wait3A_287 = arith.constant 0 : i32
          %dma_wait3A_288 = tpu.memref_slice %arg8[%dma_wait3A_284, %dma_wait3A_286, %dma_wait3A_287] : memref<4x125x16xf32, #tpu.memory_space<vmem>> -> memref<1x125x16xf32, #tpu.memory_space<vmem>>
          %dma_wait3A_289 = tpu.memref_squeeze %dma_wait3A_288 : memref<1x125x16xf32, #tpu.memory_space<vmem>> -> memref<125x16xf32, #tpu.memory_space<vmem>>
          %dma_wait3A_290 = arith.constant 0 : i32
          %dma_wait3A_291 = tpu.memref_slice %arg7[%sub3A_283, %dma_wait3A_290] : memref<80x125xi32, #tpu.memory_space<vmem>> -> memref<1x125xi32, #tpu.memory_space<vmem>>
          %dma_wait3A_292 = tpu.memref_squeeze %dma_wait3A_291 : memref<1x125xi32, #tpu.memory_space<vmem>> -> memref<125xi32, #tpu.memory_space<vmem>>
          %dma_wait3A_293 = arith.constant 0 : i32
          %dma_wait3A_294 = arith.constant 0 : i32
          %dma_wait3A_295 = tpu.memref_slice %arg10[%dma_wait3A_293, %dma_wait3A_294] : memref<10240x16xf32, #tpu.memory_space<vmem_shared>> -> memref<10240x16xf32, #tpu.memory_space<vmem_shared>>
          %dma_wait3A_296 = tpu.memref_slice %arg12[%dma_wait3A_285] : memref<4x!tpu.dma_semaphore, #tpu.memory_space<semaphore_mem>> -> memref<1x!tpu.dma_semaphore, #tpu.memory_space<semaphore_mem>>
          %dma_wait3A_297 = tpu.memref_squeeze %dma_wait3A_296 : memref<1x!tpu.dma_semaphore, #tpu.memory_space<semaphore_mem>> -> memref<!tpu.dma_semaphore, #tpu.memory_space<semaphore_mem>>
          tpu.wait_indirect_dma semaphore(%dma_wait3A_297 : memref<!tpu.dma_semaphore, #tpu.memory_space<semaphore_mem>>) src(%dma_wait3A_289 : memref<125x16xf32, #tpu.memory_space<vmem>>) dst(%dma_wait3A_295 : memref<10240x16xf32, #tpu.memory_space<vmem_shared>>)
        } else {
        }
        %dma_start3A_269 = arith.constant 2 : i32
        %dma_start3A_270 = arith.constant 2 : i32
        %dma_start3A_271 = arith.constant 0 : i32
        %dma_start3A_272 = arith.constant 0 : i32
        %dma_start3A_273 = tpu.memref_slice %arg8[%dma_start3A_269, %dma_start3A_271, %dma_start3A_272] : memref<4x125x16xf32, #tpu.memory_space<vmem>> -> memref<1x125x16xf32, #tpu.memory_space<vmem>>
        %dma_start3A_274 = tpu.memref_squeeze %dma_start3A_273 : memref<1x125x16xf32, #tpu.memory_space<vmem>> -> memref<125x16xf32, #tpu.memory_space<vmem>>
        %dma_start3A_275 = arith.constant 0 : i32
        %dma_start3A_276 = tpu.memref_slice %arg6[%add3A_144, %dma_start3A_275] : memref<80x125xi32, #tpu.memory_space<vmem>> -> memref<1x125xi32, #tpu.memory_space<vmem>>
        %dma_start3A_277 = tpu.memref_squeeze %dma_start3A_276 : memref<1x125xi32, #tpu.memory_space<vmem>> -> memref<125xi32, #tpu.memory_space<vmem>>
        %dma_start3A_278 = arith.constant 0 : i32
        %dma_start3A_279 = arith.constant 0 : i32
        %dma_start3A_280 = tpu.memref_slice %arg2[%dma_start3A_278, %dma_start3A_279] : memref<10240x16xf32, #tpu.memory_space<hbm>> -> memref<10240x16xf32, #tpu.memory_space<hbm>>
        %dma_start3A_281 = tpu.memref_slice %arg11[%dma_start3A_270] : memref<4x!tpu.dma_semaphore, #tpu.memory_space<semaphore_mem>> -> memref<1x!tpu.dma_semaphore, #tpu.memory_space<semaphore_mem>>
        %dma_start3A_282 = tpu.memref_squeeze %dma_start3A_281 : memref<1x!tpu.dma_semaphore, #tpu.memory_space<semaphore_mem>> -> memref<!tpu.dma_semaphore, #tpu.memory_space<semaphore_mem>>
        tpu.enqueue_indirect_dma source(%dma_start3A_280 : memref<10240x16xf32, #tpu.memory_space<hbm>>) target(%dma_start3A_274 : memref<125x16xf32, #tpu.memory_space<vmem>>) offsets(%dma_start3A_277 : memref<125xi32, #tpu.memory_space<vmem>>) semaphore(%dma_start3A_282 : memref<!tpu.dma_semaphore, #tpu.memory_space<semaphore_mem>>)
      } else {
      }
      %mul3A_147 = arith.constant 4 : i32
      %mul3A_148 = arith.muli %scan3A_109, %mul3A_147 : i32
      %add3A_149 = arith.constant 1 : i32
      %add3A_150 = arith.addi %mul3A_148, %add3A_149 : i32
      %dma_wait3A_151 = arith.constant 1 : i32
      %dma_wait3A_152 = arith.constant 1 : i32
      %dma_wait3A_153 = arith.constant 0 : i32
      %dma_wait3A_154 = arith.constant 0 : i32
      %dma_wait3A_155 = tpu.memref_slice %arg8[%dma_wait3A_151, %dma_wait3A_153, %dma_wait3A_154] : memref<4x125x16xf32, #tpu.memory_space<vmem>> -> memref<1x125x16xf32, #tpu.memory_space<vmem>>
      %dma_wait3A_156 = tpu.memref_squeeze %dma_wait3A_155 : memref<1x125x16xf32, #tpu.memory_space<vmem>> -> memref<125x16xf32, #tpu.memory_space<vmem>>
      %dma_wait3A_157 = arith.constant 0 : i32
      %dma_wait3A_158 = tpu.memref_slice %arg6[%add3A_150, %dma_wait3A_157] : memref<80x125xi32, #tpu.memory_space<vmem>> -> memref<1x125xi32, #tpu.memory_space<vmem>>
      %dma_wait3A_159 = tpu.memref_squeeze %dma_wait3A_158 : memref<1x125xi32, #tpu.memory_space<vmem>> -> memref<125xi32, #tpu.memory_space<vmem>>
      %dma_wait3A_160 = arith.constant 0 : i32
      %dma_wait3A_161 = arith.constant 0 : i32
      %dma_wait3A_162 = tpu.memref_slice %arg2[%dma_wait3A_160, %dma_wait3A_161] : memref<10240x16xf32, #tpu.memory_space<hbm>> -> memref<10240x16xf32, #tpu.memory_space<hbm>>
      %dma_wait3A_163 = tpu.memref_slice %arg11[%dma_wait3A_152] : memref<4x!tpu.dma_semaphore, #tpu.memory_space<semaphore_mem>> -> memref<1x!tpu.dma_semaphore, #tpu.memory_space<semaphore_mem>>
      %dma_wait3A_164 = tpu.memref_squeeze %dma_wait3A_163 : memref<1x!tpu.dma_semaphore, #tpu.memory_space<semaphore_mem>> -> memref<!tpu.dma_semaphore, #tpu.memory_space<semaphore_mem>>
      tpu.wait_indirect_dma semaphore(%dma_wait3A_164 : memref<!tpu.dma_semaphore, #tpu.memory_space<semaphore_mem>>) src(%dma_wait3A_162 : memref<10240x16xf32, #tpu.memory_space<hbm>>) dst(%dma_wait3A_156 : memref<125x16xf32, #tpu.memory_space<vmem>>)
      %dma_start3A_165 = arith.constant 1 : i32
      %dma_start3A_166 = arith.constant 1 : i32
      %dma_start3A_167 = arith.constant 0 : i32
      %dma_start3A_168 = arith.constant 0 : i32
      %dma_start3A_169 = tpu.memref_slice %arg8[%dma_start3A_165, %dma_start3A_167, %dma_start3A_168] : memref<4x125x16xf32, #tpu.memory_space<vmem>> -> memref<1x125x16xf32, #tpu.memory_space<vmem>>
      %dma_start3A_170 = tpu.memref_squeeze %dma_start3A_169 : memref<1x125x16xf32, #tpu.memory_space<vmem>> -> memref<125x16xf32, #tpu.memory_space<vmem>>
      %dma_start3A_171 = arith.constant 0 : i32
      %dma_start3A_172 = tpu.memref_slice %arg7[%add3A_150, %dma_start3A_171] : memref<80x125xi32, #tpu.memory_space<vmem>> -> memref<1x125xi32, #tpu.memory_space<vmem>>
      %dma_start3A_173 = tpu.memref_squeeze %dma_start3A_172 : memref<1x125xi32, #tpu.memory_space<vmem>> -> memref<125xi32, #tpu.memory_space<vmem>>
      %dma_start3A_174 = arith.constant 0 : i32
      %dma_start3A_175 = arith.constant 0 : i32
      %dma_start3A_176 = tpu.memref_slice %arg10[%dma_start3A_174, %dma_start3A_175] : memref<10240x16xf32, #tpu.memory_space<vmem_shared>> -> memref<10240x16xf32, #tpu.memory_space<vmem_shared>>
      %dma_start3A_177 = tpu.memref_slice %arg12[%dma_start3A_166] : memref<4x!tpu.dma_semaphore, #tpu.memory_space<semaphore_mem>> -> memref<1x!tpu.dma_semaphore, #tpu.memory_space<semaphore_mem>>
      %dma_start3A_178 = tpu.memref_squeeze %dma_start3A_177 : memref<1x!tpu.dma_semaphore, #tpu.memory_space<semaphore_mem>> -> memref<!tpu.dma_semaphore, #tpu.memory_space<semaphore_mem>>
      tpu.enqueue_indirect_dma source(%dma_start3A_170 : memref<125x16xf32, #tpu.memory_space<vmem>>) target(%dma_start3A_176 : memref<10240x16xf32, #tpu.memory_space<vmem_shared>>) offsets(%dma_start3A_173 : memref<125xi32, #tpu.memory_space<vmem>>) semaphore(%dma_start3A_178 : memref<!tpu.dma_semaphore, #tpu.memory_space<semaphore_mem>>) {add = true}
      %add3A_179 = arith.constant 2 : i32
      %add3A_180 = arith.addi %add3A_150, %add3A_179 : i32
      %lt3A_181 = arith.constant 80 : i32
      %lt3A_182 = arith.cmpi slt, %add3A_180, %lt3A_181 : i32
      %convert_element_type3A_183 = arith.extui %lt3A_182 : i1 to i32
      %cond3A_184 = arith.constant 0 : i32
      %cond3A_185 = arith.cmpi ne, %convert_element_type3A_183, %cond3A_184 : i32
      scf.if %cond3A_185 {
        %ge3A = arith.constant 4 : i32
        %ge3A_265 = arith.cmpi sge, %add3A_180, %ge3A : i32
        %convert_element_type3A_266 = arith.extui %ge3A_265 : i1 to i32
        %cond3A_267 = arith.constant 0 : i32
        %cond3A_268 = arith.cmpi ne, %convert_element_type3A_266, %cond3A_267 : i32
        scf.if %cond3A_268 {
          %sub3A = arith.constant 4 : i32
          %sub3A_283 = arith.subi %add3A_180, %sub3A : i32
          %dma_wait3A_284 = arith.constant 3 : i32
          %dma_wait3A_285 = arith.constant 3 : i32
          %dma_wait3A_286 = arith.constant 0 : i32
          %dma_wait3A_287 = arith.constant 0 : i32
          %dma_wait3A_288 = tpu.memref_slice %arg8[%dma_wait3A_284, %dma_wait3A_286, %dma_wait3A_287] : memref<4x125x16xf32, #tpu.memory_space<vmem>> -> memref<1x125x16xf32, #tpu.memory_space<vmem>>
          %dma_wait3A_289 = tpu.memref_squeeze %dma_wait3A_288 : memref<1x125x16xf32, #tpu.memory_space<vmem>> -> memref<125x16xf32, #tpu.memory_space<vmem>>
          %dma_wait3A_290 = arith.constant 0 : i32
          %dma_wait3A_291 = tpu.memref_slice %arg7[%sub3A_283, %dma_wait3A_290] : memref<80x125xi32, #tpu.memory_space<vmem>> -> memref<1x125xi32, #tpu.memory_space<vmem>>
          %dma_wait3A_292 = tpu.memref_squeeze %dma_wait3A_291 : memref<1x125xi32, #tpu.memory_space<vmem>> -> memref<125xi32, #tpu.memory_space<vmem>>
          %dma_wait3A_293 = arith.constant 0 : i32
          %dma_wait3A_294 = arith.constant 0 : i32
          %dma_wait3A_295 = tpu.memref_slice %arg10[%dma_wait3A_293, %dma_wait3A_294] : memref<10240x16xf32, #tpu.memory_space<vmem_shared>> -> memref<10240x16xf32, #tpu.memory_space<vmem_shared>>
          %dma_wait3A_296 = tpu.memref_slice %arg12[%dma_wait3A_285] : memref<4x!tpu.dma_semaphore, #tpu.memory_space<semaphore_mem>> -> memref<1x!tpu.dma_semaphore, #tpu.memory_space<semaphore_mem>>
          %dma_wait3A_297 = tpu.memref_squeeze %dma_wait3A_296 : memref<1x!tpu.dma_semaphore, #tpu.memory_space<semaphore_mem>> -> memref<!tpu.dma_semaphore, #tpu.memory_space<semaphore_mem>>
          tpu.wait_indirect_dma semaphore(%dma_wait3A_297 : memref<!tpu.dma_semaphore, #tpu.memory_space<semaphore_mem>>) src(%dma_wait3A_289 : memref<125x16xf32, #tpu.memory_space<vmem>>) dst(%dma_wait3A_295 : memref<10240x16xf32, #tpu.memory_space<vmem_shared>>)
        } else {
        }
        %dma_start3A_269 = arith.constant 3 : i32
        %dma_start3A_270 = arith.constant 3 : i32
        %dma_start3A_271 = arith.constant 0 : i32
        %dma_start3A_272 = arith.constant 0 : i32
        %dma_start3A_273 = tpu.memref_slice %arg8[%dma_start3A_269, %dma_start3A_271, %dma_start3A_272] : memref<4x125x16xf32, #tpu.memory_space<vmem>> -> memref<1x125x16xf32, #tpu.memory_space<vmem>>
        %dma_start3A_274 = tpu.memref_squeeze %dma_start3A_273 : memref<1x125x16xf32, #tpu.memory_space<vmem>> -> memref<125x16xf32, #tpu.memory_space<vmem>>
        %dma_start3A_275 = arith.constant 0 : i32
        %dma_start3A_276 = tpu.memref_slice %arg6[%add3A_180, %dma_start3A_275] : memref<80x125xi32, #tpu.memory_space<vmem>> -> memref<1x125xi32, #tpu.memory_space<vmem>>
        %dma_start3A_277 = tpu.memref_squeeze %dma_start3A_276 : memref<1x125xi32, #tpu.memory_space<vmem>> -> memref<125xi32, #tpu.memory_space<vmem>>
        %dma_start3A_278 = arith.constant 0 : i32
        %dma_start3A_279 = arith.constant 0 : i32
        %dma_start3A_280 = tpu.memref_slice %arg2[%dma_start3A_278, %dma_start3A_279] : memref<10240x16xf32, #tpu.memory_space<hbm>> -> memref<10240x16xf32, #tpu.memory_space<hbm>>
        %dma_start3A_281 = tpu.memref_slice %arg11[%dma_start3A_270] : memref<4x!tpu.dma_semaphore, #tpu.memory_space<semaphore_mem>> -> memref<1x!tpu.dma_semaphore, #tpu.memory_space<semaphore_mem>>
        %dma_start3A_282 = tpu.memref_squeeze %dma_start3A_281 : memref<1x!tpu.dma_semaphore, #tpu.memory_space<semaphore_mem>> -> memref<!tpu.dma_semaphore, #tpu.memory_space<semaphore_mem>>
        tpu.enqueue_indirect_dma source(%dma_start3A_280 : memref<10240x16xf32, #tpu.memory_space<hbm>>) target(%dma_start3A_274 : memref<125x16xf32, #tpu.memory_space<vmem>>) offsets(%dma_start3A_277 : memref<125xi32, #tpu.memory_space<vmem>>) semaphore(%dma_start3A_282 : memref<!tpu.dma_semaphore, #tpu.memory_space<semaphore_mem>>)
      } else {
      }
      %mul3A_186 = arith.constant 4 : i32
      %mul3A_187 = arith.muli %scan3A_109, %mul3A_186 : i32
      %add3A_188 = arith.constant 2 : i32
      %add3A_189 = arith.addi %mul3A_187, %add3A_188 : i32
      %dma_wait3A_190 = arith.constant 2 : i32
      %dma_wait3A_191 = arith.constant 2 : i32
      %dma_wait3A_192 = arith.constant 0 : i32
      %dma_wait3A_193 = arith.constant 0 : i32
      %dma_wait3A_194 = tpu.memref_slice %arg8[%dma_wait3A_190, %dma_wait3A_192, %dma_wait3A_193] : memref<4x125x16xf32, #tpu.memory_space<vmem>> -> memref<1x125x16xf32, #tpu.memory_space<vmem>>
      %dma_wait3A_195 = tpu.memref_squeeze %dma_wait3A_194 : memref<1x125x16xf32, #tpu.memory_space<vmem>> -> memref<125x16xf32, #tpu.memory_space<vmem>>
      %dma_wait3A_196 = arith.constant 0 : i32
      %dma_wait3A_197 = tpu.memref_slice %arg6[%add3A_189, %dma_wait3A_196] : memref<80x125xi32, #tpu.memory_space<vmem>> -> memref<1x125xi32, #tpu.memory_space<vmem>>
      %dma_wait3A_198 = tpu.memref_squeeze %dma_wait3A_197 : memref<1x125xi32, #tpu.memory_space<vmem>> -> memref<125xi32, #tpu.memory_space<vmem>>
      %dma_wait3A_199 = arith.constant 0 : i32
      %dma_wait3A_200 = arith.constant 0 : i32
      %dma_wait3A_201 = tpu.memref_slice %arg2[%dma_wait3A_199, %dma_wait3A_200] : memref<10240x16xf32, #tpu.memory_space<hbm>> -> memref<10240x16xf32, #tpu.memory_space<hbm>>
      %dma_wait3A_202 = tpu.memref_slice %arg11[%dma_wait3A_191] : memref<4x!tpu.dma_semaphore, #tpu.memory_space<semaphore_mem>> -> memref<1x!tpu.dma_semaphore, #tpu.memory_space<semaphore_mem>>
      %dma_wait3A_203 = tpu.memref_squeeze %dma_wait3A_202 : memref<1x!tpu.dma_semaphore, #tpu.memory_space<semaphore_mem>> -> memref<!tpu.dma_semaphore, #tpu.memory_space<semaphore_mem>>
      tpu.wait_indirect_dma semaphore(%dma_wait3A_203 : memref<!tpu.dma_semaphore, #tpu.memory_space<semaphore_mem>>) src(%dma_wait3A_201 : memref<10240x16xf32, #tpu.memory_space<hbm>>) dst(%dma_wait3A_195 : memref<125x16xf32, #tpu.memory_space<vmem>>)
      %dma_start3A_204 = arith.constant 2 : i32
      %dma_start3A_205 = arith.constant 2 : i32
      %dma_start3A_206 = arith.constant 0 : i32
      %dma_start3A_207 = arith.constant 0 : i32
      %dma_start3A_208 = tpu.memref_slice %arg8[%dma_start3A_204, %dma_start3A_206, %dma_start3A_207] : memref<4x125x16xf32, #tpu.memory_space<vmem>> -> memref<1x125x16xf32, #tpu.memory_space<vmem>>
      %dma_start3A_209 = tpu.memref_squeeze %dma_start3A_208 : memref<1x125x16xf32, #tpu.memory_space<vmem>> -> memref<125x16xf32, #tpu.memory_space<vmem>>
      %dma_start3A_210 = arith.constant 0 : i32
      %dma_start3A_211 = tpu.memref_slice %arg7[%add3A_189, %dma_start3A_210] : memref<80x125xi32, #tpu.memory_space<vmem>> -> memref<1x125xi32, #tpu.memory_space<vmem>>
      %dma_start3A_212 = tpu.memref_squeeze %dma_start3A_211 : memref<1x125xi32, #tpu.memory_space<vmem>> -> memref<125xi32, #tpu.memory_space<vmem>>
      %dma_start3A_213 = arith.constant 0 : i32
      %dma_start3A_214 = arith.constant 0 : i32
      %dma_start3A_215 = tpu.memref_slice %arg10[%dma_start3A_213, %dma_start3A_214] : memref<10240x16xf32, #tpu.memory_space<vmem_shared>> -> memref<10240x16xf32, #tpu.memory_space<vmem_shared>>
      %dma_start3A_216 = tpu.memref_slice %arg12[%dma_start3A_205] : memref<4x!tpu.dma_semaphore, #tpu.memory_space<semaphore_mem>> -> memref<1x!tpu.dma_semaphore, #tpu.memory_space<semaphore_mem>>
      %dma_start3A_217 = tpu.memref_squeeze %dma_start3A_216 : memref<1x!tpu.dma_semaphore, #tpu.memory_space<semaphore_mem>> -> memref<!tpu.dma_semaphore, #tpu.memory_space<semaphore_mem>>
      tpu.enqueue_indirect_dma source(%dma_start3A_209 : memref<125x16xf32, #tpu.memory_space<vmem>>) target(%dma_start3A_215 : memref<10240x16xf32, #tpu.memory_space<vmem_shared>>) offsets(%dma_start3A_212 : memref<125xi32, #tpu.memory_space<vmem>>) semaphore(%dma_start3A_217 : memref<!tpu.dma_semaphore, #tpu.memory_space<semaphore_mem>>) {add = true}
      %add3A_218 = arith.constant 2 : i32
      %add3A_219 = arith.addi %add3A_189, %add3A_218 : i32
      %lt3A_220 = arith.constant 80 : i32
      %lt3A_221 = arith.cmpi slt, %add3A_219, %lt3A_220 : i32
      %convert_element_type3A_222 = arith.extui %lt3A_221 : i1 to i32
      %cond3A_223 = arith.constant 0 : i32
      %cond3A_224 = arith.cmpi ne, %convert_element_type3A_222, %cond3A_223 : i32
      scf.if %cond3A_224 {
        %ge3A = arith.constant 4 : i32
        %ge3A_265 = arith.cmpi sge, %add3A_219, %ge3A : i32
        %convert_element_type3A_266 = arith.extui %ge3A_265 : i1 to i32
        %cond3A_267 = arith.constant 0 : i32
        %cond3A_268 = arith.cmpi ne, %convert_element_type3A_266, %cond3A_267 : i32
        scf.if %cond3A_268 {
          %sub3A = arith.constant 4 : i32
          %sub3A_283 = arith.subi %add3A_219, %sub3A : i32
          %dma_wait3A_284 = arith.constant 0 : i32
          %dma_wait3A_285 = arith.constant 0 : i32
          %dma_wait3A_286 = arith.constant 0 : i32
          %dma_wait3A_287 = arith.constant 0 : i32
          %dma_wait3A_288 = tpu.memref_slice %arg8[%dma_wait3A_284, %dma_wait3A_286, %dma_wait3A_287] : memref<4x125x16xf32, #tpu.memory_space<vmem>> -> memref<1x125x16xf32, #tpu.memory_space<vmem>>
          %dma_wait3A_289 = tpu.memref_squeeze %dma_wait3A_288 : memref<1x125x16xf32, #tpu.memory_space<vmem>> -> memref<125x16xf32, #tpu.memory_space<vmem>>
          %dma_wait3A_290 = arith.constant 0 : i32
          %dma_wait3A_291 = tpu.memref_slice %arg7[%sub3A_283, %dma_wait3A_290] : memref<80x125xi32, #tpu.memory_space<vmem>> -> memref<1x125xi32, #tpu.memory_space<vmem>>
          %dma_wait3A_292 = tpu.memref_squeeze %dma_wait3A_291 : memref<1x125xi32, #tpu.memory_space<vmem>> -> memref<125xi32, #tpu.memory_space<vmem>>
          %dma_wait3A_293 = arith.constant 0 : i32
          %dma_wait3A_294 = arith.constant 0 : i32
          %dma_wait3A_295 = tpu.memref_slice %arg10[%dma_wait3A_293, %dma_wait3A_294] : memref<10240x16xf32, #tpu.memory_space<vmem_shared>> -> memref<10240x16xf32, #tpu.memory_space<vmem_shared>>
          %dma_wait3A_296 = tpu.memref_slice %arg12[%dma_wait3A_285] : memref<4x!tpu.dma_semaphore, #tpu.memory_space<semaphore_mem>> -> memref<1x!tpu.dma_semaphore, #tpu.memory_space<semaphore_mem>>
          %dma_wait3A_297 = tpu.memref_squeeze %dma_wait3A_296 : memref<1x!tpu.dma_semaphore, #tpu.memory_space<semaphore_mem>> -> memref<!tpu.dma_semaphore, #tpu.memory_space<semaphore_mem>>
          tpu.wait_indirect_dma semaphore(%dma_wait3A_297 : memref<!tpu.dma_semaphore, #tpu.memory_space<semaphore_mem>>) src(%dma_wait3A_289 : memref<125x16xf32, #tpu.memory_space<vmem>>) dst(%dma_wait3A_295 : memref<10240x16xf32, #tpu.memory_space<vmem_shared>>)
        } else {
        }
        %dma_start3A_269 = arith.constant 0 : i32
        %dma_start3A_270 = arith.constant 0 : i32
        %dma_start3A_271 = arith.constant 0 : i32
        %dma_start3A_272 = arith.constant 0 : i32
        %dma_start3A_273 = tpu.memref_slice %arg8[%dma_start3A_269, %dma_start3A_271, %dma_start3A_272] : memref<4x125x16xf32, #tpu.memory_space<vmem>> -> memref<1x125x16xf32, #tpu.memory_space<vmem>>
        %dma_start3A_274 = tpu.memref_squeeze %dma_start3A_273 : memref<1x125x16xf32, #tpu.memory_space<vmem>> -> memref<125x16xf32, #tpu.memory_space<vmem>>
        %dma_start3A_275 = arith.constant 0 : i32
        %dma_start3A_276 = tpu.memref_slice %arg6[%add3A_219, %dma_start3A_275] : memref<80x125xi32, #tpu.memory_space<vmem>> -> memref<1x125xi32, #tpu.memory_space<vmem>>
        %dma_start3A_277 = tpu.memref_squeeze %dma_start3A_276 : memref<1x125xi32, #tpu.memory_space<vmem>> -> memref<125xi32, #tpu.memory_space<vmem>>
        %dma_start3A_278 = arith.constant 0 : i32
        %dma_start3A_279 = arith.constant 0 : i32
        %dma_start3A_280 = tpu.memref_slice %arg2[%dma_start3A_278, %dma_start3A_279] : memref<10240x16xf32, #tpu.memory_space<hbm>> -> memref<10240x16xf32, #tpu.memory_space<hbm>>
        %dma_start3A_281 = tpu.memref_slice %arg11[%dma_start3A_270] : memref<4x!tpu.dma_semaphore, #tpu.memory_space<semaphore_mem>> -> memref<1x!tpu.dma_semaphore, #tpu.memory_space<semaphore_mem>>
        %dma_start3A_282 = tpu.memref_squeeze %dma_start3A_281 : memref<1x!tpu.dma_semaphore, #tpu.memory_space<semaphore_mem>> -> memref<!tpu.dma_semaphore, #tpu.memory_space<semaphore_mem>>
        tpu.enqueue_indirect_dma source(%dma_start3A_280 : memref<10240x16xf32, #tpu.memory_space<hbm>>) target(%dma_start3A_274 : memref<125x16xf32, #tpu.memory_space<vmem>>) offsets(%dma_start3A_277 : memref<125xi32, #tpu.memory_space<vmem>>) semaphore(%dma_start3A_282 : memref<!tpu.dma_semaphore, #tpu.memory_space<semaphore_mem>>)
      } else {
      }
      %mul3A_225 = arith.constant 4 : i32
      %mul3A_226 = arith.muli %scan3A_109, %mul3A_225 : i32
      %add3A_227 = arith.constant 3 : i32
      %add3A_228 = arith.addi %mul3A_226, %add3A_227 : i32
      %dma_wait3A_229 = arith.constant 3 : i32
      %dma_wait3A_230 = arith.constant 3 : i32
      %dma_wait3A_231 = arith.constant 0 : i32
      %dma_wait3A_232 = arith.constant 0 : i32
      %dma_wait3A_233 = tpu.memref_slice %arg8[%dma_wait3A_229, %dma_wait3A_231, %dma_wait3A_232] : memref<4x125x16xf32, #tpu.memory_space<vmem>> -> memref<1x125x16xf32, #tpu.memory_space<vmem>>
      %dma_wait3A_234 = tpu.memref_squeeze %dma_wait3A_233 : memref<1x125x16xf32, #tpu.memory_space<vmem>> -> memref<125x16xf32, #tpu.memory_space<vmem>>
      %dma_wait3A_235 = arith.constant 0 : i32
      %dma_wait3A_236 = tpu.memref_slice %arg6[%add3A_228, %dma_wait3A_235] : memref<80x125xi32, #tpu.memory_space<vmem>> -> memref<1x125xi32, #tpu.memory_space<vmem>>
      %dma_wait3A_237 = tpu.memref_squeeze %dma_wait3A_236 : memref<1x125xi32, #tpu.memory_space<vmem>> -> memref<125xi32, #tpu.memory_space<vmem>>
      %dma_wait3A_238 = arith.constant 0 : i32
      %dma_wait3A_239 = arith.constant 0 : i32
      %dma_wait3A_240 = tpu.memref_slice %arg2[%dma_wait3A_238, %dma_wait3A_239] : memref<10240x16xf32, #tpu.memory_space<hbm>> -> memref<10240x16xf32, #tpu.memory_space<hbm>>
      %dma_wait3A_241 = tpu.memref_slice %arg11[%dma_wait3A_230] : memref<4x!tpu.dma_semaphore, #tpu.memory_space<semaphore_mem>> -> memref<1x!tpu.dma_semaphore, #tpu.memory_space<semaphore_mem>>
      %dma_wait3A_242 = tpu.memref_squeeze %dma_wait3A_241 : memref<1x!tpu.dma_semaphore, #tpu.memory_space<semaphore_mem>> -> memref<!tpu.dma_semaphore, #tpu.memory_space<semaphore_mem>>
      tpu.wait_indirect_dma semaphore(%dma_wait3A_242 : memref<!tpu.dma_semaphore, #tpu.memory_space<semaphore_mem>>) src(%dma_wait3A_240 : memref<10240x16xf32, #tpu.memory_space<hbm>>) dst(%dma_wait3A_234 : memref<125x16xf32, #tpu.memory_space<vmem>>)
      %dma_start3A_243 = arith.constant 3 : i32
      %dma_start3A_244 = arith.constant 3 : i32
      %dma_start3A_245 = arith.constant 0 : i32
      %dma_start3A_246 = arith.constant 0 : i32
      %dma_start3A_247 = tpu.memref_slice %arg8[%dma_start3A_243, %dma_start3A_245, %dma_start3A_246] : memref<4x125x16xf32, #tpu.memory_space<vmem>> -> memref<1x125x16xf32, #tpu.memory_space<vmem>>
      %dma_start3A_248 = tpu.memref_squeeze %dma_start3A_247 : memref<1x125x16xf32, #tpu.memory_space<vmem>> -> memref<125x16xf32, #tpu.memory_space<vmem>>
      %dma_start3A_249 = arith.constant 0 : i32
      %dma_start3A_250 = tpu.memref_slice %arg7[%add3A_228, %dma_start3A_249] : memref<80x125xi32, #tpu.memory_space<vmem>> -> memref<1x125xi32, #tpu.memory_space<vmem>>
      %dma_start3A_251 = tpu.memref_squeeze %dma_start3A_250 : memref<1x125xi32, #tpu.memory_space<vmem>> -> memref<125xi32, #tpu.memory_space<vmem>>
      %dma_start3A_252 = arith.constant 0 : i32
      %dma_start3A_253 = arith.constant 0 : i32
      %dma_start3A_254 = tpu.memref_slice %arg10[%dma_start3A_252, %dma_start3A_253] : memref<10240x16xf32, #tpu.memory_space<vmem_shared>> -> memref<10240x16xf32, #tpu.memory_space<vmem_shared>>
      %dma_start3A_255 = tpu.memref_slice %arg12[%dma_start3A_244] : memref<4x!tpu.dma_semaphore, #tpu.memory_space<semaphore_mem>> -> memref<1x!tpu.dma_semaphore, #tpu.memory_space<semaphore_mem>>
      %dma_start3A_256 = tpu.memref_squeeze %dma_start3A_255 : memref<1x!tpu.dma_semaphore, #tpu.memory_space<semaphore_mem>> -> memref<!tpu.dma_semaphore, #tpu.memory_space<semaphore_mem>>
      tpu.enqueue_indirect_dma source(%dma_start3A_248 : memref<125x16xf32, #tpu.memory_space<vmem>>) target(%dma_start3A_254 : memref<10240x16xf32, #tpu.memory_space<vmem_shared>>) offsets(%dma_start3A_251 : memref<125xi32, #tpu.memory_space<vmem>>) semaphore(%dma_start3A_256 : memref<!tpu.dma_semaphore, #tpu.memory_space<semaphore_mem>>) {add = true}
      %add3A_257 = arith.constant 2 : i32
      %add3A_258 = arith.addi %add3A_228, %add3A_257 : i32
      %lt3A_259 = arith.constant 80 : i32
      %lt3A_260 = arith.cmpi slt, %add3A_258, %lt3A_259 : i32
      %convert_element_type3A_261 = arith.extui %lt3A_260 : i1 to i32
      %cond3A_262 = arith.constant 0 : i32
      %cond3A_263 = arith.cmpi ne, %convert_element_type3A_261, %cond3A_262 : i32
      scf.if %cond3A_263 {
        %ge3A = arith.constant 4 : i32
        %ge3A_265 = arith.cmpi sge, %add3A_258, %ge3A : i32
        %convert_element_type3A_266 = arith.extui %ge3A_265 : i1 to i32
        %cond3A_267 = arith.constant 0 : i32
        %cond3A_268 = arith.cmpi ne, %convert_element_type3A_266, %cond3A_267 : i32
        scf.if %cond3A_268 {
          %sub3A = arith.constant 4 : i32
          %sub3A_283 = arith.subi %add3A_258, %sub3A : i32
          %dma_wait3A_284 = arith.constant 1 : i32
          %dma_wait3A_285 = arith.constant 1 : i32
          %dma_wait3A_286 = arith.constant 0 : i32
          %dma_wait3A_287 = arith.constant 0 : i32
          %dma_wait3A_288 = tpu.memref_slice %arg8[%dma_wait3A_284, %dma_wait3A_286, %dma_wait3A_287] : memref<4x125x16xf32, #tpu.memory_space<vmem>> -> memref<1x125x16xf32, #tpu.memory_space<vmem>>
          %dma_wait3A_289 = tpu.memref_squeeze %dma_wait3A_288 : memref<1x125x16xf32, #tpu.memory_space<vmem>> -> memref<125x16xf32, #tpu.memory_space<vmem>>
          %dma_wait3A_290 = arith.constant 0 : i32
          %dma_wait3A_291 = tpu.memref_slice %arg7[%sub3A_283, %dma_wait3A_290] : memref<80x125xi32, #tpu.memory_space<vmem>> -> memref<1x125xi32, #tpu.memory_space<vmem>>
          %dma_wait3A_292 = tpu.memref_squeeze %dma_wait3A_291 : memref<1x125xi32, #tpu.memory_space<vmem>> -> memref<125xi32, #tpu.memory_space<vmem>>
          %dma_wait3A_293 = arith.constant 0 : i32
          %dma_wait3A_294 = arith.constant 0 : i32
          %dma_wait3A_295 = tpu.memref_slice %arg10[%dma_wait3A_293, %dma_wait3A_294] : memref<10240x16xf32, #tpu.memory_space<vmem_shared>> -> memref<10240x16xf32, #tpu.memory_space<vmem_shared>>
          %dma_wait3A_296 = tpu.memref_slice %arg12[%dma_wait3A_285] : memref<4x!tpu.dma_semaphore, #tpu.memory_space<semaphore_mem>> -> memref<1x!tpu.dma_semaphore, #tpu.memory_space<semaphore_mem>>
          %dma_wait3A_297 = tpu.memref_squeeze %dma_wait3A_296 : memref<1x!tpu.dma_semaphore, #tpu.memory_space<semaphore_mem>> -> memref<!tpu.dma_semaphore, #tpu.memory_space<semaphore_mem>>
          tpu.wait_indirect_dma semaphore(%dma_wait3A_297 : memref<!tpu.dma_semaphore, #tpu.memory_space<semaphore_mem>>) src(%dma_wait3A_289 : memref<125x16xf32, #tpu.memory_space<vmem>>) dst(%dma_wait3A_295 : memref<10240x16xf32, #tpu.memory_space<vmem_shared>>)
        } else {
        }
        %dma_start3A_269 = arith.constant 1 : i32
        %dma_start3A_270 = arith.constant 1 : i32
        %dma_start3A_271 = arith.constant 0 : i32
        %dma_start3A_272 = arith.constant 0 : i32
        %dma_start3A_273 = tpu.memref_slice %arg8[%dma_start3A_269, %dma_start3A_271, %dma_start3A_272] : memref<4x125x16xf32, #tpu.memory_space<vmem>> -> memref<1x125x16xf32, #tpu.memory_space<vmem>>
        %dma_start3A_274 = tpu.memref_squeeze %dma_start3A_273 : memref<1x125x16xf32, #tpu.memory_space<vmem>> -> memref<125x16xf32, #tpu.memory_space<vmem>>
        %dma_start3A_275 = arith.constant 0 : i32
        %dma_start3A_276 = tpu.memref_slice %arg6[%add3A_258, %dma_start3A_275] : memref<80x125xi32, #tpu.memory_space<vmem>> -> memref<1x125xi32, #tpu.memory_space<vmem>>
        %dma_start3A_277 = tpu.memref_squeeze %dma_start3A_276 : memref<1x125xi32, #tpu.memory_space<vmem>> -> memref<125xi32, #tpu.memory_space<vmem>>
        %dma_start3A_278 = arith.constant 0 : i32
        %dma_start3A_279 = arith.constant 0 : i32
        %dma_start3A_280 = tpu.memref_slice %arg2[%dma_start3A_278, %dma_start3A_279] : memref<10240x16xf32, #tpu.memory_space<hbm>> -> memref<10240x16xf32, #tpu.memory_space<hbm>>
        %dma_start3A_281 = tpu.memref_slice %arg11[%dma_start3A_270] : memref<4x!tpu.dma_semaphore, #tpu.memory_space<semaphore_mem>> -> memref<1x!tpu.dma_semaphore, #tpu.memory_space<semaphore_mem>>
        %dma_start3A_282 = tpu.memref_squeeze %dma_start3A_281 : memref<1x!tpu.dma_semaphore, #tpu.memory_space<semaphore_mem>> -> memref<!tpu.dma_semaphore, #tpu.memory_space<semaphore_mem>>
        tpu.enqueue_indirect_dma source(%dma_start3A_280 : memref<10240x16xf32, #tpu.memory_space<hbm>>) target(%dma_start3A_274 : memref<125x16xf32, #tpu.memory_space<vmem>>) offsets(%dma_start3A_277 : memref<125xi32, #tpu.memory_space<vmem>>) semaphore(%dma_start3A_282 : memref<!tpu.dma_semaphore, #tpu.memory_space<semaphore_mem>>)
      } else {
      }
      %scan3A_264 = arith.constant 0 : i32
      scf.yield %scan3A_264 : i32
    }
    %scan3A_44 = arith.constant 20 : i32
    %dma_wait3A = arith.constant 0 : i32
    %dma_wait3A_45 = arith.constant 76 : i32
    %dma_wait3A_46 = arith.constant 0 : i32
    %dma_wait3A_47 = arith.constant 0 : i32
    %dma_wait3A_48 = arith.constant 0 : i32
    %dma_wait3A_49 = tpu.memref_slice %arg8[%dma_wait3A, %dma_wait3A_47, %dma_wait3A_48] : memref<4x125x16xf32, #tpu.memory_space<vmem>> -> memref<1x125x16xf32, #tpu.memory_space<vmem>>
    %dma_wait3A_50 = tpu.memref_squeeze %dma_wait3A_49 : memref<1x125x16xf32, #tpu.memory_space<vmem>> -> memref<125x16xf32, #tpu.memory_space<vmem>>
    %dma_wait3A_51 = arith.constant 0 : i32
    %dma_wait3A_52 = tpu.memref_slice %arg7[%dma_wait3A_45, %dma_wait3A_51] : memref<80x125xi32, #tpu.memory_space<vmem>> -> memref<1x125xi32, #tpu.memory_space<vmem>>
    %dma_wait3A_53 = tpu.memref_squeeze %dma_wait3A_52 : memref<1x125xi32, #tpu.memory_space<vmem>> -> memref<125xi32, #tpu.memory_space<vmem>>
    %dma_wait3A_54 = arith.constant 0 : i32
    %dma_wait3A_55 = arith.constant 0 : i32
    %dma_wait3A_56 = tpu.memref_slice %arg10[%dma_wait3A_54, %dma_wait3A_55] : memref<10240x16xf32, #tpu.memory_space<vmem_shared>> -> memref<10240x16xf32, #tpu.memory_space<vmem_shared>>
    %dma_wait3A_57 = tpu.memref_slice %arg12[%dma_wait3A_46] : memref<4x!tpu.dma_semaphore, #tpu.memory_space<semaphore_mem>> -> memref<1x!tpu.dma_semaphore, #tpu.memory_space<semaphore_mem>>
    %dma_wait3A_58 = tpu.memref_squeeze %dma_wait3A_57 : memref<1x!tpu.dma_semaphore, #tpu.memory_space<semaphore_mem>> -> memref<!tpu.dma_semaphore, #tpu.memory_space<semaphore_mem>>
    tpu.wait_indirect_dma semaphore(%dma_wait3A_58 : memref<!tpu.dma_semaphore, #tpu.memory_space<semaphore_mem>>) src(%dma_wait3A_50 : memref<125x16xf32, #tpu.memory_space<vmem>>) dst(%dma_wait3A_56 : memref<10240x16xf32, #tpu.memory_space<vmem_shared>>)
    %dma_wait3A_59 = arith.constant 1 : i32
    %dma_wait3A_60 = arith.constant 77 : i32
    %dma_wait3A_61 = arith.constant 1 : i32
    %dma_wait3A_62 = arith.constant 0 : i32
    %dma_wait3A_63 = arith.constant 0 : i32
    %dma_wait3A_64 = tpu.memref_slice %arg8[%dma_wait3A_59, %dma_wait3A_62, %dma_wait3A_63] : memref<4x125x16xf32, #tpu.memory_space<vmem>> -> memref<1x125x16xf32, #tpu.memory_space<vmem>>
    %dma_wait3A_65 = tpu.memref_squeeze %dma_wait3A_64 : memref<1x125x16xf32, #tpu.memory_space<vmem>> -> memref<125x16xf32, #tpu.memory_space<vmem>>
    %dma_wait3A_66 = arith.constant 0 : i32
    %dma_wait3A_67 = tpu.memref_slice %arg7[%dma_wait3A_60, %dma_wait3A_66] : memref<80x125xi32, #tpu.memory_space<vmem>> -> memref<1x125xi32, #tpu.memory_space<vmem>>
    %dma_wait3A_68 = tpu.memref_squeeze %dma_wait3A_67 : memref<1x125xi32, #tpu.memory_space<vmem>> -> memref<125xi32, #tpu.memory_space<vmem>>
    %dma_wait3A_69 = arith.constant 0 : i32
    %dma_wait3A_70 = arith.constant 0 : i32
    %dma_wait3A_71 = tpu.memref_slice %arg10[%dma_wait3A_69, %dma_wait3A_70] : memref<10240x16xf32, #tpu.memory_space<vmem_shared>> -> memref<10240x16xf32, #tpu.memory_space<vmem_shared>>
    %dma_wait3A_72 = tpu.memref_slice %arg12[%dma_wait3A_61] : memref<4x!tpu.dma_semaphore, #tpu.memory_space<semaphore_mem>> -> memref<1x!tpu.dma_semaphore, #tpu.memory_space<semaphore_mem>>
    %dma_wait3A_73 = tpu.memref_squeeze %dma_wait3A_72 : memref<1x!tpu.dma_semaphore, #tpu.memory_space<semaphore_mem>> -> memref<!tpu.dma_semaphore, #tpu.memory_space<semaphore_mem>>
    tpu.wait_indirect_dma semaphore(%dma_wait3A_73 : memref<!tpu.dma_semaphore, #tpu.memory_space<semaphore_mem>>) src(%dma_wait3A_65 : memref<125x16xf32, #tpu.memory_space<vmem>>) dst(%dma_wait3A_71 : memref<10240x16xf32, #tpu.memory_space<vmem_shared>>)
    %dma_wait3A_74 = arith.constant 2 : i32
    %dma_wait3A_75 = arith.constant 78 : i32
    %dma_wait3A_76 = arith.constant 2 : i32
    %dma_wait3A_77 = arith.constant 0 : i32
    %dma_wait3A_78 = arith.constant 0 : i32
    %dma_wait3A_79 = tpu.memref_slice %arg8[%dma_wait3A_74, %dma_wait3A_77, %dma_wait3A_78] : memref<4x125x16xf32, #tpu.memory_space<vmem>> -> memref<1x125x16xf32, #tpu.memory_space<vmem>>
    %dma_wait3A_80 = tpu.memref_squeeze %dma_wait3A_79 : memref<1x125x16xf32, #tpu.memory_space<vmem>> -> memref<125x16xf32, #tpu.memory_space<vmem>>
    %dma_wait3A_81 = arith.constant 0 : i32
    %dma_wait3A_82 = tpu.memref_slice %arg7[%dma_wait3A_75, %dma_wait3A_81] : memref<80x125xi32, #tpu.memory_space<vmem>> -> memref<1x125xi32, #tpu.memory_space<vmem>>
    %dma_wait3A_83 = tpu.memref_squeeze %dma_wait3A_82 : memref<1x125xi32, #tpu.memory_space<vmem>> -> memref<125xi32, #tpu.memory_space<vmem>>
    %dma_wait3A_84 = arith.constant 0 : i32
    %dma_wait3A_85 = arith.constant 0 : i32
    %dma_wait3A_86 = tpu.memref_slice %arg10[%dma_wait3A_84, %dma_wait3A_85] : memref<10240x16xf32, #tpu.memory_space<vmem_shared>> -> memref<10240x16xf32, #tpu.memory_space<vmem_shared>>
    %dma_wait3A_87 = tpu.memref_slice %arg12[%dma_wait3A_76] : memref<4x!tpu.dma_semaphore, #tpu.memory_space<semaphore_mem>> -> memref<1x!tpu.dma_semaphore, #tpu.memory_space<semaphore_mem>>
    %dma_wait3A_88 = tpu.memref_squeeze %dma_wait3A_87 : memref<1x!tpu.dma_semaphore, #tpu.memory_space<semaphore_mem>> -> memref<!tpu.dma_semaphore, #tpu.memory_space<semaphore_mem>>
    tpu.wait_indirect_dma semaphore(%dma_wait3A_88 : memref<!tpu.dma_semaphore, #tpu.memory_space<semaphore_mem>>) src(%dma_wait3A_80 : memref<125x16xf32, #tpu.memory_space<vmem>>) dst(%dma_wait3A_86 : memref<10240x16xf32, #tpu.memory_space<vmem_shared>>)
    %dma_wait3A_89 = arith.constant 3 : i32
    %dma_wait3A_90 = arith.constant 79 : i32
    %dma_wait3A_91 = arith.constant 3 : i32
    %dma_wait3A_92 = arith.constant 0 : i32
    %dma_wait3A_93 = arith.constant 0 : i32
    %dma_wait3A_94 = tpu.memref_slice %arg8[%dma_wait3A_89, %dma_wait3A_92, %dma_wait3A_93] : memref<4x125x16xf32, #tpu.memory_space<vmem>> -> memref<1x125x16xf32, #tpu.memory_space<vmem>>
    %dma_wait3A_95 = tpu.memref_squeeze %dma_wait3A_94 : memref<1x125x16xf32, #tpu.memory_space<vmem>> -> memref<125x16xf32, #tpu.memory_space<vmem>>
    %dma_wait3A_96 = arith.constant 0 : i32
    %dma_wait3A_97 = tpu.memref_slice %arg7[%dma_wait3A_90, %dma_wait3A_96] : memref<80x125xi32, #tpu.memory_space<vmem>> -> memref<1x125xi32, #tpu.memory_space<vmem>>
    %dma_wait3A_98 = tpu.memref_squeeze %dma_wait3A_97 : memref<1x125xi32, #tpu.memory_space<vmem>> -> memref<125xi32, #tpu.memory_space<vmem>>
    %dma_wait3A_99 = arith.constant 0 : i32
    %dma_wait3A_100 = arith.constant 0 : i32
    %dma_wait3A_101 = tpu.memref_slice %arg10[%dma_wait3A_99, %dma_wait3A_100] : memref<10240x16xf32, #tpu.memory_space<vmem_shared>> -> memref<10240x16xf32, #tpu.memory_space<vmem_shared>>
    %dma_wait3A_102 = tpu.memref_slice %arg12[%dma_wait3A_91] : memref<4x!tpu.dma_semaphore, #tpu.memory_space<semaphore_mem>> -> memref<1x!tpu.dma_semaphore, #tpu.memory_space<semaphore_mem>>
    %dma_wait3A_103 = tpu.memref_squeeze %dma_wait3A_102 : memref<1x!tpu.dma_semaphore, #tpu.memory_space<semaphore_mem>> -> memref<!tpu.dma_semaphore, #tpu.memory_space<semaphore_mem>>
    tpu.wait_indirect_dma semaphore(%dma_wait3A_103 : memref<!tpu.dma_semaphore, #tpu.memory_space<semaphore_mem>>) src(%dma_wait3A_95 : memref<125x16xf32, #tpu.memory_space<vmem>>) dst(%dma_wait3A_101 : memref<10240x16xf32, #tpu.memory_space<vmem_shared>>)
    %barrier3A_104 = arith.constant 0 : index
    tpu.barrier barrier_id(%barrier3A_104)
    %mul3A_105 = arith.constant 640 : i32
    %mul3A_106 = arith.muli %arg1, %mul3A_105 : i32
    %mul3A_107 = arith.constant 640 : i32
    %mul3A_108 = arith.muli %arg1, %mul3A_107 : i32
    "tpu.region"() ({
      %run_scoped3A = tpu.sem_alloc : memref<!tpu.dma_semaphore, #tpu.memory_space<semaphore_mem>>
      %dma_start3A_109 = arith.constant 0 : i32
      %dma_start3A_110 = tpu.memref_slice %arg5[%arg0, %mul3A_108, %dma_start3A_109] : memref<2x10240x16xf32, #tpu.memory_space<hbm>> -> memref<1x640x16xf32, #tpu.memory_space<hbm>>
      %dma_start3A_111 = tpu.memref_squeeze %dma_start3A_110 : memref<1x640x16xf32, #tpu.memory_space<hbm>> -> memref<640x16xf32, #tpu.memory_space<hbm>>
      %dma_start3A_112 = arith.constant 0 : i32
      %dma_start3A_113 = tpu.memref_slice %arg10[%mul3A_106, %dma_start3A_112] : memref<10240x16xf32, #tpu.memory_space<vmem_shared>> -> memref<640x16xf32, #tpu.memory_space<vmem_shared>>
      tpu.enqueue_dma source(%dma_start3A_113 : memref<640x16xf32, #tpu.memory_space<vmem_shared>>) target(%dma_start3A_111 : memref<640x16xf32, #tpu.memory_space<hbm>>) target_semaphore(%run_scoped3A : memref<!tpu.dma_semaphore, #tpu.memory_space<semaphore_mem>>)
      %dma_wait3A_114 = arith.constant 0 : i32
      %dma_wait3A_115 = tpu.memref_slice %arg5[%arg0, %mul3A_108, %dma_wait3A_114] : memref<2x10240x16xf32, #tpu.memory_space<hbm>> -> memref<1x640x16xf32, #tpu.memory_space<hbm>>
      %dma_wait3A_116 = tpu.memref_squeeze %dma_wait3A_115 : memref<1x640x16xf32, #tpu.memory_space<hbm>> -> memref<640x16xf32, #tpu.memory_space<hbm>>
      %dma_wait3A_117 = arith.constant 0 : i32
      %dma_wait3A_118 = tpu.memref_slice %arg10[%mul3A_106, %dma_wait3A_117] : memref<10240x16xf32, #tpu.memory_space<vmem_shared>> -> memref<640x16xf32, #tpu.memory_space<vmem_shared>>
      tpu.wait_dma2 semaphore(%run_scoped3A : memref<!tpu.dma_semaphore, #tpu.memory_space<semaphore_mem>>) src(%dma_wait3A_118 : memref<640x16xf32, #tpu.memory_space<vmem_shared>>) dst(%dma_wait3A_116 : memref<640x16xf32, #tpu.memory_space<hbm>>)
      tpu.yield
    }) : () -> ()
    return
  }
}

module attributes {stable_mosaic.version = 14 : i64} {
  func.func @_tc1_body(%arg0: memref<2x10240x1xf32, #tpu.memory_space<vmem>>, %arg1: memref<10240x128xf32, #tpu.memory_space<vmem>>, %arg2: memref<128x16xf32, #tpu.memory_space<vmem>>, %arg3: memref<10240x1xf32, #tpu.memory_space<vmem>>, %arg4: memref<10240x16xf32, #tpu.memory_space<vmem>>) attributes {dimension_semantics = [], scalar_prefetch = 0 : i64, scratch_operands = 0 : i64, tpu.core_type = #tpu.core_type<tc>} {
    %get3A = arith.constant 0 : index
    %get3A_0 = arith.constant 0 : index
    %get3A_1 = arith.constant 0 : index
    %get3A_2 = vector.load %arg0[%get3A, %get3A_0, %get3A_1] : memref<2x10240x1xf32, #tpu.memory_space<vmem>>, vector<1x10240x1xf32>
    %get3A_3 = vector.shape_cast %get3A_2 : vector<1x10240x1xf32> to vector<10240x1xf32>
    %get3A_4 = arith.constant 1 : index
    %get3A_5 = arith.constant 0 : index
    %get3A_6 = arith.constant 0 : index
    %get3A_7 = vector.load %arg0[%get3A_4, %get3A_5, %get3A_6] : memref<2x10240x1xf32, #tpu.memory_space<vmem>>, vector<1x10240x1xf32>
    %get3A_8 = vector.shape_cast %get3A_7 : vector<1x10240x1xf32> to vector<10240x1xf32>
    %add3A = arith.addf %get3A_3, %get3A_8 : vector<10240x1xf32>
    %add3A_9 = arith.constant 1.000000e+00 : f32
    %add3A_10 = vector.broadcast %add3A_9 : f32 to vector<10240x1xf32>
    %add3A_11 = arith.addf %add3A, %add3A_10 : vector<10240x1xf32>
    %rsqrt3A = math.rsqrt %add3A_11 : vector<10240x1xf32>
    %swap3A = arith.constant 0 : index
    %swap3A_12 = arith.constant 0 : index
    %swap3A_13 = vector.load %arg3[%swap3A, %swap3A_12] : memref<10240x1xf32, #tpu.memory_space<vmem>>, vector<10240x1xf32>
    tpu.vector_store %arg3[%swap3A, %swap3A_12], %rsqrt3A {strides = array<i32>} : memref<10240x1xf32, #tpu.memory_space<vmem>>, vector<10240x1xf32>,
    %get3A_14 = arith.constant 0 : index
    %get3A_15 = arith.constant 0 : index
    %get3A_16 = vector.load %arg1[%get3A_14, %get3A_15] : memref<10240x128xf32, #tpu.memory_space<vmem>>, vector<10240x128xf32>
    %get3A_17 = arith.constant 0 : index
    %get3A_18 = arith.constant 0 : index
    %get3A_19 = vector.load %arg2[%get3A_17, %get3A_18] : memref<128x16xf32, #tpu.memory_space<vmem>>, vector<128x16xf32>
    %dot_general3A = arith.constant dense<0.000000e+00> : vector<10240x16xf32>
    %dot_general3A_20 = tpu.matmul %get3A_16, %get3A_19, %dot_general3A {dimension_numbers = #tpu.dot_dimension_numbers<[1], [0], [0], [1], [0, 0, 1, 1], [], []>, transpose_lhs_hint = false} : vector<10240x128xf32>, vector<128x16xf32>, vector<10240x16xf32> -> vector<10240x16xf32>
    %mul3A = vector.broadcast %rsqrt3A : vector<10240x1xf32> to vector<10240x16xf32>
    %mul3A_21 = arith.mulf %dot_general3A_20, %mul3A : vector<10240x16xf32>
    %swap3A_22 = arith.constant 0 : index
    %swap3A_23 = arith.constant 0 : index
    %swap3A_24 = vector.load %arg4[%swap3A_22, %swap3A_23] : memref<10240x16xf32, #tpu.memory_space<vmem>>, vector<10240x16xf32>
    tpu.vector_store %arg4[%swap3A_22, %swap3A_23], %mul3A_21 {strides = array<i32>} : memref<10240x16xf32, #tpu.memory_space<vmem>>, vector<10240x16xf32>,
    return
  }
}

module attributes {stable_mosaic.version = 14 : i64} {
  func.func @_tc2_body(%arg0: memref<2x10240x16xf32, #tpu.memory_space<vmem>>, %arg1: memref<10240x16xf32, #tpu.memory_space<vmem>>, %arg2: memref<10240x1xf32, #tpu.memory_space<vmem>>, %arg3: memref<1x16xf32, #tpu.memory_space<vmem>>, %arg4: memref<16x32xf32, #tpu.memory_space<vmem>>, %arg5: memref<10240x32xf32, #tpu.memory_space<vmem>>) attributes {dimension_semantics = [], scalar_prefetch = 0 : i64, scratch_operands = 0 : i64, tpu.core_type = #tpu.core_type<tc>} {
    %get3A = arith.constant 0 : index
    %get3A_0 = arith.constant 0 : index
    %get3A_1 = vector.load %arg2[%get3A, %get3A_0] : memref<10240x1xf32, #tpu.memory_space<vmem>>, vector<10240x1xf32>
    %get3A_2 = arith.constant 0 : index
    %get3A_3 = arith.constant 0 : index
    %get3A_4 = arith.constant 0 : index
    %get3A_5 = vector.load %arg0[%get3A_2, %get3A_3, %get3A_4] : memref<2x10240x16xf32, #tpu.memory_space<vmem>>, vector<1x10240x16xf32>
    %get3A_6 = vector.shape_cast %get3A_5 : vector<1x10240x16xf32> to vector<10240x16xf32>
    %get3A_7 = arith.constant 1 : index
    %get3A_8 = arith.constant 0 : index
    %get3A_9 = arith.constant 0 : index
    %get3A_10 = vector.load %arg0[%get3A_7, %get3A_8, %get3A_9] : memref<2x10240x16xf32, #tpu.memory_space<vmem>>, vector<1x10240x16xf32>
    %get3A_11 = vector.shape_cast %get3A_10 : vector<1x10240x16xf32> to vector<10240x16xf32>
    %add3A = arith.addf %get3A_6, %get3A_11 : vector<10240x16xf32>
    %get3A_12 = arith.constant 0 : index
    %get3A_13 = arith.constant 0 : index
    %get3A_14 = vector.load %arg1[%get3A_12, %get3A_13] : memref<10240x16xf32, #tpu.memory_space<vmem>>, vector<10240x16xf32>
    %add3A_15 = arith.addf %add3A, %get3A_14 : vector<10240x16xf32>
    %mul3A = vector.broadcast %get3A_1 : vector<10240x1xf32> to vector<10240x16xf32>
    %mul3A_16 = arith.mulf %add3A_15, %mul3A : vector<10240x16xf32>
    %get3A_17 = arith.constant 0 : index
    %get3A_18 = arith.constant 0 : index
    %get3A_19 = vector.load %arg3[%get3A_17, %get3A_18] : memref<1x16xf32, #tpu.memory_space<vmem>>, vector<1x16xf32>
    %add3A_20 = vector.broadcast %get3A_19 : vector<1x16xf32> to vector<10240x16xf32>
    %add3A_21 = arith.addf %mul3A_16, %add3A_20 : vector<10240x16xf32>
    %max3A = arith.constant 0.000000e+00 : f32
    %max3A_22 = vector.broadcast %max3A : f32 to vector<10240x16xf32>
    %max3A_23 = arith.maximumf %add3A_21, %max3A_22 : vector<10240x16xf32>
    %get3A_24 = arith.constant 0 : index
    %get3A_25 = arith.constant 0 : index
    %get3A_26 = vector.load %arg4[%get3A_24, %get3A_25] : memref<16x32xf32, #tpu.memory_space<vmem>>, vector<16x32xf32>
    %dot_general3A = arith.constant dense<0.000000e+00> : vector<10240x32xf32>
    %dot_general3A_27 = tpu.matmul %max3A_23, %get3A_26, %dot_general3A {dimension_numbers = #tpu.dot_dimension_numbers<[1], [0], [0], [1], [0, 0, 1, 1], [], []>, transpose_lhs_hint = false} : vector<10240x16xf32>, vector<16x32xf32>, vector<10240x32xf32> -> vector<10240x32xf32>
    %mul3A_28 = vector.broadcast %get3A_1 : vector<10240x1xf32> to vector<10240x32xf32>
    %mul3A_29 = arith.mulf %dot_general3A_27, %mul3A_28 : vector<10240x32xf32>
    %swap3A = arith.constant 0 : index
    %swap3A_30 = arith.constant 0 : index
    %swap3A_31 = vector.load %arg5[%swap3A, %swap3A_30] : memref<10240x32xf32, #tpu.memory_space<vmem>>, vector<10240x32xf32>
    tpu.vector_store %arg5[%swap3A, %swap3A_30], %mul3A_29 {strides = array<i32>} : memref<10240x32xf32, #tpu.memory_space<vmem>>, vector<10240x32xf32>,
    return
  }
}

module attributes {stable_mosaic.version = 14 : i64} {
  func.func @_tc3_body(%arg0: memref<2x10240x32xf32, #tpu.memory_space<vmem>>, %arg1: memref<10240x32xf32, #tpu.memory_space<vmem>>, %arg2: memref<10240x1xf32, #tpu.memory_space<vmem>>, %arg3: memref<1x32xf32, #tpu.memory_space<vmem>>, %arg4: memref<10240x32xf32, #tpu.memory_space<vmem>>) attributes {dimension_semantics = [], scalar_prefetch = 0 : i64, scratch_operands = 0 : i64, tpu.core_type = #tpu.core_type<tc>} {
    %get3A = arith.constant 0 : index
    %get3A_0 = arith.constant 0 : index
    %get3A_1 = arith.constant 0 : index
    %get3A_2 = vector.load %arg0[%get3A, %get3A_0, %get3A_1] : memref<2x10240x32xf32, #tpu.memory_space<vmem>>, vector<1x10240x32xf32>
    %get3A_3 = vector.shape_cast %get3A_2 : vector<1x10240x32xf32> to vector<10240x32xf32>
    %get3A_4 = arith.constant 1 : index
    %get3A_5 = arith.constant 0 : index
    %get3A_6 = arith.constant 0 : index
    %get3A_7 = vector.load %arg0[%get3A_4, %get3A_5, %get3A_6] : memref<2x10240x32xf32, #tpu.memory_space<vmem>>, vector<1x10240x32xf32>
    %get3A_8 = vector.shape_cast %get3A_7 : vector<1x10240x32xf32> to vector<10240x32xf32>
    %add3A = arith.addf %get3A_3, %get3A_8 : vector<10240x32xf32>
    %get3A_9 = arith.constant 0 : index
    %get3A_10 = arith.constant 0 : index
    %get3A_11 = vector.load %arg1[%get3A_9, %get3A_10] : memref<10240x32xf32, #tpu.memory_space<vmem>>, vector<10240x32xf32>
    %add3A_12 = arith.addf %add3A, %get3A_11 : vector<10240x32xf32>
    %get3A_13 = arith.constant 0 : index
    %get3A_14 = arith.constant 0 : index
    %get3A_15 = vector.load %arg2[%get3A_13, %get3A_14] : memref<10240x1xf32, #tpu.memory_space<vmem>>, vector<10240x1xf32>
    %mul3A = vector.broadcast %get3A_15 : vector<10240x1xf32> to vector<10240x32xf32>
    %mul3A_16 = arith.mulf %add3A_12, %mul3A : vector<10240x32xf32>
    %get3A_17 = arith.constant 0 : index
    %get3A_18 = arith.constant 0 : index
    %get3A_19 = vector.load %arg3[%get3A_17, %get3A_18] : memref<1x32xf32, #tpu.memory_space<vmem>>, vector<1x32xf32>
    %add3A_20 = vector.broadcast %get3A_19 : vector<1x32xf32> to vector<10240x32xf32>
    %add3A_21 = arith.addf %mul3A_16, %add3A_20 : vector<10240x32xf32>
    %reduce_max3A = arith.constant dense<0xFF800000> : vector<10240xf32>
    %reduce_max3A_22 = vector.multi_reduction <maximumf>, %add3A_21, %reduce_max3A [1] : vector<10240x32xf32> to vector<10240xf32>
    %broadcast_in_dim3A = vector.shape_cast %reduce_max3A_22 : vector<10240xf32> to vector<10240x1xf32>
    %sub3A = vector.broadcast %broadcast_in_dim3A : vector<10240x1xf32> to vector<10240x32xf32>
    %sub3A_23 = arith.subf %add3A_21, %sub3A : vector<10240x32xf32>
    %exp3A = math.exp %sub3A_23 : vector<10240x32xf32>
    %reduce_sum3A = arith.constant dense<0.000000e+00> : vector<10240xf32>
    %reduce_sum3A_24 = vector.multi_reduction <add>, %exp3A, %reduce_sum3A [1] : vector<10240x32xf32> to vector<10240xf32>
    %broadcast_in_dim3A_25 = vector.shape_cast %reduce_sum3A_24 : vector<10240xf32> to vector<10240x1xf32>
    %log3A = math.log %broadcast_in_dim3A_25 : vector<10240x1xf32>
    %add3A_26 = arith.addf %log3A, %broadcast_in_dim3A : vector<10240x1xf32>
    %sub3A_27 = vector.broadcast %add3A_26 : vector<10240x1xf32> to vector<10240x32xf32>
    %sub3A_28 = arith.subf %add3A_21, %sub3A_27 : vector<10240x32xf32>
    %swap3A = arith.constant 0 : index
    %swap3A_29 = arith.constant 0 : index
    %swap3A_30 = vector.load %arg4[%swap3A, %swap3A_29] : memref<10240x32xf32, #tpu.memory_space<vmem>>, vector<10240x32xf32>
    tpu.vector_store %arg4[%swap3A, %swap3A_29], %sub3A_28 {strides = array<i32>} : memref<10240x32xf32, #tpu.memory_space<vmem>>, vector<10240x32xf32>,
    return
  }
}

</mosaic_0001>

<sc_bundles>
// kernel: kernel.11.cloned.1.call-start
scs
__scs_entry_jumppad:
0x0: {  	(pc) =	sbr.rel $0x88, $3  }
0x1: {  	(tag) =	ssettag $0x0;
	lr =	simm.s32 $0x1  }
0x2: {  	[smem:$0x3F9B] =	sst lr;
	_ =	strace $0xD0000000  }
0x3: {  	_ = 	snop  }
0x4: {  	_ = 	snop  }
0x5: {  	_ = 	snop  }
0x6: {  	_ = 	snop  }
0x7: {  	_ = 	snop  }
__scs_overlays_trampoline_lowered:
0x8: {  	[smem:$0x3FAA] =	sst s0  }
0x9: {  	[smem:$0x3FAB] =	sst s1  }
0xa: {  	[smem:$0x3FAC] =	sst s2  }
0xb: {  	[smem:$0x3FAD] =	sst s3  }
0xc: {  	[smem:$0x3FAE] =	sst s4  }
0xd: {  	[smem:$0x3FAF] =	sst s5  }
0xe: {  	[smem:$0x3FB0] =	sst s6  }
0xf: {  	[smem:$0x3FB1] =	sst s7  }
0x10: {  	[smem:$0x3FB2] =	sst s8  }
0x11: {  	[smem:$0x3FB3] =	sst s9;
	s0 =	simm.s32 @!p0 $0x0  }
0x12: {  	s1 =	sld [smem:$0x3F99];
	s0 =	simm.s32 @p0 $0x1  }
0x13: {  	[smem:$0x3FB4] =	sst s0;
	s0 =	simm.s32 @!p1 $0x0  }
0x14: {  	s2 =	sld [smem:$0x3F98];
	s0 =	simm.s32 @p1 $0x1  }
0x15: {  	[smem:$0x3FB5] =	sst s0;
	s0 =	simm.s32 @!p2 $0x0  }
0x16: {  	s3 =	sld [smem:$0x3FDB];
	s0 =	simm.s32 @p2 $0x1  }
0x17: {  	s4 =	simm.s32 $0x1BF5;
	[smem:$0x3FB7] =	sst s0  }
0x18: {  	s0 =	sld [smem:$0x3F9A];
	_ =	swait.ge [sflag:s4], $0x0  }
0x19: {  	s7 =	sld [smem:$0x3F9B]  }
0x1a: {  	s8 =	sadd.s32 $0xFFFFE003, lr  }
0x1b: {  	s9 =	sadd.s32 $0xFFFFFEF7, lr;
	s5 =	simm.s32 $0xFFFFFFFF;
	p2 =	slt.u32 s8, $0xFFFFF086  }
0x1c: {  	p1 =	slt.u32 s9, $0xF7A;
	s5 =	simm.s32 @!p2 $0x0  }
0x1d: {  	s5 =	simm.s32 @p1 $0x1;
	p0 =	seq.s32 s7, s2  }
0x1e: {  	s7 =	smul.u32 @!p0 $0xF7A, s2;
	p2 =	seq.s32 @!p0 s5, $0x0  }
0x1f: {  	s9 =	smul.u32 $0xF7A, s1;
	s8 =	simm.s32 @!p0 $0x1BF5;
	p2 =	por !p2, p0  }
0x20: {  	[sflag:s8] =	ssyncset.s32 @!p0 $0xFFFFF086;
	s6 =	sadd.s32 @!p0 s3, s7;
	s7 =	simm.s32 @!p0 $0x108  }
0x21: {  	s3 =	sadd.s32 s3, s9;
	s6 =	sadd.s32 @!p0 $0x88, s6;
	s7 =	simm.s32 @p2 $0x1082  }
0x22: {  	[simem:s7], [sflag:s8] =	dma.local @!p0 [hbm:s6], $0xF7A  }
0x23: {  	s9 =	sor.u32 $0xD0000000, s2;
	s6 =	simm.s32 $0x108;
	_ =	swait.ge @!p0 [sflag:s8], $0x0  }
0x24: {  	s3 =	sadd.s32 $0x88, s3;
	s6 =	simm.s32 @!p1 $0x1082;
	[sflag:s4] =	ssyncset.s32 $0xFFFFF086  }
0x25: {  	[simem:s6], [sflag:s4] =	dma.local [hbm:s3], $0xF7A  }
0x26: {  	[smem:$0x3F9B] =	sst s1;
	(tag) =	ssettag s2;
	_ =	strace s9  }
0x27: {  	s1 =	sld [smem:$0x3FAB]  }
0x28: {  	s2 =	sld [smem:$0x3FAC]  }
0x29: {  	s4 =	sld [smem:$0x3FAE]  }
0x2a: {  	p0 =	seq.s32 s5, $0x0;
	s5 =	sld [smem:$0x3FAF]  }
0x2b: {  	s6 =	sld [smem:$0x3FB0]  }
0x2c: {  	s7 =	sld [smem:$0x3FB1]  }
0x2d: {  	s3 =	simm.s32 $0x108;
	s8 =	sld [smem:$0x3FB2]  }
0x2e: {  	s3 =	simm.s32 @!p0 $0x1082;
	s9 =	sld [smem:$0x3FB3]  }
0x2f: {  	lr =	sadd.s32 s0, s3;
	s0 =	sld [smem:$0x3FAA]  }
0x30: {  	s3 =	sld [smem:$0x3FAD]  }
0x31: {  	[smem:$0x3FB6] =	sst s10  }
0x32: {  	s10 =	sld [smem:$0x3FB4];
	_ =	sdelay $0x3  }
0x33: {  	p0 =	seq.s32 s10, $0x1;
	s10 =	sld [smem:$0x3FB6];
	_ =	sdelay $0x3  }
0x34: {  	[smem:$0x3FB6] =	sst s10  }
0x35: {  	s10 =	sld [smem:$0x3FB5];
	_ =	sdelay $0x3  }
0x36: {  	p1 =	seq.s32 s10, $0x1;
	s10 =	sld [smem:$0x3FB6];
	_ =	sdelay $0x3  }
0x37: {  	[smem:$0x3FB6] =	sst s10  }
0x38: {  	s10 =	sld [smem:$0x3FB7]  }
0x39: {  	_ = 	snop;
	(pc) =	sbr.ind lr, $3  }
0x3a: {  	_ = 	snop  }
0x3b: {  	_ = 	snop  }
0x3c: {  	p2 =	seq.s32 s10, $0x1;
	s10 =	sld [smem:$0x3FB6]  }
0x3d: {  	_ =	shalt  }
0x3e: {  	_ =	shalt  }
0x3f: {  	_ =	shalt  }
0x40: {  	_ =	shalt  }
0x41: {  	_ =	shalt  }
0x42: {  	_ =	shalt  }
0x43: {  	_ =	shalt  }
0x44: {  	_ =	shalt  }
0x45: {  	_ =	shalt  }
0x46: {  	_ =	shalt  }
0x47: {  	_ =	shalt  }
0x48: {  	_ =	shalt  }
0x49: {  	_ =	shalt  }
0x4a: {  	_ =	shalt  }
0x4b: {  	_ =	shalt  }
0x4c: {  	_ =	shalt  }
0x4d: {  	_ =	shalt  }
0x4e: {  	_ =	shalt  }
0x4f: {  	_ =	shalt  }
0x50: {  	_ =	shalt  }
0x51: {  	_ =	shalt  }
0x52: {  	_ =	shalt  }
0x53: {  	_ =	shalt  }
0x54: {  	_ =	shalt  }
0x55: {  	_ =	shalt  }
0x56: {  	_ =	shalt  }
0x57: {  	_ =	shalt  }
0x58: {  	_ =	shalt  }
0x59: {  	_ =	shalt  }
0x5a: {  	_ =	shalt  }
0x5b: {  	_ =	shalt  }
0x5c: {  	_ =	shalt  }
0x5d: {  	_ =	shalt  }
0x5e: {  	_ =	shalt  }
0x5f: {  	_ =	shalt  }
0x60: {  	_ =	shalt  }
0x61: {  	_ =	shalt  }
0x62: {  	_ =	shalt  }
0x63: {  	_ =	shalt  }
0x64: {  	_ =	shalt  }
0x65: {  	_ =	shalt  }
0x66: {  	_ =	shalt  }
0x67: {  	_ =	shalt  }
0x68: {  	_ =	shalt  }
0x69: {  	_ =	shalt  }
0x6a: {  	_ =	shalt  }
0x6b: {  	_ =	shalt  }
0x6c: {  	_ =	shalt  }
0x6d: {  	_ =	shalt  }
0x6e: {  	_ =	shalt  }
0x6f: {  	_ =	shalt  }
0x70: {  	_ =	shalt  }
0x71: {  	_ =	shalt  }
0x72: {  	_ =	shalt  }
0x73: {  	_ =	shalt  }
0x74: {  	_ =	shalt  }
0x75: {  	_ =	shalt  }
0x76: {  	_ =	shalt  }
0x77: {  	_ =	shalt  }
0x78: {  	_ =	shalt  }
0x79: {  	_ =	shalt  }
0x7a: {  	_ =	shalt  }
0x7b: {  	_ =	shalt  }
0x7c: {  	_ =	shalt  }
0x7d: {  	_ =	shalt  }
0x7e: {  	_ =	shalt  }
0x7f: {  	_ =	shalt  }
0x80: {  	_ =	shalt  }
0x81: {  	_ =	shalt  }
0x82: {  	_ =	shalt  }
0x83: {  	_ =	shalt  }
0x84: {  	_ =	shalt  }
0x85: {  	_ =	shalt  }
0x86: {  	_ =	shalt  }
0x87: {  	_ =	shalt  }
.Lfunc_end0:
.L_simem_size_0:
called_computation.1_lowered:
.L_overlay_start_0:
0x88: {  	s2 =	sld [smem:$0x3FD9]  }
0x89: {  	s3 =	sld [smem:$0x3FFE];
	_ =	sdelay $0x1  }
0x8a: {  	s1 =	srdreg.scid  }
0x8b: {  	s0 =	sand.u32 $0x1, s1  }
0x8c: {  	s17 =	sshll.u32 s0, $0xA;
	s2 =	sadd.s32 s3, s2  }
0x8d: {  	s2 =	sadd.s32 s2, s17  }
0x8e: {  	[smem:$0x3FC2] =	sst s2  }
0x8f: {  	_ = 	snop  }
0x90: {  	s2 =	sld [smem:$0x3FD0];
	(tm) =	ssettm $0x1  }
0x91: {  	s18 =	sld [smem:$0x3FFB];
	_ =	sdelay $0x3  }
0x92: {  	_ =	strace s18  }
0x93: {  	s3 =	sld [smem:$0x3FFC];
	_ =	sdelay $0x3  }
0x94: {  	_ =	strace s3  }
0x95: {  	s3 =	sld [smem:$0x3FFD];
	_ =	sdelay $0x3  }
0x96: {  	_ =	strace s3  }
0x97: {  	_ =	strace $0x8FFFFFFF  }
0x98: {  	s19 =	sld [smem:$0x3FDB];
	_ =	sdelay $0x1  }
0x99: {  	s4 =	simm.s32 $_scs_section_size  }
0x9a: {  	s5 =	simm.s32 $_size__tile_overlayer_lowered;
	s6 =	simm.s32 $_tile_overlayer_lowered  }
0x9b: {  	s22 =	simm.s32 $0x1BFF;
	s21 =	sshll.u32 s6, $0x1;
	s3 =	sadd.s32 s4, s19  }
0x9c: {  	s7 =	simm.s32 $0x0;
	s20 =	sshll.u32 s5, $0x1;
	s5 =	sadd.s32 s21, s3  }
0x9d: {  	[timem:s7], [sflag:s22] =	dma.local [hbm:s5], s20  }
0x9e: {  	_ =	swait.ge [sflag:s22], s20  }
0x9f: {  	s4 =	ssub.s32 $0x0, s20;
	[sflag:s22] =	ssyncset.done $0x0  }
0xa0: {  	[sflag:s22] =	ssyncadd.s32 s4;
	_ =	sdelay $0x1  }
0xa1: {  	s23 =	simm.s32 $0x1B8B  }
0xa2: {  	_ =	swait.ge [sflag:s23], $0x1  }
0xa3: {  	[sflag:s23] =	ssyncset.done $0x0  }
0xa4: {  	s25 =	simm.s32 $0x1B8E;
	s24 =	sld [smem:$0x3FFE];
	[sflag:s23] =	ssyncadd.s32 $0xFFFFFFFF  }
0xa5: {  	s26 =	simm.s32 $execute0_lowered;
	[smem:$0x3FD2] =	sst s25  }
0xa6: {  	s5 =	sshll.u32 s26, $0x1;
	_ =	strace $0x80000049;
	[dreg:$0x1] =	wrdreg $0xFFFFFFFF  }
0xa7: {  	s28 =	simm.s32 $_size_execute0_lowered;
	s3 =	sadd.s32 s3, s5;
	[dreg:$0x0] =	wrdreg $0x0  }
0xa8: {  	s5 =	sshll.u32 s28, $0x1;
	[dreg:$0x2] =	wrdreg s3  }
0xa9: {  	[dreg:$0x3] =	wrdreg s5  }
0xaa: {  	[dreg:$0x4] =	wrdreg $0xC0  }
0xab: {  	_ =	task [dreg:s7], $0x5FFFF  }
0xac: {  	[dreg:$0x1] =	wrdreg $0xFFFFFFFF  }
0xad: {  	[dreg:$0x0] =	wrdreg $0x60  }
0xae: {  	[dreg:$0x2] =	wrdreg s2  }
0xaf: {  	[dreg:$0x3] =	wrdreg s24  }
0xb0: {  	[dreg:$0x4] =	wrdreg $0x97400  }
0xb1: {  	[dreg:$0x5] =	wrdreg $0x9  }
0xb2: {  	_ =	task.clear_ibuf [dreg:s7], $0x6FFFF;
	_ =	strace $0x90000049  }
0xb3: {  	s29 =	simm.s32 $0x9;
	_ =	strace $0x8000004B  }
0xb4: {  	_ =	swait.ge [sflag:s29], $0x1  }
0xb5: {  	[sflag:s29] =	ssyncadd.s32 $0xFFFFFFFF  }
0xb6: {  	_ =	strace $0x9000004B  }
0xb7: {  	_ =	sfence  }
0xb8: {  	s30 =	sld [smem:$0x0];
	_ =	sdelay $0x2  }
0xb9: {  	s31 =	sshll.u32 s1, $0xD;
	s1 =	sshrl.u32 s1, $0x2  }
0xba: {  	s3 =	sand.u32 $0x4000, s31;
	s1 =	sadd.s32 s1, s30  }
0xbb: {  	s0 =	sor.u32 s3, s0;
	s1 =	sshll.u32 s1, $0x11  }
0xbc: {  	s0 =	sor.u32 s1, s0  }
0xbd: {  	s0 =	sadd.s32 $0x8F2B, s0  }
0xbe: {  	[sflag:s0] =	ssyncadd.remote.s32 $0x1  }
0xbf: {  	_ =	sfence.sel $0xFFFF  }
0xc0: {  	[dreg:$0x0] =	wrdreg $0xFFFFFFFF;
	(pc) =	sbr.abs _section_cstart, $3  }
0xc1: {  	[dreg:$0x1] =	wrdreg $0xFFFFFFFF  }
0xc2: {  	_ =	task.clear_ibuf [dreg:s7], $0x2FFFF;
	_ =	strace $0x9FFFFFFF  }
0xc3: {  	(tm) =	ssettm $0x7FFFFFFF  }
tec
execute0_lowered:
.L_overlay_start_1:
0x0: {  	(tag) =	ssettag $0x1  }
0x1: {  	s1 =	rddreg [dreg:$0x0];
	s0 =	srdreg.scid  }
0x2: {  	s8 =	stileid.u32;
	s2 =	rddreg [dreg:$0x1]  }
0x3: {  	s3 =	rddreg [dreg:$0x2];
	s4 =	simm.s32 $0x0;
	s11 =	simm.s32 $0x9  }
0x4: {  	s12 =	simm.s32 $0x2800;
	s13 =	simm.s32 $0x7D;
	s14 =	simm.s32 $0x5000  }
0x5: {  	s16 =	simm.s32 $0x57D0;
	s17 =	simm.s32 $0x1;
	s19 =	simm.s32 $0x5FA0  }
0x6: {  	s20 =	simm.s32 $0x2;
	s23 =	simm.s32 $0x6770;
	s24 =	simm.s32 $0x3  }
0x7: {  	s28 =	simm.s32 $0x200;
	s29 =	simm.s32 $0x4;
	s30 =	simm.s32 $0x2980  }
0x8: {  	s31 =	simm.s32 $0x6;
	s10 =	simm.s32 $0x8;
	s0 =	sand.u32 $0x1, s0  }
0x9: {  	s5 =	smul.u32 $0x2800, s8;
	[smem:$0x7FF] =	sst s4;
	s6 =	sshll.u32 s0, $0x4  }
0xa: {  	s7 =	smul.u32 $0x28000, s0;
	s0 =	ssub.s32 $0x2, s0;
	s6 =	sor.u32 s8, s6  }
0xb: {  	_ =	strace $0x8000004A;
	s26 =	sshrl.u32 s0, $0x1;
	s6 =	smul.u32 $0x500, s6  }
.Ltmp0:
0xc: {  	s7 =	sadd.s32 s5, s7;
	s0 =	ssub.s32 s0, s26;
	(pc) =	sbr.rel .LBB2_1-.Ltmp0, $4  }
0xd: {  	s5 =	sadd.s32 s5, s3;
	s26 =	simm.s32 $0x5;
	s7 =	sshrl.u32 s7, $0x3  }
0xe: {  	s9 =	smax.u32 s0, $0x1;
	s0 =	simm.s32 $0x7;
	s25 =	sadd.s32 s6, s2  }
0xf: {  	s2 =	sadd.s32 s7, s2;
	s6 =	sadd.s32 $0xB600, s25;
	s7 =	sadd.s32 $0x1600, s25  }
0x10: {  	v0 =	vimm.f32 $0.0e+00;
	s8 =	sadd.s32 $0x15600, s2;
	s25 =	simm.s32 $0x2900;
	s2 =	simm.s32 $0x280  }
.LBB2_6:
0x11: {  	_ =	swait.ge [sflag:s29], $0x7D0  }
0x12: {  	[sflag:s29] =	ssyncset.done $0x0  }
0x13: {  	[sflag:s29] =	ssyncadd.s32 $0xFFFFF830  }
0x14: {  	[spmem:s3] =	stream.indirect.scatter.add.f32 [tilespmem:s23], [sflag:$0x8], $0x10, s21, s13, $0xb8;
	[tilespmem:$0xBF40] =	vst v63  }
0x15: {  	_ =	swait.ge [sflag:s26], $0x7D0  }
0x16: {  	[sflag:s26] =	ssyncset.done $0x0  }
0x17: {  	[sflag:s26] =	ssyncadd.s32 $0xFFFFF830  }
0x18: {  	_ =	swait.ge [sflag:s31], $0x7D0  }
0x19: {  	[sflag:s31] =	ssyncset.done $0x0  }
0x1a: {  	[sflag:s31] =	ssyncadd.s32 $0xFFFFF830  }
0x1b: {  	_ =	swait.ge [sflag:s0], $0x7D0  }
0x1c: {  	[sflag:s0] =	ssyncset.done $0x0  }
0x1d: {  	[sflag:s0] =	ssyncadd.s32 $0xFFFFF830  }
0x1e: {  	s15 =	stileid.u32;
	_ =	swait.ge [sflag:s10], $0x7D0  }
0x1f: {  	s18 =	sshrl.u32 s5, $0x3;
	s4 =	sadd.s32 $0x1, s4;
	[sflag:s10] =	ssyncset.done $0x0  }
0x20: {  	s15 =	sshll.u32 s15, $0x6;
	p0 =	sne.s32 s4, s9;
	[sflag:s10] =	ssyncadd.s32 $0xFFFFF830  }
.Ltmp1:
0x21: {  	s15 =	sor.u32 $0x1C09, s15;
	[bflag:$0x0] =	sbarrier.arrive $0xFFFF;
	(pc) =	sbr.rel @!p0 .LBB2_7-.Ltmp1, $4  }
0x22: {  	[hbm:s8], [sflag:s15] =	dma.local [spmem:s18], $0x500  }
0x23: {  	_ =	swait.ge [sflag:s11], $0x500  }
0x24: {  	[sflag:s11] =	ssyncset.done $0x0  }
0x25: {  	[sflag:s11] =	ssyncadd.s32 $0xFFFFFB00  }
.LBB2_1:
0x26: {  	s15 =	simm.s32 $0x40;
	s18 =	simm.s32 $0x0  }
.LBB2_2:
0x27: {  	p0 =	sne.s32 s15, $0x9FC0;
	[tilespmem:s18+$0x6F40] =	vst v0;
	s18 =	smov.u32 s15;
	s15 =	sadd.s32 $0x40, s15  }
.Ltmp2:
0x28: {  	(pc) =	sbr.rel @p0 .LBB2_2-.Ltmp2, $2  }
0x29: {  	_ =	sdelay $0x2  }
0x2a: {  	s18 =	sshra.s32 s18, $0x2  }
0x2b: {  	[tilespmem:s18+$0x6F40] =	vst v0;
	s15 =	simm.s32 $0x6F40  }
0x2c: {  	[spmem:s5] =	stream.linear.scatter [tilespmem:s15], [sflag:$0x9], $0x2800, $0x38;
	[tilespmem:$0xBF40] =	vst v63  }
0x2d: {  	_ =	swait.ge [sflag:s11], $0x2800  }
0x2e: {  	[sflag:s11] =	ssyncset.done $0x0  }
0x2f: {  	s15 =	simm.s32 $0x0;
	[sflag:s11] =	ssyncadd.s32 $0xFFFFD800  }
0x30: {  	[tilespmem:s15], [sflag:$0x9] =	stream.linear.gather [hbm4b:s6+s15], $0x2800, $0x38;
	[tilespmem:$0xBF40] =	vst v63  }
0x31: {  	_ =	swait.ge [sflag:s11], $0x2800  }
0x32: {  	[sflag:s11] =	ssyncset.done $0x0  }
0x33: {  	[sflag:s11] =	ssyncadd.s32 $0xFFFFD800  }
0x34: {  	[tilespmem:s12], [sflag:$0x9] =	stream.linear.gather [hbm4b:s7+s15], $0x2800, $0x38;
	[tilespmem:$0xBF40] =	vst v63  }
0x35: {  	_ =	swait.ge [sflag:s11], $0x2800  }
0x36: {  	[sflag:s11] =	ssyncset.done $0x0  }
0x37: {  	[sflag:s11] =	ssyncadd.s32 $0xFFFFD800  }
0x38: {  	[bflag:$0x0] =	sbarrier.arrive $0xFFFF  }
0x39: {  	[tilespmem:s14], [sflag:$0x1] =	stream.indirect.gather [hbm4b:s1+s13], $0x10, s15, s13, $0xb8;
	[tilespmem:$0xBF40] =	vst v63  }
0x3a: {  	s21 =	simm.s32 $0x80  }
0x3b: {  	[tilespmem:s16], [sflag:$0x2] =	stream.indirect.gather [hbm4b:s1+s13], $0x10, s21, s13, $0xb8;
	[tilespmem:$0xBF40] =	vst v63  }
0x3c: {  	_ =	swait.ge [sflag:s17], $0x7D0  }
0x3d: {  	[sflag:s17] =	ssyncset.done $0x0  }
0x3e: {  	[sflag:s17] =	ssyncadd.s32 $0xFFFFF830  }
0x3f: {  	[spmem:s3] =	stream.indirect.scatter.add.f32 [tilespmem:s14], [sflag:$0x5], $0x10, s12, s13, $0xb8;
	[tilespmem:$0xBF40] =	vst v63  }
0x40: {  	s22 =	simm.s32 $0x100  }
0x41: {  	[tilespmem:s19], [sflag:$0x3] =	stream.indirect.gather [hbm4b:s1+s13], $0x10, s22, s13, $0xb8;
	[tilespmem:$0xBF40] =	vst v63  }
0x42: {  	_ =	swait.ge [sflag:s20], $0x7D0  }
0x43: {  	[sflag:s20] =	ssyncset.done $0x0  }
0x44: {  	s21 =	simm.s32 $0x2880;
	[sflag:s20] =	ssyncadd.s32 $0xFFFFF830  }
0x45: {  	[spmem:s3] =	stream.indirect.scatter.add.f32 [tilespmem:s16], [sflag:$0x6], $0x10, s21, s13, $0xb8;
	[tilespmem:$0xBF40] =	vst v63  }
0x46: {  	s22 =	simm.s32 $0x180  }
0x47: {  	[tilespmem:s23], [sflag:$0x4] =	stream.indirect.gather [hbm4b:s1+s13], $0x10, s22, s13, $0xb8;
	[tilespmem:$0xBF40] =	vst v63  }
0x48: {  	_ =	swait.ge [sflag:s24], $0x7D0  }
0x49: {  	[sflag:s24] =	ssyncset.done $0x0  }
0x4a: {  	[sflag:s24] =	ssyncadd.s32 $0xFFFFF830  }
0x4b: {  	[spmem:s3] =	stream.indirect.scatter.add.f32 [tilespmem:s19], [sflag:$0x7], $0x10, s25, s13, $0xb8;
	[tilespmem:$0xBF40] =	vst v63  }
0x4c: {  	_ =	swait.ge [sflag:s26], $0x7D0  }
0x4d: {  	[sflag:s26] =	ssyncset.done $0x0  }
0x4e: {  	[sflag:s26] =	ssyncadd.s32 $0xFFFFF830  }
0x4f: {  	[tilespmem:s14], [sflag:$0x1] =	stream.indirect.gather [hbm4b:s1+s13], $0x10, s28, s13, $0xb8;
	[tilespmem:$0xBF40] =	vst v63  }
0x50: {  	_ =	swait.ge [sflag:s29], $0x7D0  }
0x51: {  	[sflag:s29] =	ssyncset.done $0x0  }
0x52: {  	[sflag:s29] =	ssyncadd.s32 $0xFFFFF830  }
0x53: {  	[spmem:s3] =	stream.indirect.scatter.add.f32 [tilespmem:s23], [sflag:$0x8], $0x10, s30, s13, $0xb8;
	[tilespmem:$0xBF40] =	vst v63  }
0x54: {  	_ =	swait.ge [sflag:s31], $0x7D0  }
0x55: {  	[sflag:s31] =	ssyncset.done $0x0  }
0x56: {  	[sflag:s31] =	ssyncadd.s32 $0xFFFFF830  }
0x57: {  	[tilespmem:s16], [sflag:$0x2] =	stream.indirect.gather [hbm4b:s1+s13], $0x10, s2, s13, $0xb8;
	[tilespmem:$0xBF40] =	vst v63  }
.LBB2_4:
0x58: {  	_ =	swait.ge [sflag:s17], $0x7D0  }
0x59: {  	s18 =	sshra.s32 s15, $0x2;
	[sflag:s17] =	ssyncset.done $0x0  }
0x5a: {  	s21 =	sadd.s32 $0x2A00, s18;
	[sflag:s17] =	ssyncadd.s32 $0xFFFFF830  }
0x5b: {  	[spmem:s3] =	stream.indirect.scatter.add.f32 [tilespmem:s14], [sflag:$0x5], $0x10, s21, s13, $0xb8;
	[tilespmem:$0xBF40] =	vst v63  }
0x5c: {  	_ =	swait.ge [sflag:s0], $0x7D0  }
0x5d: {  	[sflag:s0] =	ssyncset.done $0x0  }
0x5e: {  	s22 =	sadd.s32 $0x300, s18;
	[sflag:s0] =	ssyncadd.s32 $0xFFFFF830  }
0x5f: {  	[tilespmem:s19], [sflag:$0x3] =	stream.indirect.gather [hbm4b:s1+s13], $0x10, s22, s13, $0xb8;
	[tilespmem:$0xBF40] =	vst v63  }
0x60: {  	_ =	swait.ge [sflag:s20], $0x7D0  }
0x61: {  	[sflag:s20] =	ssyncset.done $0x0  }
0x62: {  	s22 =	sadd.s32 $0x2A80, s18;
	[sflag:s20] =	ssyncadd.s32 $0xFFFFF830  }
0x63: {  	[spmem:s3] =	stream.indirect.scatter.add.f32 [tilespmem:s16], [sflag:$0x6], $0x10, s22, s13, $0xb8;
	[tilespmem:$0xBF40] =	vst v63  }
0x64: {  	_ =	swait.ge [sflag:s10], $0x7D0  }
0x65: {  	[sflag:s10] =	ssyncset.done $0x0  }
0x66: {  	p0 =	seq.s32 s15, $0x9000;
	s22 =	sadd.s32 $0x380, s18;
	[sflag:s10] =	ssyncadd.s32 $0xFFFFF830  }
0x67: {  	[tilespmem:s23], [sflag:$0x4] =	stream.indirect.gather [hbm4b:s1+s13], $0x10, s22, s13, $0xb8;
	[tilespmem:$0xBF40] =	vst v63  }
.Ltmp3:
0x68: {  	_ = 	snop;
	(pc) =	sbr.rel @p0 .LBB2_6-.Ltmp3, $4  }
0x69: {  	_ =	swait.ge [sflag:s24], $0x7D0  }
0x6a: {  	[sflag:s24] =	ssyncset.done $0x0  }
0x6b: {  	s21 =	sadd.s32 $0x2B80, s18;
	s22 =	sadd.s32 $0x2B00, s18;
	[sflag:s24] =	ssyncadd.s32 $0xFFFFF830  }
0x6c: {  	[spmem:s3] =	stream.indirect.scatter.add.f32 [tilespmem:s19], [sflag:$0x7], $0x10, s22, s13, $0xb8;
	[tilespmem:$0xBF40] =	vst v63  }
0x6d: {  	_ =	swait.ge [sflag:s26], $0x7D0  }
0x6e: {  	[sflag:s26] =	ssyncset.done $0x0  }
0x6f: {  	s22 =	sadd.s32 $0x400, s18;
	[sflag:s26] =	ssyncadd.s32 $0xFFFFF830  }
0x70: {  	[tilespmem:s14], [sflag:$0x1] =	stream.indirect.gather [hbm4b:s1+s13], $0x10, s22, s13, $0xb8;
	[tilespmem:$0xBF40] =	vst v63  }
0x71: {  	_ =	swait.ge [sflag:s29], $0x7D0  }
0x72: {  	[sflag:s29] =	ssyncset.done $0x0  }
0x73: {  	[sflag:s29] =	ssyncadd.s32 $0xFFFFF830  }
0x74: {  	[spmem:s3] =	stream.indirect.scatter.add.f32 [tilespmem:s23], [sflag:$0x8], $0x10, s21, s13, $0xb8;
	[tilespmem:$0xBF40] =	vst v63  }
.Ltmp4:
0x75: {  	_ = 	snop;
	(pc) =	sbr.rel .LBB2_4-.Ltmp4, $4  }
0x76: {  	_ =	swait.ge [sflag:s31], $0x7D0  }
0x77: {  	[sflag:s31] =	ssyncset.done $0x0  }
0x78: {  	s15 =	sadd.s32 $0x800, s15;
	s22 =	sadd.s32 $0x480, s18;
	[sflag:s31] =	ssyncadd.s32 $0xFFFFF830  }
0x79: {  	[tilespmem:s16], [sflag:$0x2] =	stream.indirect.gather [hbm4b:s1+s13], $0x10, s22, s13, $0xb8;
	[tilespmem:$0xBF40] =	vst v63  }
.LBB2_7:
0x7a: {  	_ =	sfence.sel $0x180000  }
0x7b: {  	[bflag:$0x0] =	sbarrier.arrive $0xFFFF  }
0x7c: {  	_ =	strace $0x9000004A  }
0x7d: {  	s0 =	stileid.u32;
	[bflag:$0x2] =	sbarrier.arrive $0xFFFF  }
0x7e: {  	p0 =	sne.s32 s0, $0x0;
	s0 =	rddreg [dreg:$0x3]  }
0x7f: {  	s0 =	sadd.s32 @!p0 $0x100000, s0  }
0x80: {  	[sflag:s0] =	ssyncadd.tile.s32 @!p0 $0x1;
	_ =	shalt  }
.Lfunc_end2:
_tile_overlayer_lowered:
.L_overlay_start_2:
0x81: {  	(tag) =	ssettag $0x2  }
0x82: {  	s0 =	rddreg [dreg:$0x0];
	s2 =	stileid.u32  }
0x83: {  	s1 =	rddreg [dreg:$0x1];
	p0 =	sne.s32 s2, $0x0  }
0x84: {  	s3 =	rddreg [dreg:$0x2];
	[bflag:$0x3] =	sbarrier.arrive $0xFFFF;
	s2 =	simm.s32 @!p0 $0x1C09  }
0x85: {  	[timem:s3], [sflag:s2] =	dma.local @!p0 [hbm:s0], s1  }
0x86: {  	s0 =	simm.s32 @!p0 $0x9  }
0x87: {  	_ =	swait.ge @!p0 [sflag:s0], s1  }
0x88: {  	s1 =	ssub.s32 @!p0 $0x0, s1;
	[sflag:s0] =	ssyncset.done @!p0 $0x0  }
0x89: {  	[sflag:s0] =	ssyncadd.s32 @!p0 s1  }
0x8a: {  	[bflag:$0x3] =	sbarrier.arrive $0xFFFF  }
0x8b: {  	_ =	shalt  }

// kernel: kernel.14.cloned.1.call-start
scs
__scs_entry_jumppad:
0x0: {  	(pc) =	sbr.rel $0x88, $3  }
0x1: {  	(tag) =	ssettag $0x0;
	lr =	simm.s32 $0x1  }
0x2: {  	[smem:$0x3F9B] =	sst lr;
	_ =	strace $0xD0000000  }
0x3: {  	_ = 	snop  }
0x4: {  	_ = 	snop  }
0x5: {  	_ = 	snop  }
0x6: {  	_ = 	snop  }
0x7: {  	_ = 	snop  }
__scs_overlays_trampoline_lowered:
0x8: {  	[smem:$0x3FAA] =	sst s0  }
0x9: {  	[smem:$0x3FAB] =	sst s1  }
0xa: {  	[smem:$0x3FAC] =	sst s2  }
0xb: {  	[smem:$0x3FAD] =	sst s3  }
0xc: {  	[smem:$0x3FAE] =	sst s4  }
0xd: {  	[smem:$0x3FAF] =	sst s5  }
0xe: {  	[smem:$0x3FB0] =	sst s6  }
0xf: {  	[smem:$0x3FB1] =	sst s7  }
0x10: {  	[smem:$0x3FB2] =	sst s8  }
0x11: {  	[smem:$0x3FB3] =	sst s9;
	s0 =	simm.s32 @!p0 $0x0  }
0x12: {  	s1 =	sld [smem:$0x3F99];
	s0 =	simm.s32 @p0 $0x1  }
0x13: {  	[smem:$0x3FB4] =	sst s0;
	s0 =	simm.s32 @!p1 $0x0  }
0x14: {  	s2 =	sld [smem:$0x3F98];
	s0 =	simm.s32 @p1 $0x1  }
0x15: {  	[smem:$0x3FB5] =	sst s0;
	s0 =	simm.s32 @!p2 $0x0  }
0x16: {  	s3 =	sld [smem:$0x3FDB];
	s0 =	simm.s32 @p2 $0x1  }
0x17: {  	s4 =	simm.s32 $0x1BF5;
	[smem:$0x3FB7] =	sst s0  }
0x18: {  	s0 =	sld [smem:$0x3F9A];
	_ =	swait.ge [sflag:s4], $0x0  }
0x19: {  	s7 =	sld [smem:$0x3F9B]  }
0x1a: {  	s8 =	sadd.s32 $0xFFFFE003, lr  }
0x1b: {  	s9 =	sadd.s32 $0xFFFFFEF7, lr;
	s5 =	simm.s32 $0xFFFFFFFF;
	p2 =	slt.u32 s8, $0xFFFFF086  }
0x1c: {  	p1 =	slt.u32 s9, $0xF7A;
	s5 =	simm.s32 @!p2 $0x0  }
0x1d: {  	s5 =	simm.s32 @p1 $0x1;
	p0 =	seq.s32 s7, s2  }
0x1e: {  	s7 =	smul.u32 @!p0 $0xF7A, s2;
	p2 =	seq.s32 @!p0 s5, $0x0  }
0x1f: {  	s9 =	smul.u32 $0xF7A, s1;
	s8 =	simm.s32 @!p0 $0x1BF5;
	p2 =	por !p2, p0  }
0x20: {  	[sflag:s8] =	ssyncset.s32 @!p0 $0xFFFFF086;
	s6 =	sadd.s32 @!p0 s3, s7;
	s7 =	simm.s32 @!p0 $0x108  }
0x21: {  	s3 =	sadd.s32 s3, s9;
	s6 =	sadd.s32 @!p0 $0x88, s6;
	s7 =	simm.s32 @p2 $0x1082  }
0x22: {  	[simem:s7], [sflag:s8] =	dma.local @!p0 [hbm:s6], $0xF7A  }
0x23: {  	s9 =	sor.u32 $0xD0000000, s2;
	s6 =	simm.s32 $0x108;
	_ =	swait.ge @!p0 [sflag:s8], $0x0  }
0x24: {  	s3 =	sadd.s32 $0x88, s3;
	s6 =	simm.s32 @!p1 $0x1082;
	[sflag:s4] =	ssyncset.s32 $0xFFFFF086  }
0x25: {  	[simem:s6], [sflag:s4] =	dma.local [hbm:s3], $0xF7A  }
0x26: {  	[smem:$0x3F9B] =	sst s1;
	(tag) =	ssettag s2;
	_ =	strace s9  }
0x27: {  	s1 =	sld [smem:$0x3FAB]  }
0x28: {  	s2 =	sld [smem:$0x3FAC]  }
0x29: {  	s4 =	sld [smem:$0x3FAE]  }
0x2a: {  	p0 =	seq.s32 s5, $0x0;
	s5 =	sld [smem:$0x3FAF]  }
0x2b: {  	s6 =	sld [smem:$0x3FB0]  }
0x2c: {  	s7 =	sld [smem:$0x3FB1]  }
0x2d: {  	s3 =	simm.s32 $0x108;
	s8 =	sld [smem:$0x3FB2]  }
0x2e: {  	s3 =	simm.s32 @!p0 $0x1082;
	s9 =	sld [smem:$0x3FB3]  }
0x2f: {  	lr =	sadd.s32 s0, s3;
	s0 =	sld [smem:$0x3FAA]  }
0x30: {  	s3 =	sld [smem:$0x3FAD]  }
0x31: {  	[smem:$0x3FB6] =	sst s10  }
0x32: {  	s10 =	sld [smem:$0x3FB4];
	_ =	sdelay $0x3  }
0x33: {  	p0 =	seq.s32 s10, $0x1;
	s10 =	sld [smem:$0x3FB6];
	_ =	sdelay $0x3  }
0x34: {  	[smem:$0x3FB6] =	sst s10  }
0x35: {  	s10 =	sld [smem:$0x3FB5];
	_ =	sdelay $0x3  }
0x36: {  	p1 =	seq.s32 s10, $0x1;
	s10 =	sld [smem:$0x3FB6];
	_ =	sdelay $0x3  }
0x37: {  	[smem:$0x3FB6] =	sst s10  }
0x38: {  	s10 =	sld [smem:$0x3FB7]  }
0x39: {  	_ = 	snop;
	(pc) =	sbr.ind lr, $3  }
0x3a: {  	_ = 	snop  }
0x3b: {  	_ = 	snop  }
0x3c: {  	p2 =	seq.s32 s10, $0x1;
	s10 =	sld [smem:$0x3FB6]  }
0x3d: {  	_ =	shalt  }
0x3e: {  	_ =	shalt  }
0x3f: {  	_ =	shalt  }
0x40: {  	_ =	shalt  }
0x41: {  	_ =	shalt  }
0x42: {  	_ =	shalt  }
0x43: {  	_ =	shalt  }
0x44: {  	_ =	shalt  }
0x45: {  	_ =	shalt  }
0x46: {  	_ =	shalt  }
0x47: {  	_ =	shalt  }
0x48: {  	_ =	shalt  }
0x49: {  	_ =	shalt  }
0x4a: {  	_ =	shalt  }
0x4b: {  	_ =	shalt  }
0x4c: {  	_ =	shalt  }
0x4d: {  	_ =	shalt  }
0x4e: {  	_ =	shalt  }
0x4f: {  	_ =	shalt  }
0x50: {  	_ =	shalt  }
0x51: {  	_ =	shalt  }
0x52: {  	_ =	shalt  }
0x53: {  	_ =	shalt  }
0x54: {  	_ =	shalt  }
0x55: {  	_ =	shalt  }
0x56: {  	_ =	shalt  }
0x57: {  	_ =	shalt  }
0x58: {  	_ =	shalt  }
0x59: {  	_ =	shalt  }
0x5a: {  	_ =	shalt  }
0x5b: {  	_ =	shalt  }
0x5c: {  	_ =	shalt  }
0x5d: {  	_ =	shalt  }
0x5e: {  	_ =	shalt  }
0x5f: {  	_ =	shalt  }
0x60: {  	_ =	shalt  }
0x61: {  	_ =	shalt  }
0x62: {  	_ =	shalt  }
0x63: {  	_ =	shalt  }
0x64: {  	_ =	shalt  }
0x65: {  	_ =	shalt  }
0x66: {  	_ =	shalt  }
0x67: {  	_ =	shalt  }
0x68: {  	_ =	shalt  }
0x69: {  	_ =	shalt  }
0x6a: {  	_ =	shalt  }
0x6b: {  	_ =	shalt  }
0x6c: {  	_ =	shalt  }
0x6d: {  	_ =	shalt  }
0x6e: {  	_ =	shalt  }
0x6f: {  	_ =	shalt  }
0x70: {  	_ =	shalt  }
0x71: {  	_ =	shalt  }
0x72: {  	_ =	shalt  }
0x73: {  	_ =	shalt  }
0x74: {  	_ =	shalt  }
0x75: {  	_ =	shalt  }
0x76: {  	_ =	shalt  }
0x77: {  	_ =	shalt  }
0x78: {  	_ =	shalt  }
0x79: {  	_ =	shalt  }
0x7a: {  	_ =	shalt  }
0x7b: {  	_ =	shalt  }
0x7c: {  	_ =	shalt  }
0x7d: {  	_ =	shalt  }
0x7e: {  	_ =	shalt  }
0x7f: {  	_ =	shalt  }
0x80: {  	_ =	shalt  }
0x81: {  	_ =	shalt  }
0x82: {  	_ =	shalt  }
0x83: {  	_ =	shalt  }
0x84: {  	_ =	shalt  }
0x85: {  	_ =	shalt  }
0x86: {  	_ =	shalt  }
0x87: {  	_ =	shalt  }
.Lfunc_end0:
.L_simem_size_0:
called_computation.2_lowered:
.L_overlay_start_0:
0x88: {  	s2 =	sld [smem:$0x3FD9]  }
0x89: {  	s3 =	sld [smem:$0x3FFE];
	_ =	sdelay $0x1  }
0x8a: {  	s1 =	srdreg.scid  }
0x8b: {  	s0 =	sand.u32 $0x1, s1  }
0x8c: {  	s16 =	sshll.u32 s0, $0xA;
	s2 =	sadd.s32 s3, s2  }
0x8d: {  	s2 =	sadd.s32 s2, s16  }
0x8e: {  	[smem:$0x3FC2] =	sst s2  }
0x8f: {  	_ = 	snop  }
0x90: {  	(tm) =	ssettm $0x1  }
0x91: {  	s17 =	sld [smem:$0x3FFB];
	_ =	sdelay $0x3  }
0x92: {  	_ =	strace s17  }
0x93: {  	s2 =	sld [smem:$0x3FFC];
	_ =	sdelay $0x3  }
0x94: {  	_ =	strace s2  }
0x95: {  	s2 =	sld [smem:$0x3FFD];
	_ =	sdelay $0x3  }
0x96: {  	_ =	strace s2  }
0x97: {  	_ =	strace $0x8FFFFFFF  }
0x98: {  	s18 =	sld [smem:$0x3FDB];
	_ =	sdelay $0x1  }
0x99: {  	s19 =	simm.s32 $_scs_section_size  }
0x9a: {  	s4 =	simm.s32 $_size__tile_overlayer_lowered;
	s5 =	simm.s32 $_tile_overlayer_lowered  }
0x9b: {  	s22 =	simm.s32 $0x1BFF;
	s21 =	sshll.u32 s5, $0x1;
	s2 =	sadd.s32 s19, s18  }
0x9c: {  	s6 =	simm.s32 $0x0;
	s20 =	sshll.u32 s4, $0x1;
	s4 =	sadd.s32 s21, s2  }
0x9d: {  	[timem:s6], [sflag:s22] =	dma.local [hbm:s4], s20  }
0x9e: {  	_ =	swait.ge [sflag:s22], s20  }
0x9f: {  	s3 =	ssub.s32 $0x0, s20;
	[sflag:s22] =	ssyncset.done $0x0  }
0xa0: {  	[sflag:s22] =	ssyncadd.s32 s3;
	_ =	sdelay $0x1  }
0xa1: {  	s23 =	simm.s32 $0x1B8B  }
0xa2: {  	_ =	swait.ge [sflag:s23], $0x1  }
0xa3: {  	[sflag:s23] =	ssyncset.done $0x0  }
0xa4: {  	s25 =	simm.s32 $0x1B8E;
	s24 =	sld [smem:$0x3FFE];
	[sflag:s23] =	ssyncadd.s32 $0xFFFFFFFF  }
0xa5: {  	s26 =	simm.s32 $execute0_lowered;
	[smem:$0x3FD2] =	sst s25  }
0xa6: {  	s4 =	sshll.u32 s26, $0x1;
	_ =	strace $0x8000004C;
	[dreg:$0x1] =	wrdreg $0xFFFFFFFF  }
0xa7: {  	s28 =	simm.s32 $_size_execute0_lowered;
	s2 =	sadd.s32 s2, s4;
	[dreg:$0x0] =	wrdreg $0x0  }
0xa8: {  	s4 =	sshll.u32 s28, $0x1;
	[dreg:$0x2] =	wrdreg s2  }
0xa9: {  	[dreg:$0x3] =	wrdreg s4  }
0xaa: {  	[dreg:$0x4] =	wrdreg $0xC0  }
0xab: {  	_ =	task [dreg:s6], $0x5FFFF  }
0xac: {  	[dreg:$0x1] =	wrdreg $0xFFFFFFFF  }
0xad: {  	[dreg:$0x0] =	wrdreg $0x60  }
0xae: {  	[dreg:$0x2] =	wrdreg s24  }
0xaf: {  	[dreg:$0x3] =	wrdreg $0xDE800  }
0xb0: {  	[dreg:$0x4] =	wrdreg $0x9  }
0xb1: {  	_ =	task.clear_ibuf [dreg:s6], $0x5FFFF;
	_ =	strace $0x9000004C  }
0xb2: {  	s29 =	simm.s32 $0x9;
	_ =	strace $0x8000004E  }
0xb3: {  	_ =	swait.ge [sflag:s29], $0x1  }
0xb4: {  	[sflag:s29] =	ssyncadd.s32 $0xFFFFFFFF  }
0xb5: {  	_ =	strace $0x9000004E  }
0xb6: {  	_ =	sfence  }
0xb7: {  	s30 =	sld [smem:$0x0];
	_ =	sdelay $0x2  }
0xb8: {  	s31 =	sshll.u32 s1, $0xD;
	s1 =	sshrl.u32 s1, $0x2  }
0xb9: {  	s3 =	sand.u32 $0x4000, s31;
	s1 =	sadd.s32 s1, s30  }
0xba: {  	s0 =	sor.u32 s3, s0;
	s1 =	sshll.u32 s1, $0x11  }
0xbb: {  	s0 =	sor.u32 s1, s0  }
0xbc: {  	s0 =	sadd.s32 $0x8F2B, s0  }
0xbd: {  	[sflag:s0] =	ssyncadd.remote.s32 $0x1  }
0xbe: {  	_ =	sfence.sel $0xFFFF  }
0xbf: {  	[dreg:$0x0] =	wrdreg $0xFFFFFFFF;
	(pc) =	sbr.abs _section_cstart, $3  }
0xc0: {  	[dreg:$0x1] =	wrdreg $0xFFFFFFFF  }
0xc1: {  	_ =	task.clear_ibuf [dreg:s6], $0x2FFFF;
	_ =	strace $0x9FFFFFFF  }
0xc2: {  	(tm) =	ssettm $0x7FFFFFFF  }
0xc3: {  	_ =	shalt  }
tec
execute0_lowered:
.L_overlay_start_1:
0x0: {  	(tag) =	ssettag $0x1  }
0x1: {  	s0 =	rddreg [dreg:$0x0]  }
0x2: {  	s2 =	rddreg [dreg:$0x1]  }
0x3: {  	s1 =	srdreg.scid;
	s7 =	stileid.u32  }
0x4: {  	s3 =	simm.s32 $0x0;
	s11 =	simm.s32 $0x9;
	s12 =	simm.s32 $0x2800  }
0x5: {  	s13 =	simm.s32 $0x7D;
	s14 =	simm.s32 $0x5000;
	s16 =	simm.s32 $0x5FA0  }
0x6: {  	s17 =	simm.s32 $0x1;
	s19 =	simm.s32 $0x6F40;
	s20 =	simm.s32 $0x2  }
0x7: {  	s23 =	simm.s32 $0x7EE0;
	s24 =	simm.s32 $0x3;
	s25 =	simm.s32 $0x2900  }
0x8: {  	s28 =	simm.s32 $0x200;
	s29 =	simm.s32 $0x4;
	s30 =	simm.s32 $0x2980  }
0x9: {  	s31 =	simm.s32 $0x6;
	s10 =	simm.s32 $0x8;
	s1 =	sand.u32 $0x1, s1  }
0xa: {  	s5 =	smul.u32 $0x5000, s7;
	[smem:$0x7FF] =	sst s3;
	s4 =	sshll.u32 s1, $0x4  }
0xb: {  	s6 =	smul.u32 $0x50000, s1;
	s1 =	ssub.s32 $0x2, s1;
	s4 =	sor.u32 s7, s4  }
0xc: {  	_ =	strace $0x8000004D;
	s26 =	sshrl.u32 s1, $0x1;
	s7 =	smul.u32 $0x500, s4  }
.Ltmp0:
0xd: {  	s6 =	sadd.s32 s5, s6;
	s4 =	sadd.s32 $0x15600, s0;
	(pc) =	sbr.rel .LBB2_1-.Ltmp0, $4  }
0xe: {  	s1 =	ssub.s32 s1, s26;
	s5 =	sadd.s32 s5, s2;
	s26 =	simm.s32 $0x5  }
0xf: {  	s6 =	sshrl.u32 s6, $0x3;
	s9 =	smax.u32 s1, $0x1;
	s7 =	sadd.s32 s7, s0  }
0x10: {  	s1 =	simm.s32 $0x7;
	s0 =	sadd.s32 s6, s0;
	s6 =	sadd.s32 $0xB600, s7  }
0x11: {  	v0 =	vimm.f32 $0.0e+00;
	s7 =	sadd.s32 $0x1600, s7;
	s8 =	sadd.s32 $0x1F600, s0;
	s0 =	simm.s32 $0x280  }
.LBB2_6:
0x12: {  	_ =	swait.ge [sflag:s29], $0xFA0  }
0x13: {  	[sflag:s29] =	ssyncset.done $0x0  }
0x14: {  	[sflag:s29] =	ssyncadd.s32 $0xFFFFF060  }
0x15: {  	[spmem:s2] =	stream.indirect.scatter.add.f32 [tilespmem:s23], [sflag:$0x8], $0x20, s21, s13, $0xb8;
	[tilespmem:$0x12E80] =	vst v63  }
0x16: {  	_ =	swait.ge [sflag:s26], $0xFA0  }
0x17: {  	[sflag:s26] =	ssyncset.done $0x0  }
0x18: {  	[sflag:s26] =	ssyncadd.s32 $0xFFFFF060  }
0x19: {  	_ =	swait.ge [sflag:s31], $0xFA0  }
0x1a: {  	[sflag:s31] =	ssyncset.done $0x0  }
0x1b: {  	[sflag:s31] =	ssyncadd.s32 $0xFFFFF060  }
0x1c: {  	_ =	swait.ge [sflag:s1], $0xFA0  }
0x1d: {  	[sflag:s1] =	ssyncset.done $0x0  }
0x1e: {  	[sflag:s1] =	ssyncadd.s32 $0xFFFFF060  }
0x1f: {  	s15 =	stileid.u32;
	_ =	swait.ge [sflag:s10], $0xFA0  }
0x20: {  	s18 =	sshrl.u32 s5, $0x3;
	s3 =	sadd.s32 $0x1, s3;
	[sflag:s10] =	ssyncset.done $0x0  }
0x21: {  	s15 =	sshll.u32 s15, $0x6;
	p0 =	sne.s32 s3, s9;
	[sflag:s10] =	ssyncadd.s32 $0xFFFFF060  }
.Ltmp1:
0x22: {  	s15 =	sor.u32 $0x1C09, s15;
	[bflag:$0x0] =	sbarrier.arrive $0xFFFF;
	(pc) =	sbr.rel @!p0 .LBB2_7-.Ltmp1, $4  }
0x23: {  	[hbm:s8], [sflag:s15] =	dma.local [spmem:s18], $0xA00  }
0x24: {  	_ =	swait.ge [sflag:s11], $0xA00  }
0x25: {  	[sflag:s11] =	ssyncset.done $0x0  }
0x26: {  	[sflag:s11] =	ssyncadd.s32 $0xFFFFF600  }
.LBB2_1:
0x27: {  	s15 =	simm.s32 $0x80;
	s18 =	simm.s32 $0x0  }
.LBB2_2:
0x28: {  	p0 =	sne.s32 s15, $0x13F80;
	[tilespmem:s18+$0x8E80] =	vst v0;
	s21 =	smov.u32 s15;
	s15 =	sadd.s32 $0x80, s15  }
.Ltmp2:
0x29: {  	[tilespmem:s18+$0x8E90] =	vst v0;
	(pc) =	sbr.rel @p0 .LBB2_2-.Ltmp2, $2  }
0x2a: {  	_ =	sdelay $0x2  }
0x2b: {  	s18 =	sshra.s32 s21, $0x2  }
0x2c: {  	[tilespmem:s18+$0x8E80] =	vst v0  }
0x2d: {  	[tilespmem:s18+$0x8E90] =	vst v0;
	s15 =	simm.s32 $0x8E80  }
0x2e: {  	[spmem:s5] =	stream.linear.scatter [tilespmem:s15], [sflag:$0x9], $0x5000, $0x38;
	[tilespmem:$0x12E80] =	vst v63  }
0x2f: {  	_ =	swait.ge [sflag:s11], $0x5000  }
0x30: {  	[sflag:s11] =	ssyncset.done $0x0  }
0x31: {  	s15 =	simm.s32 $0x0;
	[sflag:s11] =	ssyncadd.s32 $0xFFFFB000  }
0x32: {  	[tilespmem:s15], [sflag:$0x9] =	stream.linear.gather [hbm4b:s6+s15], $0x2800, $0x38;
	[tilespmem:$0x12E80] =	vst v63  }
0x33: {  	_ =	swait.ge [sflag:s11], $0x2800  }
0x34: {  	[sflag:s11] =	ssyncset.done $0x0  }
0x35: {  	[sflag:s11] =	ssyncadd.s32 $0xFFFFD800  }
0x36: {  	[tilespmem:s12], [sflag:$0x9] =	stream.linear.gather [hbm4b:s7+s15], $0x2800, $0x38;
	[tilespmem:$0x12E80] =	vst v63  }
0x37: {  	_ =	swait.ge [sflag:s11], $0x2800  }
0x38: {  	[sflag:s11] =	ssyncset.done $0x0  }
0x39: {  	[sflag:s11] =	ssyncadd.s32 $0xFFFFD800  }
0x3a: {  	[bflag:$0x0] =	sbarrier.arrive $0xFFFF  }
0x3b: {  	[tilespmem:s14], [sflag:$0x1] =	stream.indirect.gather [hbm4b:s4+s13], $0x20, s15, s13, $0xb8;
	[tilespmem:$0x12E80] =	vst v63  }
0x3c: {  	s21 =	simm.s32 $0x80  }
0x3d: {  	[tilespmem:s16], [sflag:$0x2] =	stream.indirect.gather [hbm4b:s4+s13], $0x20, s21, s13, $0xb8;
	[tilespmem:$0x12E80] =	vst v63  }
0x3e: {  	_ =	swait.ge [sflag:s17], $0xFA0  }
0x3f: {  	[sflag:s17] =	ssyncset.done $0x0  }
0x40: {  	[sflag:s17] =	ssyncadd.s32 $0xFFFFF060  }
0x41: {  	[spmem:s2] =	stream.indirect.scatter.add.f32 [tilespmem:s14], [sflag:$0x5], $0x20, s12, s13, $0xb8;
	[tilespmem:$0x12E80] =	vst v63  }
0x42: {  	s22 =	simm.s32 $0x100  }
0x43: {  	[tilespmem:s19], [sflag:$0x3] =	stream.indirect.gather [hbm4b:s4+s13], $0x20, s22, s13, $0xb8;
	[tilespmem:$0x12E80] =	vst v63  }
0x44: {  	_ =	swait.ge [sflag:s20], $0xFA0  }
0x45: {  	[sflag:s20] =	ssyncset.done $0x0  }
0x46: {  	s21 =	simm.s32 $0x2880;
	[sflag:s20] =	ssyncadd.s32 $0xFFFFF060  }
0x47: {  	[spmem:s2] =	stream.indirect.scatter.add.f32 [tilespmem:s16], [sflag:$0x6], $0x20, s21, s13, $0xb8;
	[tilespmem:$0x12E80] =	vst v63  }
0x48: {  	s22 =	simm.s32 $0x180  }
0x49: {  	[tilespmem:s23], [sflag:$0x4] =	stream.indirect.gather [hbm4b:s4+s13], $0x20, s22, s13, $0xb8;
	[tilespmem:$0x12E80] =	vst v63  }
0x4a: {  	_ =	swait.ge [sflag:s24], $0xFA0  }
0x4b: {  	[sflag:s24] =	ssyncset.done $0x0  }
0x4c: {  	[sflag:s24] =	ssyncadd.s32 $0xFFFFF060  }
0x4d: {  	[spmem:s2] =	stream.indirect.scatter.add.f32 [tilespmem:s19], [sflag:$0x7], $0x20, s25, s13, $0xb8;
	[tilespmem:$0x12E80] =	vst v63  }
0x4e: {  	_ =	swait.ge [sflag:s26], $0xFA0  }
0x4f: {  	[sflag:s26] =	ssyncset.done $0x0  }
0x50: {  	[sflag:s26] =	ssyncadd.s32 $0xFFFFF060  }
0x51: {  	[tilespmem:s14], [sflag:$0x1] =	stream.indirect.gather [hbm4b:s4+s13], $0x20, s28, s13, $0xb8;
	[tilespmem:$0x12E80] =	vst v63  }
0x52: {  	_ =	swait.ge [sflag:s29], $0xFA0  }
0x53: {  	[sflag:s29] =	ssyncset.done $0x0  }
0x54: {  	[sflag:s29] =	ssyncadd.s32 $0xFFFFF060  }
0x55: {  	[spmem:s2] =	stream.indirect.scatter.add.f32 [tilespmem:s23], [sflag:$0x8], $0x20, s30, s13, $0xb8;
	[tilespmem:$0x12E80] =	vst v63  }
0x56: {  	_ =	swait.ge [sflag:s31], $0xFA0  }
0x57: {  	[sflag:s31] =	ssyncset.done $0x0  }
0x58: {  	[sflag:s31] =	ssyncadd.s32 $0xFFFFF060  }
0x59: {  	[tilespmem:s16], [sflag:$0x2] =	stream.indirect.gather [hbm4b:s4+s13], $0x20, s0, s13, $0xb8;
	[tilespmem:$0x12E80] =	vst v63  }
.LBB2_4:
0x5a: {  	_ =	swait.ge [sflag:s17], $0xFA0  }
0x5b: {  	s18 =	sshra.s32 s15, $0x2;
	[sflag:s17] =	ssyncset.done $0x0  }
0x5c: {  	s21 =	sadd.s32 $0x2A00, s18;
	[sflag:s17] =	ssyncadd.s32 $0xFFFFF060  }
0x5d: {  	[spmem:s2] =	stream.indirect.scatter.add.f32 [tilespmem:s14], [sflag:$0x5], $0x20, s21, s13, $0xb8;
	[tilespmem:$0x12E80] =	vst v63  }
0x5e: {  	_ =	swait.ge [sflag:s1], $0xFA0  }
0x5f: {  	[sflag:s1] =	ssyncset.done $0x0  }
0x60: {  	s22 =	sadd.s32 $0x300, s18;
	[sflag:s1] =	ssyncadd.s32 $0xFFFFF060  }
0x61: {  	[tilespmem:s19], [sflag:$0x3] =	stream.indirect.gather [hbm4b:s4+s13], $0x20, s22, s13, $0xb8;
	[tilespmem:$0x12E80] =	vst v63  }
0x62: {  	_ =	swait.ge [sflag:s20], $0xFA0  }
0x63: {  	[sflag:s20] =	ssyncset.done $0x0  }
0x64: {  	s22 =	sadd.s32 $0x2A80, s18;
	[sflag:s20] =	ssyncadd.s32 $0xFFFFF060  }
0x65: {  	[spmem:s2] =	stream.indirect.scatter.add.f32 [tilespmem:s16], [sflag:$0x6], $0x20, s22, s13, $0xb8;
	[tilespmem:$0x12E80] =	vst v63  }
0x66: {  	_ =	swait.ge [sflag:s10], $0xFA0  }
0x67: {  	[sflag:s10] =	ssyncset.done $0x0  }
0x68: {  	p0 =	seq.s32 s15, $0x9000;
	s22 =	sadd.s32 $0x380, s18;
	[sflag:s10] =	ssyncadd.s32 $0xFFFFF060  }
0x69: {  	[tilespmem:s23], [sflag:$0x4] =	stream.indirect.gather [hbm4b:s4+s13], $0x20, s22, s13, $0xb8;
	[tilespmem:$0x12E80] =	vst v63  }
.Ltmp3:
0x6a: {  	_ = 	snop;
	(pc) =	sbr.rel @p0 .LBB2_6-.Ltmp3, $4  }
0x6b: {  	_ =	swait.ge [sflag:s24], $0xFA0  }
0x6c: {  	[sflag:s24] =	ssyncset.done $0x0  }
0x6d: {  	s21 =	sadd.s32 $0x2B80, s18;
	s22 =	sadd.s32 $0x2B00, s18;
	[sflag:s24] =	ssyncadd.s32 $0xFFFFF060  }
0x6e: {  	[spmem:s2] =	stream.indirect.scatter.add.f32 [tilespmem:s19], [sflag:$0x7], $0x20, s22, s13, $0xb8;
	[tilespmem:$0x12E80] =	vst v63  }
0x6f: {  	_ =	swait.ge [sflag:s26], $0xFA0  }
0x70: {  	[sflag:s26] =	ssyncset.done $0x0  }
0x71: {  	s22 =	sadd.s32 $0x400, s18;
	[sflag:s26] =	ssyncadd.s32 $0xFFFFF060  }
0x72: {  	[tilespmem:s14], [sflag:$0x1] =	stream.indirect.gather [hbm4b:s4+s13], $0x20, s22, s13, $0xb8;
	[tilespmem:$0x12E80] =	vst v63  }
0x73: {  	_ =	swait.ge [sflag:s29], $0xFA0  }
0x74: {  	[sflag:s29] =	ssyncset.done $0x0  }
0x75: {  	[sflag:s29] =	ssyncadd.s32 $0xFFFFF060  }
0x76: {  	[spmem:s2] =	stream.indirect.scatter.add.f32 [tilespmem:s23], [sflag:$0x8], $0x20, s21, s13, $0xb8;
	[tilespmem:$0x12E80] =	vst v63  }
.Ltmp4:
0x77: {  	_ = 	snop;
	(pc) =	sbr.rel .LBB2_4-.Ltmp4, $4  }
0x78: {  	_ =	swait.ge [sflag:s31], $0xFA0  }
0x79: {  	[sflag:s31] =	ssyncset.done $0x0  }
0x7a: {  	s15 =	sadd.s32 $0x800, s15;
	s22 =	sadd.s32 $0x480, s18;
	[sflag:s31] =	ssyncadd.s32 $0xFFFFF060  }
0x7b: {  	[tilespmem:s16], [sflag:$0x2] =	stream.indirect.gather [hbm4b:s4+s13], $0x20, s22, s13, $0xb8;
	[tilespmem:$0x12E80] =	vst v63  }
.LBB2_7:
0x7c: {  	_ =	sfence.sel $0x180000  }
0x7d: {  	[bflag:$0x0] =	sbarrier.arrive $0xFFFF  }
0x7e: {  	_ =	strace $0x9000004D  }
0x7f: {  	s0 =	stileid.u32;
	[bflag:$0x2] =	sbarrier.arrive $0xFFFF  }
0x80: {  	p0 =	sne.s32 s0, $0x0;
	s0 =	rddreg [dreg:$0x2]  }
0x81: {  	s0 =	sadd.s32 @!p0 $0x100000, s0  }
0x82: {  	[sflag:s0] =	ssyncadd.tile.s32 @!p0 $0x1;
	_ =	shalt  }
.Lfunc_end2:
_tile_overlayer_lowered:
.L_overlay_start_2:
0x83: {  	(tag) =	ssettag $0x2  }
0x84: {  	s0 =	rddreg [dreg:$0x0];
	s2 =	stileid.u32  }
0x85: {  	s1 =	rddreg [dreg:$0x1];
	p0 =	sne.s32 s2, $0x0  }
0x86: {  	s3 =	rddreg [dreg:$0x2];
	[bflag:$0x3] =	sbarrier.arrive $0xFFFF;
	s2 =	simm.s32 @!p0 $0x1C09  }
0x87: {  	[timem:s3], [sflag:s2] =	dma.local @!p0 [hbm:s0], s1  }
0x88: {  	s0 =	simm.s32 @!p0 $0x9  }
0x89: {  	_ =	swait.ge @!p0 [sflag:s0], s1  }
0x8a: {  	s1 =	ssub.s32 @!p0 $0x0, s1;
	[sflag:s0] =	ssyncset.done @!p0 $0x0  }
0x8b: {  	[sflag:s0] =	ssyncadd.s32 @!p0 s1  }
0x8c: {  	[bflag:$0x3] =	sbarrier.arrive $0xFFFF  }
0x8d: {  	_ =	shalt  }

// kernel: kernel.8.cloned.1.call-start
scs
__scs_entry_jumppad:
0x0: {  	(pc) =	sbr.rel $0x88, $3  }
0x1: {  	(tag) =	ssettag $0x0;
	lr =	simm.s32 $0x1  }
0x2: {  	[smem:$0x3F9B] =	sst lr;
	_ =	strace $0xD0000000  }
0x3: {  	_ = 	snop  }
0x4: {  	_ = 	snop  }
0x5: {  	_ = 	snop  }
0x6: {  	_ = 	snop  }
0x7: {  	_ = 	snop  }
__scs_overlays_trampoline_lowered:
0x8: {  	[smem:$0x3FAA] =	sst s0  }
0x9: {  	[smem:$0x3FAB] =	sst s1  }
0xa: {  	[smem:$0x3FAC] =	sst s2  }
0xb: {  	[smem:$0x3FAD] =	sst s3  }
0xc: {  	[smem:$0x3FAE] =	sst s4  }
0xd: {  	[smem:$0x3FAF] =	sst s5  }
0xe: {  	[smem:$0x3FB0] =	sst s6  }
0xf: {  	[smem:$0x3FB1] =	sst s7  }
0x10: {  	[smem:$0x3FB2] =	sst s8  }
0x11: {  	[smem:$0x3FB3] =	sst s9;
	s0 =	simm.s32 @!p0 $0x0  }
0x12: {  	s1 =	sld [smem:$0x3F99];
	s0 =	simm.s32 @p0 $0x1  }
0x13: {  	[smem:$0x3FB4] =	sst s0;
	s0 =	simm.s32 @!p1 $0x0  }
0x14: {  	s2 =	sld [smem:$0x3F98];
	s0 =	simm.s32 @p1 $0x1  }
0x15: {  	[smem:$0x3FB5] =	sst s0;
	s0 =	simm.s32 @!p2 $0x0  }
0x16: {  	s3 =	sld [smem:$0x3FDB];
	s0 =	simm.s32 @p2 $0x1  }
0x17: {  	s4 =	simm.s32 $0x1BF5;
	[smem:$0x3FB7] =	sst s0  }
0x18: {  	s0 =	sld [smem:$0x3F9A];
	_ =	swait.ge [sflag:s4], $0x0  }
0x19: {  	s7 =	sld [smem:$0x3F9B]  }
0x1a: {  	s8 =	sadd.s32 $0xFFFFE003, lr  }
0x1b: {  	s9 =	sadd.s32 $0xFFFFFEF7, lr;
	s5 =	simm.s32 $0xFFFFFFFF;
	p2 =	slt.u32 s8, $0xFFFFF086  }
0x1c: {  	p1 =	slt.u32 s9, $0xF7A;
	s5 =	simm.s32 @!p2 $0x0  }
0x1d: {  	s5 =	simm.s32 @p1 $0x1;
	p0 =	seq.s32 s7, s2  }
0x1e: {  	s7 =	smul.u32 @!p0 $0xF7A, s2;
	p2 =	seq.s32 @!p0 s5, $0x0  }
0x1f: {  	s9 =	smul.u32 $0xF7A, s1;
	s8 =	simm.s32 @!p0 $0x1BF5;
	p2 =	por !p2, p0  }
0x20: {  	[sflag:s8] =	ssyncset.s32 @!p0 $0xFFFFF086;
	s6 =	sadd.s32 @!p0 s3, s7;
	s7 =	simm.s32 @!p0 $0x108  }
0x21: {  	s3 =	sadd.s32 s3, s9;
	s6 =	sadd.s32 @!p0 $0x88, s6;
	s7 =	simm.s32 @p2 $0x1082  }
0x22: {  	[simem:s7], [sflag:s8] =	dma.local @!p0 [hbm:s6], $0xF7A  }
0x23: {  	s9 =	sor.u32 $0xD0000000, s2;
	s6 =	simm.s32 $0x108;
	_ =	swait.ge @!p0 [sflag:s8], $0x0  }
0x24: {  	s3 =	sadd.s32 $0x88, s3;
	s6 =	simm.s32 @!p1 $0x1082;
	[sflag:s4] =	ssyncset.s32 $0xFFFFF086  }
0x25: {  	[simem:s6], [sflag:s4] =	dma.local [hbm:s3], $0xF7A  }
0x26: {  	[smem:$0x3F9B] =	sst s1;
	(tag) =	ssettag s2;
	_ =	strace s9  }
0x27: {  	s1 =	sld [smem:$0x3FAB]  }
0x28: {  	s2 =	sld [smem:$0x3FAC]  }
0x29: {  	s4 =	sld [smem:$0x3FAE]  }
0x2a: {  	p0 =	seq.s32 s5, $0x0;
	s5 =	sld [smem:$0x3FAF]  }
0x2b: {  	s6 =	sld [smem:$0x3FB0]  }
0x2c: {  	s7 =	sld [smem:$0x3FB1]  }
0x2d: {  	s3 =	simm.s32 $0x108;
	s8 =	sld [smem:$0x3FB2]  }
0x2e: {  	s3 =	simm.s32 @!p0 $0x1082;
	s9 =	sld [smem:$0x3FB3]  }
0x2f: {  	lr =	sadd.s32 s0, s3;
	s0 =	sld [smem:$0x3FAA]  }
0x30: {  	s3 =	sld [smem:$0x3FAD]  }
0x31: {  	[smem:$0x3FB6] =	sst s10  }
0x32: {  	s10 =	sld [smem:$0x3FB4];
	_ =	sdelay $0x3  }
0x33: {  	p0 =	seq.s32 s10, $0x1;
	s10 =	sld [smem:$0x3FB6];
	_ =	sdelay $0x3  }
0x34: {  	[smem:$0x3FB6] =	sst s10  }
0x35: {  	s10 =	sld [smem:$0x3FB5];
	_ =	sdelay $0x3  }
0x36: {  	p1 =	seq.s32 s10, $0x1;
	s10 =	sld [smem:$0x3FB6];
	_ =	sdelay $0x3  }
0x37: {  	[smem:$0x3FB6] =	sst s10  }
0x38: {  	s10 =	sld [smem:$0x3FB7]  }
0x39: {  	_ = 	snop;
	(pc) =	sbr.ind lr, $3  }
0x3a: {  	_ = 	snop  }
0x3b: {  	_ = 	snop  }
0x3c: {  	p2 =	seq.s32 s10, $0x1;
	s10 =	sld [smem:$0x3FB6]  }
0x3d: {  	_ =	shalt  }
0x3e: {  	_ =	shalt  }
0x3f: {  	_ =	shalt  }
0x40: {  	_ =	shalt  }
0x41: {  	_ =	shalt  }
0x42: {  	_ =	shalt  }
0x43: {  	_ =	shalt  }
0x44: {  	_ =	shalt  }
0x45: {  	_ =	shalt  }
0x46: {  	_ =	shalt  }
0x47: {  	_ =	shalt  }
0x48: {  	_ =	shalt  }
0x49: {  	_ =	shalt  }
0x4a: {  	_ =	shalt  }
0x4b: {  	_ =	shalt  }
0x4c: {  	_ =	shalt  }
0x4d: {  	_ =	shalt  }
0x4e: {  	_ =	shalt  }
0x4f: {  	_ =	shalt  }
0x50: {  	_ =	shalt  }
0x51: {  	_ =	shalt  }
0x52: {  	_ =	shalt  }
0x53: {  	_ =	shalt  }
0x54: {  	_ =	shalt  }
0x55: {  	_ =	shalt  }
0x56: {  	_ =	shalt  }
0x57: {  	_ =	shalt  }
0x58: {  	_ =	shalt  }
0x59: {  	_ =	shalt  }
0x5a: {  	_ =	shalt  }
0x5b: {  	_ =	shalt  }
0x5c: {  	_ =	shalt  }
0x5d: {  	_ =	shalt  }
0x5e: {  	_ =	shalt  }
0x5f: {  	_ =	shalt  }
0x60: {  	_ =	shalt  }
0x61: {  	_ =	shalt  }
0x62: {  	_ =	shalt  }
0x63: {  	_ =	shalt  }
0x64: {  	_ =	shalt  }
0x65: {  	_ =	shalt  }
0x66: {  	_ =	shalt  }
0x67: {  	_ =	shalt  }
0x68: {  	_ =	shalt  }
0x69: {  	_ =	shalt  }
0x6a: {  	_ =	shalt  }
0x6b: {  	_ =	shalt  }
0x6c: {  	_ =	shalt  }
0x6d: {  	_ =	shalt  }
0x6e: {  	_ =	shalt  }
0x6f: {  	_ =	shalt  }
0x70: {  	_ =	shalt  }
0x71: {  	_ =	shalt  }
0x72: {  	_ =	shalt  }
0x73: {  	_ =	shalt  }
0x74: {  	_ =	shalt  }
0x75: {  	_ =	shalt  }
0x76: {  	_ =	shalt  }
0x77: {  	_ =	shalt  }
0x78: {  	_ =	shalt  }
0x79: {  	_ =	shalt  }
0x7a: {  	_ =	shalt  }
0x7b: {  	_ =	shalt  }
0x7c: {  	_ =	shalt  }
0x7d: {  	_ =	shalt  }
0x7e: {  	_ =	shalt  }
0x7f: {  	_ =	shalt  }
0x80: {  	_ =	shalt  }
0x81: {  	_ =	shalt  }
0x82: {  	_ =	shalt  }
0x83: {  	_ =	shalt  }
0x84: {  	_ =	shalt  }
0x85: {  	_ =	shalt  }
0x86: {  	_ =	shalt  }
0x87: {  	_ =	shalt  }
.Lfunc_end0:
.L_simem_size_0:
called_computation_lowered:
.L_overlay_start_0:
0x88: {  	s2 =	sld [smem:$0x3FD9]  }
0x89: {  	s3 =	sld [smem:$0x3FFE];
	_ =	sdelay $0x1  }
0x8a: {  	s1 =	srdreg.scid  }
0x8b: {  	s0 =	sand.u32 $0x1, s1  }
0x8c: {  	s17 =	sshll.u32 s0, $0xA;
	s2 =	sadd.s32 s3, s2  }
0x8d: {  	s2 =	sadd.s32 s2, s17  }
0x8e: {  	[smem:$0x3FC2] =	sst s2  }
0x8f: {  	_ = 	snop  }
0x90: {  	s2 =	sld [smem:$0x3FD0];
	(tm) =	ssettm $0x1  }
0x91: {  	s18 =	sld [smem:$0x3FFB];
	_ =	sdelay $0x3  }
0x92: {  	_ =	strace s18  }
0x93: {  	s3 =	sld [smem:$0x3FFC];
	_ =	sdelay $0x3  }
0x94: {  	_ =	strace s3  }
0x95: {  	s3 =	sld [smem:$0x3FFD];
	_ =	sdelay $0x3  }
0x96: {  	_ =	strace s3  }
0x97: {  	_ =	strace $0x8FFFFFFF  }
0x98: {  	s19 =	sld [smem:$0x3FDB];
	_ =	sdelay $0x1  }
0x99: {  	s4 =	simm.s32 $_scs_section_size  }
0x9a: {  	s5 =	simm.s32 $_size__tile_overlayer_lowered;
	s6 =	simm.s32 $_tile_overlayer_lowered  }
0x9b: {  	s22 =	simm.s32 $0x1BFF;
	s21 =	sshll.u32 s6, $0x1;
	s3 =	sadd.s32 s4, s19  }
0x9c: {  	s7 =	simm.s32 $0x0;
	s20 =	sshll.u32 s5, $0x1;
	s5 =	sadd.s32 s21, s3  }
0x9d: {  	[timem:s7], [sflag:s22] =	dma.local [hbm:s5], s20  }
0x9e: {  	_ =	swait.ge [sflag:s22], s20  }
0x9f: {  	s4 =	ssub.s32 $0x0, s20;
	[sflag:s22] =	ssyncset.done $0x0  }
0xa0: {  	[sflag:s22] =	ssyncadd.s32 s4;
	_ =	sdelay $0x1  }
0xa1: {  	s23 =	simm.s32 $0x1B8B  }
0xa2: {  	_ =	swait.ge [sflag:s23], $0x1  }
0xa3: {  	[sflag:s23] =	ssyncset.done $0x0  }
0xa4: {  	s25 =	simm.s32 $0x1B8E;
	s24 =	sld [smem:$0x3FFE];
	[sflag:s23] =	ssyncadd.s32 $0xFFFFFFFF  }
0xa5: {  	s26 =	simm.s32 $execute0_lowered;
	[smem:$0x3FD2] =	sst s25  }
0xa6: {  	s5 =	sshll.u32 s26, $0x1;
	_ =	strace $0x80000046;
	[dreg:$0x1] =	wrdreg $0xFFFFFFFF  }
0xa7: {  	s28 =	simm.s32 $_size_execute0_lowered;
	s3 =	sadd.s32 s3, s5;
	[dreg:$0x0] =	wrdreg $0x0  }
0xa8: {  	s5 =	sshll.u32 s28, $0x1;
	[dreg:$0x2] =	wrdreg s3  }
0xa9: {  	[dreg:$0x3] =	wrdreg s5  }
0xaa: {  	[dreg:$0x4] =	wrdreg $0xC0  }
0xab: {  	_ =	task [dreg:s7], $0x5FFFF  }
0xac: {  	[dreg:$0x1] =	wrdreg $0xFFFFFFFF  }
0xad: {  	[dreg:$0x0] =	wrdreg $0x60  }
0xae: {  	[dreg:$0x2] =	wrdreg s24  }
0xaf: {  	[dreg:$0x3] =	wrdreg s2  }
0xb0: {  	[dreg:$0x4] =	wrdreg $0x2B000  }
0xb1: {  	[dreg:$0x5] =	wrdreg $0x9  }
0xb2: {  	_ =	task.clear_ibuf [dreg:s7], $0x6FFFF;
	_ =	strace $0x90000046  }
0xb3: {  	s29 =	simm.s32 $0x9;
	_ =	strace $0x80000048  }
0xb4: {  	_ =	swait.ge [sflag:s29], $0x1  }
0xb5: {  	[sflag:s29] =	ssyncadd.s32 $0xFFFFFFFF  }
0xb6: {  	_ =	strace $0x90000048  }
0xb7: {  	_ =	sfence  }
0xb8: {  	s30 =	sld [smem:$0x0];
	_ =	sdelay $0x2  }
0xb9: {  	s31 =	sshll.u32 s1, $0xD;
	s1 =	sshrl.u32 s1, $0x2  }
0xba: {  	s3 =	sand.u32 $0x4000, s31;
	s1 =	sadd.s32 s1, s30  }
0xbb: {  	s0 =	sor.u32 s3, s0;
	s1 =	sshll.u32 s1, $0x11  }
0xbc: {  	s0 =	sor.u32 s1, s0  }
0xbd: {  	s0 =	sadd.s32 $0x8F2B, s0  }
0xbe: {  	[sflag:s0] =	ssyncadd.remote.s32 $0x1  }
0xbf: {  	_ =	sfence.sel $0xFFFF  }
0xc0: {  	[dreg:$0x0] =	wrdreg $0xFFFFFFFF;
	(pc) =	sbr.abs _section_cstart, $3  }
0xc1: {  	[dreg:$0x1] =	wrdreg $0xFFFFFFFF  }
0xc2: {  	_ =	task.clear_ibuf [dreg:s7], $0x2FFFF;
	_ =	strace $0x9FFFFFFF  }
0xc3: {  	(tm) =	ssettm $0x7FFFFFFF  }
tec
execute0_lowered:
.L_overlay_start_1:
0x0: {  	(tag) =	ssettag $0x1  }
0x1: {  	s5 =	rddreg [dreg:$0x0]  }
0x2: {  	s6 =	rddreg [dreg:$0x1]  }
0x3: {  	s0 =	srdreg.scid;
	s2 =	rddreg [dreg:$0x2]  }
0x4: {  	s3 =	simm.s32 $0x0;
	s10 =	simm.s32 $0x7D;
	s11 =	simm.s32 $0x2A80  }
0x5: {  	s12 =	simm.s32 $0x1;
	s4 =	sand.u32 $0x1, s0;
	s0 =	stileid.u32  }
0x6: {  	s15 =	simm.s32 $0x0;
	[smem:$0x7FF] =	sst s3;
	s8 =	smul.u32 $0x280, s0  }
0x7: {  	s1 =	sshll.u32 s4, $0x4;
	s9 =	smul.u32 $0x2800, s4;
	s4 =	ssub.s32 $0x2, s4  }
0x8: {  	s13 =	sshll.u32 s0, $0x6;
	s1 =	sor.u32 s0, s1;
	s30 =	sshrl.u32 s4, $0x1  }
0x9: {  	s13 =	sor.u32 $0x1C02, s13;
	s7 =	smul.u32 $0x500, s1;
	s9 =	sadd.s32 s8, s9  }
0xa: {  	s1 =	rddreg [dreg:$0x3];
	_ =	strace $0x80000047;
	s31 =	sshrl.u32 s9, $0x3  }
0xb: {  	s9 =	simm.s32 $0x2;
	s5 =	sadd.s32 s7, s5;
	s7 =	ssub.s32 s4, s30  }
0xc: {  	s4 =	sadd.s32 s8, s2;
	s6 =	sadd.s32 s6, s31;
	s8 =	simm.s32 $0x2800  }
0xd: {  	v0 =	vimm.f32 $0.0e+00;
	v1 =	vimm.f32 $1.000000000e+00;
	s5 =	sadd.s32 $0x1600, s5;
	s7 =	smax.u32 s7, $0x1;
	s14 =	sshrl.u32 s4, $0x3  }
.LBB2_1:
0xe: {  	[tilespmem:$0x2800] =	vst v0  }
0xf: {  	[tilespmem:$0x2810] =	vst v0  }
0x10: {  	[tilespmem:$0x2820] =	vst v0  }
0x11: {  	[tilespmem:$0x2830] =	vst v0  }
0x12: {  	[tilespmem:$0x2840] =	vst v0  }
0x13: {  	[tilespmem:$0x2850] =	vst v0  }
0x14: {  	[tilespmem:$0x2860] =	vst v0  }
0x15: {  	[tilespmem:$0x2870] =	vst v0  }
0x16: {  	[tilespmem:$0x2880] =	vst v0  }
0x17: {  	[tilespmem:$0x2890] =	vst v0  }
0x18: {  	[tilespmem:$0x28A0] =	vst v0  }
0x19: {  	[tilespmem:$0x28B0] =	vst v0  }
0x1a: {  	[tilespmem:$0x28C0] =	vst v0  }
0x1b: {  	[tilespmem:$0x28D0] =	vst v0  }
0x1c: {  	[tilespmem:$0x28E0] =	vst v0  }
0x1d: {  	[tilespmem:$0x28F0] =	vst v0  }
0x1e: {  	[tilespmem:$0x2900] =	vst v0  }
0x1f: {  	[tilespmem:$0x2910] =	vst v0  }
0x20: {  	[tilespmem:$0x2920] =	vst v0  }
0x21: {  	[tilespmem:$0x2930] =	vst v0  }
0x22: {  	[tilespmem:$0x2940] =	vst v0  }
0x23: {  	[tilespmem:$0x2950] =	vst v0  }
0x24: {  	[tilespmem:$0x2960] =	vst v0  }
0x25: {  	[tilespmem:$0x2970] =	vst v0  }
0x26: {  	[tilespmem:$0x2980] =	vst v0  }
0x27: {  	[tilespmem:$0x2990] =	vst v0  }
0x28: {  	[tilespmem:$0x29A0] =	vst v0  }
0x29: {  	[tilespmem:$0x29B0] =	vst v0  }
0x2a: {  	[tilespmem:$0x29C0] =	vst v0  }
0x2b: {  	[tilespmem:$0x29D0] =	vst v0  }
0x2c: {  	[tilespmem:$0x29E0] =	vst v0  }
0x2d: {  	[tilespmem:$0x29F0] =	vst v0  }
0x2e: {  	[tilespmem:$0x2A00] =	vst v0  }
0x2f: {  	[tilespmem:$0x2A10] =	vst v0  }
0x30: {  	[tilespmem:$0x2A20] =	vst v0  }
0x31: {  	[tilespmem:$0x2A30] =	vst v0  }
0x32: {  	[tilespmem:$0x2A40] =	vst v0  }
0x33: {  	[tilespmem:$0x2A50] =	vst v0  }
0x34: {  	[tilespmem:$0x2A60] =	vst v0  }
0x35: {  	[tilespmem:$0x2A70] =	vst v0  }
0x36: {  	[tilespmem:$0x2A80] =	vst v1  }
0x37: {  	[tilespmem:$0x2A90] =	vst v1  }
0x38: {  	[tilespmem:$0x2AA0] =	vst v1  }
0x39: {  	[tilespmem:$0x2AB0] =	vst v1  }
0x3a: {  	[tilespmem:$0x2AC0] =	vst v1  }
0x3b: {  	[tilespmem:$0x2AD0] =	vst v1  }
0x3c: {  	[tilespmem:$0x2AE0] =	vst v1  }
0x3d: {  	[tilespmem:$0x2AF0] =	vst v1  }
0x3e: {  	[spmem:s4] =	stream.linear.scatter [tilespmem:s8], [sflag:$0x2], $0x280, $0x38;
	[tilespmem:$0x2D80] =	vst v63  }
0x3f: {  	_ =	swait.ge [sflag:s9], $0x280  }
0x40: {  	[sflag:s9] =	ssyncset.done $0x0  }
0x41: {  	[sflag:s9] =	ssyncadd.s32 $0xFFFFFD80  }
0x42: {  	[tilespmem:s3], [sflag:$0x2] =	stream.linear.gather [hbm4b:s5+s3], $0x2800, $0x38;
	[tilespmem:$0x2D80] =	vst v63  }
0x43: {  	_ =	swait.ge [sflag:s9], $0x2800  }
0x44: {  	[sflag:s9] =	ssyncset.done $0x0  }
0x45: {  	[sflag:s9] =	ssyncadd.s32 $0xFFFFD800  }
0x46: {  	s16 =	simm.s32 $0x0;
	[bflag:$0x0] =	sbarrier.arrive $0xFFFF  }
.LBB2_2:
0x47: {  	p0 =	sne.s32 s16, $0x9E00  }
.Ltmp0:
0x48: {  	_ = 	snop;
	(pc) =	sbr.rel @p0 .LBB2_2-.Ltmp0, $3  }
0x49: {  	_ =	sdelay $0x1  }
0x4a: {  	s17 =	sshra.s32 s16, $0x2;
	s16 =	sadd.s32 $0x200, s16  }
0x4b: {  	[spmem:s2] =	stream.indirect.scatter.add.f32 [tilespmem:s11], [sflag:$0x1], $0x1, s17, s10, $0xb8;
	[tilespmem:$0x2D80] =	vst v63  }
0x4c: {  	_ =	swait.ge [sflag:s12], $0x7D  }
0x4d: {  	s16 =	simm.s32 $0x4F;
	[sflag:s12] =	ssyncset.done $0x0  }
.LBB2_4:
0x4e: {  	p0 =	sne.s32 s16, $0x1;
	s16 =	sadd.s32 $0xFFFFFFFF, s16;
	[sflag:s12] =	ssyncadd.s32 $0xFFFFFF83  }
.Ltmp1:
0x4f: {  	(pc) =	sbr.rel @p0 .LBB2_4-.Ltmp1, $3  }
0x50: {  	_ =	sdelay $0x1  }
0x51: {  	_ =	swait.ge [sflag:s12], $0x7D  }
0x52: {  	[sflag:s12] =	ssyncset.done $0x0  }
0x53: {  	s15 =	sadd.s32 $0x1, s15  }
0x54: {  	[sflag:s12] =	ssyncadd.s32 $0xFFFFFF83;
	p0 =	sne.s32 s15, s7  }
.Ltmp2:
0x55: {  	[bflag:$0x0] =	sbarrier.arrive $0xFFFF;
	(pc) =	sbr.rel @p0 .LBB2_1-.Ltmp2, $4  }
0x56: {  	[hbm:s6], [sflag:s13] =	dma.local [spmem:s14], $0x50  }
0x57: {  	_ =	swait.ge [sflag:s9], $0x50  }
0x58: {  	[sflag:s9] =	ssyncset.done $0x0  }
0x59: {  	[sflag:s9] =	ssyncadd.s32 $0xFFFFFFB0  }
0x5a: {  	_ =	sfence.sel $0x180000  }
0x5b: {  	[bflag:$0x0] =	sbarrier.arrive $0xFFFF  }
0x5c: {  	p0 =	sne.s32 s0, $0x0;
	_ =	strace $0x90000047  }
0x5d: {  	s0 =	sadd.s32 @!p0 $0x100000, s1;
	[bflag:$0x2] =	sbarrier.arrive $0xFFFF  }
0x5e: {  	[sflag:s0] =	ssyncadd.tile.s32 @!p0 $0x1;
	_ =	shalt  }
.Lfunc_end2:
_tile_overlayer_lowered:
.L_overlay_start_2:
0x5f: {  	(tag) =	ssettag $0x2  }
0x60: {  	s0 =	rddreg [dreg:$0x0];
	s2 =	stileid.u32  }
0x61: {  	s1 =	rddreg [dreg:$0x1];
	p0 =	sne.s32 s2, $0x0  }
0x62: {  	s3 =	rddreg [dreg:$0x2];
	[bflag:$0x3] =	sbarrier.arrive $0xFFFF;
	s2 =	simm.s32 @!p0 $0x1C02  }
0x63: {  	[timem:s3], [sflag:s2] =	dma.local @!p0 [hbm:s0], s1  }
0x64: {  	s0 =	simm.s32 @!p0 $0x2  }
0x65: {  	_ =	swait.ge @!p0 [sflag:s0], s1  }
0x66: {  	s1 =	ssub.s32 @!p0 $0x0, s1;
	[sflag:s0] =	ssyncset.done @!p0 $0x0  }
0x67: {  	[sflag:s0] =	ssyncadd.s32 @!p0 s1  }
0x68: {  	[bflag:$0x3] =	sbarrier.arrive $0xFFFF  }
0x69: {  	_ =	shalt  }

</sc_bundles>
